<compile_context>
chip_gen: v7x
topology: tpu7x:2x2x1
jax: 0.10.2.dev20260603
libtpu: 0.0.44.dev20260713+nightly
codegen_flags: <defaults>
</compile_context>

<pallas_src>
import functools

import jax
import jax.numpy as jnp
from jax import lax
from jax.experimental import pallas as pl
from jax.experimental.pallas import tpu as pltpu
from jax.experimental.pallas import tpu_sc as plsc

N_SP = 1024
KNN = 8
ROWS = 1024
NW = 32
CHUNK = 1568
NPAD = NW * CHUNK
NGRP = CHUNK // 16


def _table_body(spt_ref, sdr_ref, sdt_ref, rad_ref, tbl_ref):
    sx = spt_ref[0:1, :]
    sy = spt_ref[1:2, :]
    sz = spt_ref[2:3, :]
    wx = sdr_ref[0:1, :]
    wy = sdr_ref[1:2, :]
    wz = sdr_ref[2:3, :]
    tx = sdt_ref[0:1, :]
    ty = sdt_ref[1:2, :]
    tz = sdt_ref[2:3, :]
    rad = rad_ref[...]

    th2 = wx * wx + wy * wy + wz * wz
    th = jnp.sqrt(th2)
    small = th < 1e-6
    safe = jnp.where(small, 1.0, th)
    inv = 1.0 / safe
    kx = wx * inv
    ky = wy * inv
    kz = wz * inv
    ct = jnp.cos(th)
    st = jnp.sin(th)
    omc = 1.0 - ct
    a00 = jnp.where(small, 1.0, ct + omc * kx * kx)
    a01 = jnp.where(small, -wz, omc * kx * ky - st * kz)
    a02 = jnp.where(small, wy, omc * kx * kz + st * ky)
    a10 = jnp.where(small, wz, omc * ky * kx + st * kz)
    a11 = jnp.where(small, 1.0, ct + omc * ky * ky)
    a12 = jnp.where(small, -wx, omc * ky * kz - st * kx)
    a20 = jnp.where(small, -wy, omc * kz * kx - st * ky)
    a21 = jnp.where(small, wx, omc * kz * ky + st * kx)
    a22 = jnp.where(small, 1.0, ct + omc * kz * kz)
    bx = sx - (a00 * sx + a01 * sy + a02 * sz) + tx
    by = sy - (a10 * sx + a11 * sy + a12 * sz) + ty
    bz = sz - (a20 * sx + a21 * sy + a22 * sz) + tz
    s2 = sx * sx + sy * sy + sz * sz
    rinv2 = 1.0 / (rad * rad)
    zero = jnp.zeros_like(sx)
    rows = [a00, a01, a02, a10, a11, a12, a20, a21, a22,
            bx, by, bz, wx, wy, wz, zero, s2, rinv2,
            zero, zero, zero, zero, zero, zero]
    for i, v in enumerate(rows):
        tbl_ref[i:i + 1, :] = v


def _main_body(pts_ref, sp_ref, aux_ref, g_ref, nb_ref):
    Pt = pts_ref[...]
    sp = sp_ref[...]
    s2 = aux_ref[:, 0:1]
    rinv2 = aux_ref[:, 1:2]

    p2 = jnp.sum(Pt * Pt, axis=0, keepdims=True)
    sps = jax.lax.dot_general(sp, Pt, (((1,), (0,)), ((), ())),
                              preferred_element_type=jnp.float32)
    d2 = jnp.maximum(s2 + p2 - 2.0 * sps, 0.0)
    q = (d2 + 1e-12) * rinv2

    iota = jax.lax.broadcasted_iota(jnp.int32, q.shape, 0).astype(jnp.float32)
    BIG = jnp.float32(3.0e38)
    FBIG = jnp.float32(1e9)
    es = []
    q0 = None
    Z = None
    for k in range(KNN):
        m = jnp.min(q, axis=0, keepdims=True)
        idxf = jnp.min(jnp.where(q == m, iota, FBIG), axis=0,
                       keepdims=True)
        if k == 0:
            q0 = m
            e = jnp.ones_like(m)
            Z = e
        else:
            e = jnp.exp(2.0 * (q0 - m))
            Z = Z + e
        if k + 1 < KNN:
            onehot = iota == idxf
            q = jnp.where(onehot, BIG, q)
        nb_ref[k:k + 1, :] = idxf.astype(jnp.int32)
        es.append(e)
    zinv = 1.0 / Z
    for k in range(KNN):
        g_ref[k:k + 1, :] = es[k] * zinv


def _sc_combine(pts_hbm, nb_hbm, g_hbm, tbl_hbm, oxyz_hbm, odr_hbm,
                pts_v, nb_v, g_v, tbl_v, ox_v, or_v, sem):
    c = lax.axis_index("c")
    s = lax.axis_index("s")
    wid = s * 2 + c
    base = wid * CHUNK
    copies = []
    for p in range(3):
        copies.append(pltpu.async_copy(
            pts_hbm.at[pl.ds(p * NPAD + base, CHUNK)],
            pts_v.at[pl.ds(p * CHUNK, CHUNK)], sem))
    for k in range(KNN):
        copies.append(pltpu.async_copy(
            nb_hbm.at[pl.ds(k * NPAD + base, CHUNK)],
            nb_v.at[pl.ds(k * CHUNK, CHUNK)], sem))
        copies.append(pltpu.async_copy(
            g_hbm.at[pl.ds(k * NPAD + base, CHUNK)],
            g_v.at[pl.ds(k * CHUNK, CHUNK)], sem))
    copies.append(pltpu.async_copy(tbl_hbm, tbl_v, sem))
    for cp in copies:
        cp.wait()

    def group(gi, carry):
        for u in range(2):
            b = (gi * 2 + u) * 16
            accs = [jnp.zeros((16,), jnp.float32) for _ in range(15)]
            for k in range(KNN):
                nk = nb_v[pl.ds(k * CHUNK + b, 16)]
                gk = g_v[pl.ds(k * CHUNK + b, 16)]
                row = nk * 16
                for j in range(15):
                    accs[j] = accs[j] + gk * plsc.load_gather(tbl_v, [row + j])
            px = pts_v[pl.ds(b, 16)]
            py = pts_v[pl.ds(CHUNK + b, 16)]
            pz = pts_v[pl.ds(2 * CHUNK + b, 16)]
            ox_v[pl.ds(b, 16)] = accs[0] * px + accs[1] * py + accs[2] * pz + accs[9]
            ox_v[pl.ds(CHUNK + b, 16)] = accs[3] * px + accs[4] * py + accs[5] * pz + accs[10]
            ox_v[pl.ds(2 * CHUNK + b, 16)] = accs[6] * px + accs[7] * py + accs[8] * pz + accs[11]
            or_v[pl.ds(b, 16)] = accs[12]
            or_v[pl.ds(CHUNK + b, 16)] = accs[13]
            or_v[pl.ds(2 * CHUNK + b, 16)] = accs[14]
        return carry

    lax.fori_loop(0, NGRP // 2, group, 0)

    for p in range(3):
        pltpu.sync_copy(ox_v.at[pl.ds(p * CHUNK, CHUNK)],
                        oxyz_hbm.at[pl.ds(p * NPAD + base, CHUNK)])
        pltpu.sync_copy(or_v.at[pl.ds(p * CHUNK, CHUNK)],
                        odr_hbm.at[pl.ds(p * NPAD + base, CHUNK)])


_sc_combine_call = functools.partial(
    pl.kernel,
    mesh=plsc.VectorSubcoreMesh(core_axis_name="c", subcore_axis_name="s"),
    compiler_params=pltpu.CompilerParams(needs_layout_passes=False),
    out_type=[
        jax.ShapeDtypeStruct((3 * NPAD,), jnp.float32),
        jax.ShapeDtypeStruct((3 * NPAD,), jnp.float32),
    ],
    scratch_types=[
        pltpu.VMEM((3 * CHUNK,), jnp.float32),
        pltpu.VMEM((KNN * CHUNK,), jnp.int32),
        pltpu.VMEM((KNN * CHUNK,), jnp.float32),
        pltpu.VMEM((N_SP * 16,), jnp.float32),
        pltpu.VMEM((3 * CHUNK,), jnp.float32),
        pltpu.VMEM((3 * CHUNK,), jnp.float32),
        pltpu.SemaphoreType.DMA,
    ],
)(_sc_combine)


def _tc_topk(pts_t, sp_xyz, aux):
    n = pts_t.shape[1]
    nblocks = (n + ROWS - 1) // ROWS
    return pl.pallas_call(
        _main_body,
        grid=(nblocks,),
        in_specs=[
            pl.BlockSpec((3, ROWS), lambda i: (0, i)),
            pl.BlockSpec((N_SP, 3), lambda i: (0, 0)),
            pl.BlockSpec((N_SP, 2), lambda i: (0, 0)),
        ],
        out_specs=[
            pl.BlockSpec((KNN, ROWS), lambda i: (0, i)),
            pl.BlockSpec((KNN, ROWS), lambda i: (0, i)),
        ],
        out_shape=[
            jax.ShapeDtypeStruct((KNN, n), jnp.float32),
            jax.ShapeDtypeStruct((KNN, n), jnp.int32),
        ],
        compiler_params=pltpu.CompilerParams(
            dimension_semantics=("arbitrary",),
        ),
    )(pts_t, sp_xyz, aux)


@jax.jit
def kernel(points, sp_delta_t, sp_delta_r, sp_xyz, radius):
    n = points.shape[0]
    spt = sp_xyz.T
    sdr = sp_delta_r.T
    sdt = sp_delta_t.T
    rad2 = radius.reshape(1, N_SP)

    tbl = pl.pallas_call(
        _table_body,
        out_shape=jax.ShapeDtypeStruct((24, N_SP), jnp.float32),
    )(spt, sdr, sdt, rad2)

    pts_t = points.T
    aux = tbl[16:18, :].T
    tbl_rows = tbl[0:16, :].T.reshape(-1)

    g_t, nb_t = _tc_topk(pts_t, sp_xyz, aux)

    pad = NPAD - n
    pts_flat = jnp.pad(pts_t, ((0, 0), (0, pad))).reshape(-1)
    nb_flat = jnp.pad(nb_t, ((0, 0), (0, pad))).reshape(-1)
    g_flat = jnp.pad(g_t, ((0, 0), (0, pad))).reshape(-1)

    oxyz_t, odr_t = _sc_combine_call(pts_flat, nb_flat, g_flat, tbl_rows)
    dxyz = oxyz_t.reshape(3, NPAD)[:, :n].T
    dr = odr_t.reshape(3, NPAD)[:, :n].T
    return (dxyz, dr, g_t.T, nb_t.T)

# --- scband reference (transcript-rebuilt; emitter-appended) ---
"""Pipeline reference for scband-sc-gs-model-15315853378121 (READ-ONLY COPY).

The authoritative reference and input builder live on the scoring server;
editing this copy changes nothing except your own understanding.
"""

import jax, jax.numpy as jnp
import numpy as np

NUM_POINTS = 50000
NUM_SP = 1024
NUM_KNN = 8


def setup_inputs(seed: int = 0) -> dict:
    key = jax.random.key(seed)
    k1, k2, k3, k4 = jax.random.split(key, 4)
    points = jax.random.normal(k1, (NUM_POINTS, 3), dtype=jnp.float32)
    sp_delta_t = jax.random.normal(k2, (NUM_SP, 3), dtype=jnp.float32)
    sp_delta_r = jax.random.normal(k3, (NUM_SP, 3), dtype=jnp.float32)
    # learned parameters of the module
    sp_xyz = jax.random.normal(k4, (NUM_SP, 3), dtype=jnp.float32)
    radius = jnp.ones((NUM_SP,), dtype=jnp.float32)
    return {"points": points, "sp_delta_t": sp_delta_t, "sp_delta_r": sp_delta_r,
            "sp_xyz": sp_xyz, "radius": radius}


def _so3_exp_act(omega, v):
    # Rodrigues' rotation: exp(omega) applied to v, omega/v shape [..., 3]
    theta = jnp.linalg.norm(omega, axis=-1, keepdims=True)
    small = theta < 1e-6
    safe_theta = jnp.where(small, jnp.ones_like(theta), theta)
    k = omega / safe_theta
    ct = jnp.cos(theta)
    st = jnp.sin(theta)
    kxv = jnp.cross(k, v)
    kdv = jnp.sum(k * v, axis=-1, keepdims=True)
    rotated = v * ct + kxv * st + k * kdv * (1.0 - ct)
    # first-order fallback for tiny angles
    approx = v + jnp.cross(omega, v)
    return jnp.where(small, approx, rotated)


def _calc_lbs_weights(points, sp_xyz, radius, num_knn):
    p2 = jnp.sum(points * points, axis=-1, keepdims=True)
    s2 = jnp.sum(sp_xyz * sp_xyz, axis=-1)[None, :]
    d2 = jnp.maximum(p2 + s2 - 2.0 * (points @ sp_xyz.T), 0.0)
    dist = jnp.sqrt(d2 + 1e-12) / radius[None, :]
    _, neighbor = jax.lax.top_k(-dist, num_knn)  # k smallest distances
    G = jnp.take_along_axis(dist, neighbor, axis=1)
    G = jax.nn.softmax(-2.0 * jnp.square(G), axis=-1)
    return G, neighbor


def reference(points, sp_delta_t, sp_delta_r, sp_xyz, radius):
    G, neighbor = _calc_lbs_weights(points, sp_xyz, radius, NUM_KNN)
    sp_xyz_n = sp_xyz[neighbor]            # [N, K, 3]
    omega = sp_delta_r[neighbor]           # [N, K, 3]
    v = points[:, None, :] - sp_xyz_n
    delta_t = _so3_exp_act(omega, v)
    delta_t = delta_t + sp_xyz_n + sp_delta_t[neighbor]
    delta_xyz = jnp.sum(G[:, :, None] * delta_t, axis=1)
    delta_r = jnp.sum(G[:, :, None] * omega, axis=1)
    return (delta_xyz, delta_r, G, neighbor)

if __name__ == "__main__":
    import jax
    _d = setup_inputs()
    print(jax.jit(kernel)(*tuple(_d.values())))

</pallas_src>

<mosaic_0001>
#map = affine_map<(d0, d1) -> (0)>
module attributes {stable_mosaic.version = 14 : i64} {
  func.func @_sc_combine(%arg0: i32, %arg1: i32, %arg2: memref<150528xf32, #tpu.memory_space<hbm>>, %arg3: memref<401408xi32, #tpu.memory_space<hbm>>, %arg4: memref<401408xf32, #tpu.memory_space<hbm>>, %arg5: memref<16384xf32, #tpu.memory_space<hbm>>, %arg6: memref<150528xf32, #tpu.memory_space<hbm>>, %arg7: memref<150528xf32, #tpu.memory_space<hbm>>, %arg8: memref<4704xf32, #tpu.memory_space<vmem>>, %arg9: memref<12544xi32, #tpu.memory_space<vmem>>, %arg10: memref<12544xf32, #tpu.memory_space<vmem>>, %arg11: memref<16384xf32, #tpu.memory_space<vmem>>, %arg12: memref<4704xf32, #tpu.memory_space<vmem>>, %arg13: memref<4704xf32, #tpu.memory_space<vmem>>, %arg14: memref<!tpu.dma_semaphore, #tpu.memory_space<semaphore_mem>>) attributes {dimension_semantics = [#tpu.dimension_semantics<core_parallel>, #tpu.dimension_semantics<subcore_parallel>], iteration_bounds = array<i64: 2, 16>, scalar_prefetch = 0 : i64, scratch_operands = 7 : i64, tpu.core_type = #tpu.core_type<sc_vector_subcore>, window_params = [{transform_indices = #map}, {transform_indices = #map}, {transform_indices = #map}, {transform_indices = #map}, {transform_indices = #map}, {transform_indices = #map}]} {
    %mul3A = arith.constant 2 : i32
    %mul3A_0 = arith.muli %arg1, %mul3A : i32
    %add3A = arith.addi %mul3A_0, %arg0 : i32
    %mul3A_1 = arith.constant 1568 : i32
    %mul3A_2 = arith.muli %add3A, %mul3A_1 : i32
    %add3A_3 = arith.constant 0 : i32
    %add3A_4 = arith.addi %add3A_3, %mul3A_2 : i32
    %dma_start3A = arith.constant 0 : i32
    %dma_start3A_5 = tpu.memref_slice %arg8[%dma_start3A] : memref<4704xf32, #tpu.memory_space<vmem>> -> memref<1568xf32, #tpu.memory_space<vmem>>
    %dma_start3A_6 = tpu.memref_slice %arg2[%add3A_4] : memref<150528xf32, #tpu.memory_space<hbm>> -> memref<1568xf32, #tpu.memory_space<hbm>>
    %dma_start3A_7 = arith.constant 0 : i32
    %dma_start3A_8 = tpu.memref_slice %arg8[%dma_start3A_7] : memref<4704xf32, #tpu.memory_space<vmem>> -> memref<1568xf32, #tpu.memory_space<vmem>>
    %dma_start3A_9 = tpu.memref_slice %arg2[%add3A_4] : memref<150528xf32, #tpu.memory_space<hbm>> -> memref<1568xf32, #tpu.memory_space<hbm>>
    tpu.enqueue_dma source(%dma_start3A_9 : memref<1568xf32, #tpu.memory_space<hbm>>) target(%dma_start3A_8 : memref<1568xf32, #tpu.memory_space<vmem>>) target_semaphore(%arg14 : memref<!tpu.dma_semaphore, #tpu.memory_space<semaphore_mem>>)
    %add3A_10 = arith.constant 50176 : i32
    %add3A_11 = arith.addi %add3A_10, %mul3A_2 : i32
    %dma_start3A_12 = arith.constant 1568 : i32
    %dma_start3A_13 = tpu.memref_slice %arg8[%dma_start3A_12] : memref<4704xf32, #tpu.memory_space<vmem>> -> memref<1568xf32, #tpu.memory_space<vmem>>
    %dma_start3A_14 = tpu.memref_slice %arg2[%add3A_11] : memref<150528xf32, #tpu.memory_space<hbm>> -> memref<1568xf32, #tpu.memory_space<hbm>>
    %dma_start3A_15 = arith.constant 1568 : i32
    %dma_start3A_16 = tpu.memref_slice %arg8[%dma_start3A_15] : memref<4704xf32, #tpu.memory_space<vmem>> -> memref<1568xf32, #tpu.memory_space<vmem>>
    %dma_start3A_17 = tpu.memref_slice %arg2[%add3A_11] : memref<150528xf32, #tpu.memory_space<hbm>> -> memref<1568xf32, #tpu.memory_space<hbm>>
    tpu.enqueue_dma source(%dma_start3A_17 : memref<1568xf32, #tpu.memory_space<hbm>>) target(%dma_start3A_16 : memref<1568xf32, #tpu.memory_space<vmem>>) target_semaphore(%arg14 : memref<!tpu.dma_semaphore, #tpu.memory_space<semaphore_mem>>)
    %add3A_18 = arith.constant 100352 : i32
    %add3A_19 = arith.addi %add3A_18, %mul3A_2 : i32
    %dma_start3A_20 = arith.constant 3136 : i32
    %dma_start3A_21 = tpu.memref_slice %arg8[%dma_start3A_20] : memref<4704xf32, #tpu.memory_space<vmem>> -> memref<1568xf32, #tpu.memory_space<vmem>>
    %dma_start3A_22 = tpu.memref_slice %arg2[%add3A_19] : memref<150528xf32, #tpu.memory_space<hbm>> -> memref<1568xf32, #tpu.memory_space<hbm>>
    %dma_start3A_23 = arith.constant 3136 : i32
    %dma_start3A_24 = tpu.memref_slice %arg8[%dma_start3A_23] : memref<4704xf32, #tpu.memory_space<vmem>> -> memref<1568xf32, #tpu.memory_space<vmem>>
    %dma_start3A_25 = tpu.memref_slice %arg2[%add3A_19] : memref<150528xf32, #tpu.memory_space<hbm>> -> memref<1568xf32, #tpu.memory_space<hbm>>
    tpu.enqueue_dma source(%dma_start3A_25 : memref<1568xf32, #tpu.memory_space<hbm>>) target(%dma_start3A_24 : memref<1568xf32, #tpu.memory_space<vmem>>) target_semaphore(%arg14 : memref<!tpu.dma_semaphore, #tpu.memory_space<semaphore_mem>>)
    %add3A_26 = arith.constant 0 : i32
    %add3A_27 = arith.addi %add3A_26, %mul3A_2 : i32
    %dma_start3A_28 = arith.constant 0 : i32
    %dma_start3A_29 = tpu.memref_slice %arg9[%dma_start3A_28] : memref<12544xi32, #tpu.memory_space<vmem>> -> memref<1568xi32, #tpu.memory_space<vmem>>
    %dma_start3A_30 = tpu.memref_slice %arg3[%add3A_27] : memref<401408xi32, #tpu.memory_space<hbm>> -> memref<1568xi32, #tpu.memory_space<hbm>>
    %dma_start3A_31 = arith.constant 0 : i32
    %dma_start3A_32 = tpu.memref_slice %arg9[%dma_start3A_31] : memref<12544xi32, #tpu.memory_space<vmem>> -> memref<1568xi32, #tpu.memory_space<vmem>>
    %dma_start3A_33 = tpu.memref_slice %arg3[%add3A_27] : memref<401408xi32, #tpu.memory_space<hbm>> -> memref<1568xi32, #tpu.memory_space<hbm>>
    tpu.enqueue_dma source(%dma_start3A_33 : memref<1568xi32, #tpu.memory_space<hbm>>) target(%dma_start3A_32 : memref<1568xi32, #tpu.memory_space<vmem>>) target_semaphore(%arg14 : memref<!tpu.dma_semaphore, #tpu.memory_space<semaphore_mem>>)
    %add3A_34 = arith.constant 0 : i32
    %add3A_35 = arith.addi %add3A_34, %mul3A_2 : i32
    %dma_start3A_36 = arith.constant 0 : i32
    %dma_start3A_37 = tpu.memref_slice %arg10[%dma_start3A_36] : memref<12544xf32, #tpu.memory_space<vmem>> -> memref<1568xf32, #tpu.memory_space<vmem>>
    %dma_start3A_38 = tpu.memref_slice %arg4[%add3A_35] : memref<401408xf32, #tpu.memory_space<hbm>> -> memref<1568xf32, #tpu.memory_space<hbm>>
    %dma_start3A_39 = arith.constant 0 : i32
    %dma_start3A_40 = tpu.memref_slice %arg10[%dma_start3A_39] : memref<12544xf32, #tpu.memory_space<vmem>> -> memref<1568xf32, #tpu.memory_space<vmem>>
    %dma_start3A_41 = tpu.memref_slice %arg4[%add3A_35] : memref<401408xf32, #tpu.memory_space<hbm>> -> memref<1568xf32, #tpu.memory_space<hbm>>
    tpu.enqueue_dma source(%dma_start3A_41 : memref<1568xf32, #tpu.memory_space<hbm>>) target(%dma_start3A_40 : memref<1568xf32, #tpu.memory_space<vmem>>) target_semaphore(%arg14 : memref<!tpu.dma_semaphore, #tpu.memory_space<semaphore_mem>>)
    %add3A_42 = arith.constant 50176 : i32
    %add3A_43 = arith.addi %add3A_42, %mul3A_2 : i32
    %dma_start3A_44 = arith.constant 1568 : i32
    %dma_start3A_45 = tpu.memref_slice %arg9[%dma_start3A_44] : memref<12544xi32, #tpu.memory_space<vmem>> -> memref<1568xi32, #tpu.memory_space<vmem>>
    %dma_start3A_46 = tpu.memref_slice %arg3[%add3A_43] : memref<401408xi32, #tpu.memory_space<hbm>> -> memref<1568xi32, #tpu.memory_space<hbm>>
    %dma_start3A_47 = arith.constant 1568 : i32
    %dma_start3A_48 = tpu.memref_slice %arg9[%dma_start3A_47] : memref<12544xi32, #tpu.memory_space<vmem>> -> memref<1568xi32, #tpu.memory_space<vmem>>
    %dma_start3A_49 = tpu.memref_slice %arg3[%add3A_43] : memref<401408xi32, #tpu.memory_space<hbm>> -> memref<1568xi32, #tpu.memory_space<hbm>>
    tpu.enqueue_dma source(%dma_start3A_49 : memref<1568xi32, #tpu.memory_space<hbm>>) target(%dma_start3A_48 : memref<1568xi32, #tpu.memory_space<vmem>>) target_semaphore(%arg14 : memref<!tpu.dma_semaphore, #tpu.memory_space<semaphore_mem>>)
    %add3A_50 = arith.constant 50176 : i32
    %add3A_51 = arith.addi %add3A_50, %mul3A_2 : i32
    %dma_start3A_52 = arith.constant 1568 : i32
    %dma_start3A_53 = tpu.memref_slice %arg10[%dma_start3A_52] : memref<12544xf32, #tpu.memory_space<vmem>> -> memref<1568xf32, #tpu.memory_space<vmem>>
    %dma_start3A_54 = tpu.memref_slice %arg4[%add3A_51] : memref<401408xf32, #tpu.memory_space<hbm>> -> memref<1568xf32, #tpu.memory_space<hbm>>
    %dma_start3A_55 = arith.constant 1568 : i32
    %dma_start3A_56 = tpu.memref_slice %arg10[%dma_start3A_55] : memref<12544xf32, #tpu.memory_space<vmem>> -> memref<1568xf32, #tpu.memory_space<vmem>>
    %dma_start3A_57 = tpu.memref_slice %arg4[%add3A_51] : memref<401408xf32, #tpu.memory_space<hbm>> -> memref<1568xf32, #tpu.memory_space<hbm>>
    tpu.enqueue_dma source(%dma_start3A_57 : memref<1568xf32, #tpu.memory_space<hbm>>) target(%dma_start3A_56 : memref<1568xf32, #tpu.memory_space<vmem>>) target_semaphore(%arg14 : memref<!tpu.dma_semaphore, #tpu.memory_space<semaphore_mem>>)
    %add3A_58 = arith.constant 100352 : i32
    %add3A_59 = arith.addi %add3A_58, %mul3A_2 : i32
    %dma_start3A_60 = arith.constant 3136 : i32
    %dma_start3A_61 = tpu.memref_slice %arg9[%dma_start3A_60] : memref<12544xi32, #tpu.memory_space<vmem>> -> memref<1568xi32, #tpu.memory_space<vmem>>
    %dma_start3A_62 = tpu.memref_slice %arg3[%add3A_59] : memref<401408xi32, #tpu.memory_space<hbm>> -> memref<1568xi32, #tpu.memory_space<hbm>>
    %dma_start3A_63 = arith.constant 3136 : i32
    %dma_start3A_64 = tpu.memref_slice %arg9[%dma_start3A_63] : memref<12544xi32, #tpu.memory_space<vmem>> -> memref<1568xi32, #tpu.memory_space<vmem>>
    %dma_start3A_65 = tpu.memref_slice %arg3[%add3A_59] : memref<401408xi32, #tpu.memory_space<hbm>> -> memref<1568xi32, #tpu.memory_space<hbm>>
    tpu.enqueue_dma source(%dma_start3A_65 : memref<1568xi32, #tpu.memory_space<hbm>>) target(%dma_start3A_64 : memref<1568xi32, #tpu.memory_space<vmem>>) target_semaphore(%arg14 : memref<!tpu.dma_semaphore, #tpu.memory_space<semaphore_mem>>)
    %add3A_66 = arith.constant 100352 : i32
    %add3A_67 = arith.addi %add3A_66, %mul3A_2 : i32
    %dma_start3A_68 = arith.constant 3136 : i32
    %dma_start3A_69 = tpu.memref_slice %arg10[%dma_start3A_68] : memref<12544xf32, #tpu.memory_space<vmem>> -> memref<1568xf32, #tpu.memory_space<vmem>>
    %dma_start3A_70 = tpu.memref_slice %arg4[%add3A_67] : memref<401408xf32, #tpu.memory_space<hbm>> -> memref<1568xf32, #tpu.memory_space<hbm>>
    %dma_start3A_71 = arith.constant 3136 : i32
    %dma_start3A_72 = tpu.memref_slice %arg10[%dma_start3A_71] : memref<12544xf32, #tpu.memory_space<vmem>> -> memref<1568xf32, #tpu.memory_space<vmem>>
    %dma_start3A_73 = tpu.memref_slice %arg4[%add3A_67] : memref<401408xf32, #tpu.memory_space<hbm>> -> memref<1568xf32, #tpu.memory_space<hbm>>
    tpu.enqueue_dma source(%dma_start3A_73 : memref<1568xf32, #tpu.memory_space<hbm>>) target(%dma_start3A_72 : memref<1568xf32, #tpu.memory_space<vmem>>) target_semaphore(%arg14 : memref<!tpu.dma_semaphore, #tpu.memory_space<semaphore_mem>>)
    %add3A_74 = arith.constant 150528 : i32
    %add3A_75 = arith.addi %add3A_74, %mul3A_2 : i32
    %dma_start3A_76 = arith.constant 4704 : i32
    %dma_start3A_77 = tpu.memref_slice %arg9[%dma_start3A_76] : memref<12544xi32, #tpu.memory_space<vmem>> -> memref<1568xi32, #tpu.memory_space<vmem>>
    %dma_start3A_78 = tpu.memref_slice %arg3[%add3A_75] : memref<401408xi32, #tpu.memory_space<hbm>> -> memref<1568xi32, #tpu.memory_space<hbm>>
    %dma_start3A_79 = arith.constant 4704 : i32
    %dma_start3A_80 = tpu.memref_slice %arg9[%dma_start3A_79] : memref<12544xi32, #tpu.memory_space<vmem>> -> memref<1568xi32, #tpu.memory_space<vmem>>
    %dma_start3A_81 = tpu.memref_slice %arg3[%add3A_75] : memref<401408xi32, #tpu.memory_space<hbm>> -> memref<1568xi32, #tpu.memory_space<hbm>>
    tpu.enqueue_dma source(%dma_start3A_81 : memref<1568xi32, #tpu.memory_space<hbm>>) target(%dma_start3A_80 : memref<1568xi32, #tpu.memory_space<vmem>>) target_semaphore(%arg14 : memref<!tpu.dma_semaphore, #tpu.memory_space<semaphore_mem>>)
    %add3A_82 = arith.constant 150528 : i32
    %add3A_83 = arith.addi %add3A_82, %mul3A_2 : i32
    %dma_start3A_84 = arith.constant 4704 : i32
    %dma_start3A_85 = tpu.memref_slice %arg10[%dma_start3A_84] : memref<12544xf32, #tpu.memory_space<vmem>> -> memref<1568xf32, #tpu.memory_space<vmem>>
    %dma_start3A_86 = tpu.memref_slice %arg4[%add3A_83] : memref<401408xf32, #tpu.memory_space<hbm>> -> memref<1568xf32, #tpu.memory_space<hbm>>
    %dma_start3A_87 = arith.constant 4704 : i32
    %dma_start3A_88 = tpu.memref_slice %arg10[%dma_start3A_87] : memref<12544xf32, #tpu.memory_space<vmem>> -> memref<1568xf32, #tpu.memory_space<vmem>>
    %dma_start3A_89 = tpu.memref_slice %arg4[%add3A_83] : memref<401408xf32, #tpu.memory_space<hbm>> -> memref<1568xf32, #tpu.memory_space<hbm>>
    tpu.enqueue_dma source(%dma_start3A_89 : memref<1568xf32, #tpu.memory_space<hbm>>) target(%dma_start3A_88 : memref<1568xf32, #tpu.memory_space<vmem>>) target_semaphore(%arg14 : memref<!tpu.dma_semaphore, #tpu.memory_space<semaphore_mem>>)
    %add3A_90 = arith.constant 200704 : i32
    %add3A_91 = arith.addi %add3A_90, %mul3A_2 : i32
    %dma_start3A_92 = arith.constant 6272 : i32
    %dma_start3A_93 = tpu.memref_slice %arg9[%dma_start3A_92] : memref<12544xi32, #tpu.memory_space<vmem>> -> memref<1568xi32, #tpu.memory_space<vmem>>
    %dma_start3A_94 = tpu.memref_slice %arg3[%add3A_91] : memref<401408xi32, #tpu.memory_space<hbm>> -> memref<1568xi32, #tpu.memory_space<hbm>>
    %dma_start3A_95 = arith.constant 6272 : i32
    %dma_start3A_96 = tpu.memref_slice %arg9[%dma_start3A_95] : memref<12544xi32, #tpu.memory_space<vmem>> -> memref<1568xi32, #tpu.memory_space<vmem>>
    %dma_start3A_97 = tpu.memref_slice %arg3[%add3A_91] : memref<401408xi32, #tpu.memory_space<hbm>> -> memref<1568xi32, #tpu.memory_space<hbm>>
    tpu.enqueue_dma source(%dma_start3A_97 : memref<1568xi32, #tpu.memory_space<hbm>>) target(%dma_start3A_96 : memref<1568xi32, #tpu.memory_space<vmem>>) target_semaphore(%arg14 : memref<!tpu.dma_semaphore, #tpu.memory_space<semaphore_mem>>)
    %add3A_98 = arith.constant 200704 : i32
    %add3A_99 = arith.addi %add3A_98, %mul3A_2 : i32
    %dma_start3A_100 = arith.constant 6272 : i32
    %dma_start3A_101 = tpu.memref_slice %arg10[%dma_start3A_100] : memref<12544xf32, #tpu.memory_space<vmem>> -> memref<1568xf32, #tpu.memory_space<vmem>>
    %dma_start3A_102 = tpu.memref_slice %arg4[%add3A_99] : memref<401408xf32, #tpu.memory_space<hbm>> -> memref<1568xf32, #tpu.memory_space<hbm>>
    %dma_start3A_103 = arith.constant 6272 : i32
    %dma_start3A_104 = tpu.memref_slice %arg10[%dma_start3A_103] : memref<12544xf32, #tpu.memory_space<vmem>> -> memref<1568xf32, #tpu.memory_space<vmem>>
    %dma_start3A_105 = tpu.memref_slice %arg4[%add3A_99] : memref<401408xf32, #tpu.memory_space<hbm>> -> memref<1568xf32, #tpu.memory_space<hbm>>
    tpu.enqueue_dma source(%dma_start3A_105 : memref<1568xf32, #tpu.memory_space<hbm>>) target(%dma_start3A_104 : memref<1568xf32, #tpu.memory_space<vmem>>) target_semaphore(%arg14 : memref<!tpu.dma_semaphore, #tpu.memory_space<semaphore_mem>>)
    %add3A_106 = arith.constant 250880 : i32
    %add3A_107 = arith.addi %add3A_106, %mul3A_2 : i32
    %dma_start3A_108 = arith.constant 7840 : i32
    %dma_start3A_109 = tpu.memref_slice %arg9[%dma_start3A_108] : memref<12544xi32, #tpu.memory_space<vmem>> -> memref<1568xi32, #tpu.memory_space<vmem>>
    %dma_start3A_110 = tpu.memref_slice %arg3[%add3A_107] : memref<401408xi32, #tpu.memory_space<hbm>> -> memref<1568xi32, #tpu.memory_space<hbm>>
    %dma_start3A_111 = arith.constant 7840 : i32
    %dma_start3A_112 = tpu.memref_slice %arg9[%dma_start3A_111] : memref<12544xi32, #tpu.memory_space<vmem>> -> memref<1568xi32, #tpu.memory_space<vmem>>
    %dma_start3A_113 = tpu.memref_slice %arg3[%add3A_107] : memref<401408xi32, #tpu.memory_space<hbm>> -> memref<1568xi32, #tpu.memory_space<hbm>>
    tpu.enqueue_dma source(%dma_start3A_113 : memref<1568xi32, #tpu.memory_space<hbm>>) target(%dma_start3A_112 : memref<1568xi32, #tpu.memory_space<vmem>>) target_semaphore(%arg14 : memref<!tpu.dma_semaphore, #tpu.memory_space<semaphore_mem>>)
    %add3A_114 = arith.constant 250880 : i32
    %add3A_115 = arith.addi %add3A_114, %mul3A_2 : i32
    %dma_start3A_116 = arith.constant 7840 : i32
    %dma_start3A_117 = tpu.memref_slice %arg10[%dma_start3A_116] : memref<12544xf32, #tpu.memory_space<vmem>> -> memref<1568xf32, #tpu.memory_space<vmem>>
    %dma_start3A_118 = tpu.memref_slice %arg4[%add3A_115] : memref<401408xf32, #tpu.memory_space<hbm>> -> memref<1568xf32, #tpu.memory_space<hbm>>
    %dma_start3A_119 = arith.constant 7840 : i32
    %dma_start3A_120 = tpu.memref_slice %arg10[%dma_start3A_119] : memref<12544xf32, #tpu.memory_space<vmem>> -> memref<1568xf32, #tpu.memory_space<vmem>>
    %dma_start3A_121 = tpu.memref_slice %arg4[%add3A_115] : memref<401408xf32, #tpu.memory_space<hbm>> -> memref<1568xf32, #tpu.memory_space<hbm>>
    tpu.enqueue_dma source(%dma_start3A_121 : memref<1568xf32, #tpu.memory_space<hbm>>) target(%dma_start3A_120 : memref<1568xf32, #tpu.memory_space<vmem>>) target_semaphore(%arg14 : memref<!tpu.dma_semaphore, #tpu.memory_space<semaphore_mem>>)
    %add3A_122 = arith.constant 301056 : i32
    %add3A_123 = arith.addi %add3A_122, %mul3A_2 : i32
    %dma_start3A_124 = arith.constant 9408 : i32
    %dma_start3A_125 = tpu.memref_slice %arg9[%dma_start3A_124] : memref<12544xi32, #tpu.memory_space<vmem>> -> memref<1568xi32, #tpu.memory_space<vmem>>
    %dma_start3A_126 = tpu.memref_slice %arg3[%add3A_123] : memref<401408xi32, #tpu.memory_space<hbm>> -> memref<1568xi32, #tpu.memory_space<hbm>>
    %dma_start3A_127 = arith.constant 9408 : i32
    %dma_start3A_128 = tpu.memref_slice %arg9[%dma_start3A_127] : memref<12544xi32, #tpu.memory_space<vmem>> -> memref<1568xi32, #tpu.memory_space<vmem>>
    %dma_start3A_129 = tpu.memref_slice %arg3[%add3A_123] : memref<401408xi32, #tpu.memory_space<hbm>> -> memref<1568xi32, #tpu.memory_space<hbm>>
    tpu.enqueue_dma source(%dma_start3A_129 : memref<1568xi32, #tpu.memory_space<hbm>>) target(%dma_start3A_128 : memref<1568xi32, #tpu.memory_space<vmem>>) target_semaphore(%arg14 : memref<!tpu.dma_semaphore, #tpu.memory_space<semaphore_mem>>)
    %add3A_130 = arith.constant 301056 : i32
    %add3A_131 = arith.addi %add3A_130, %mul3A_2 : i32
    %dma_start3A_132 = arith.constant 9408 : i32
    %dma_start3A_133 = tpu.memref_slice %arg10[%dma_start3A_132] : memref<12544xf32, #tpu.memory_space<vmem>> -> memref<1568xf32, #tpu.memory_space<vmem>>
    %dma_start3A_134 = tpu.memref_slice %arg4[%add3A_131] : memref<401408xf32, #tpu.memory_space<hbm>> -> memref<1568xf32, #tpu.memory_space<hbm>>
    %dma_start3A_135 = arith.constant 9408 : i32
    %dma_start3A_136 = tpu.memref_slice %arg10[%dma_start3A_135] : memref<12544xf32, #tpu.memory_space<vmem>> -> memref<1568xf32, #tpu.memory_space<vmem>>
    %dma_start3A_137 = tpu.memref_slice %arg4[%add3A_131] : memref<401408xf32, #tpu.memory_space<hbm>> -> memref<1568xf32, #tpu.memory_space<hbm>>
    tpu.enqueue_dma source(%dma_start3A_137 : memref<1568xf32, #tpu.memory_space<hbm>>) target(%dma_start3A_136 : memref<1568xf32, #tpu.memory_space<vmem>>) target_semaphore(%arg14 : memref<!tpu.dma_semaphore, #tpu.memory_space<semaphore_mem>>)
    %add3A_138 = arith.constant 351232 : i32
    %add3A_139 = arith.addi %add3A_138, %mul3A_2 : i32
    %dma_start3A_140 = arith.constant 10976 : i32
    %dma_start3A_141 = tpu.memref_slice %arg9[%dma_start3A_140] : memref<12544xi32, #tpu.memory_space<vmem>> -> memref<1568xi32, #tpu.memory_space<vmem>>
    %dma_start3A_142 = tpu.memref_slice %arg3[%add3A_139] : memref<401408xi32, #tpu.memory_space<hbm>> -> memref<1568xi32, #tpu.memory_space<hbm>>
    %dma_start3A_143 = arith.constant 10976 : i32
    %dma_start3A_144 = tpu.memref_slice %arg9[%dma_start3A_143] : memref<12544xi32, #tpu.memory_space<vmem>> -> memref<1568xi32, #tpu.memory_space<vmem>>
    %dma_start3A_145 = tpu.memref_slice %arg3[%add3A_139] : memref<401408xi32, #tpu.memory_space<hbm>> -> memref<1568xi32, #tpu.memory_space<hbm>>
    tpu.enqueue_dma source(%dma_start3A_145 : memref<1568xi32, #tpu.memory_space<hbm>>) target(%dma_start3A_144 : memref<1568xi32, #tpu.memory_space<vmem>>) target_semaphore(%arg14 : memref<!tpu.dma_semaphore, #tpu.memory_space<semaphore_mem>>)
    %add3A_146 = arith.constant 351232 : i32
    %add3A_147 = arith.addi %add3A_146, %mul3A_2 : i32
    %dma_start3A_148 = arith.constant 10976 : i32
    %dma_start3A_149 = tpu.memref_slice %arg10[%dma_start3A_148] : memref<12544xf32, #tpu.memory_space<vmem>> -> memref<1568xf32, #tpu.memory_space<vmem>>
    %dma_start3A_150 = tpu.memref_slice %arg4[%add3A_147] : memref<401408xf32, #tpu.memory_space<hbm>> -> memref<1568xf32, #tpu.memory_space<hbm>>
    %dma_start3A_151 = arith.constant 10976 : i32
    %dma_start3A_152 = tpu.memref_slice %arg10[%dma_start3A_151] : memref<12544xf32, #tpu.memory_space<vmem>> -> memref<1568xf32, #tpu.memory_space<vmem>>
    %dma_start3A_153 = tpu.memref_slice %arg4[%add3A_147] : memref<401408xf32, #tpu.memory_space<hbm>> -> memref<1568xf32, #tpu.memory_space<hbm>>
    tpu.enqueue_dma source(%dma_start3A_153 : memref<1568xf32, #tpu.memory_space<hbm>>) target(%dma_start3A_152 : memref<1568xf32, #tpu.memory_space<vmem>>) target_semaphore(%arg14 : memref<!tpu.dma_semaphore, #tpu.memory_space<semaphore_mem>>)
    tpu.enqueue_dma source(%arg5 : memref<16384xf32, #tpu.memory_space<hbm>>) target(%arg11 : memref<16384xf32, #tpu.memory_space<vmem>>) target_semaphore(%arg14 : memref<!tpu.dma_semaphore, #tpu.memory_space<semaphore_mem>>)
    %dma_wait3A = arith.constant 0 : i32
    %dma_wait3A_154 = tpu.memref_slice %arg8[%dma_wait3A] : memref<4704xf32, #tpu.memory_space<vmem>> -> memref<1568xf32, #tpu.memory_space<vmem>>
    %dma_wait3A_155 = tpu.memref_slice %arg2[%add3A_4] : memref<150528xf32, #tpu.memory_space<hbm>> -> memref<1568xf32, #tpu.memory_space<hbm>>
    %dma_wait3A_156 = arith.constant 0 : i32
    %dma_wait3A_157 = tpu.memref_slice %arg8[%dma_wait3A_156] : memref<4704xf32, #tpu.memory_space<vmem>> -> memref<1568xf32, #tpu.memory_space<vmem>>
    %dma_wait3A_158 = tpu.memref_slice %arg2[%add3A_4] : memref<150528xf32, #tpu.memory_space<hbm>> -> memref<1568xf32, #tpu.memory_space<hbm>>
    tpu.wait_dma2 semaphore(%arg14 : memref<!tpu.dma_semaphore, #tpu.memory_space<semaphore_mem>>) src(%dma_wait3A_158 : memref<1568xf32, #tpu.memory_space<hbm>>) dst(%dma_wait3A_157 : memref<1568xf32, #tpu.memory_space<vmem>>)
    %dma_wait3A_159 = arith.constant 1568 : i32
    %dma_wait3A_160 = tpu.memref_slice %arg8[%dma_wait3A_159] : memref<4704xf32, #tpu.memory_space<vmem>> -> memref<1568xf32, #tpu.memory_space<vmem>>
    %dma_wait3A_161 = tpu.memref_slice %arg2[%add3A_11] : memref<150528xf32, #tpu.memory_space<hbm>> -> memref<1568xf32, #tpu.memory_space<hbm>>
    %dma_wait3A_162 = arith.constant 1568 : i32
    %dma_wait3A_163 = tpu.memref_slice %arg8[%dma_wait3A_162] : memref<4704xf32, #tpu.memory_space<vmem>> -> memref<1568xf32, #tpu.memory_space<vmem>>
    %dma_wait3A_164 = tpu.memref_slice %arg2[%add3A_11] : memref<150528xf32, #tpu.memory_space<hbm>> -> memref<1568xf32, #tpu.memory_space<hbm>>
    tpu.wait_dma2 semaphore(%arg14 : memref<!tpu.dma_semaphore, #tpu.memory_space<semaphore_mem>>) src(%dma_wait3A_164 : memref<1568xf32, #tpu.memory_space<hbm>>) dst(%dma_wait3A_163 : memref<1568xf32, #tpu.memory_space<vmem>>)
    %dma_wait3A_165 = arith.constant 3136 : i32
    %dma_wait3A_166 = tpu.memref_slice %arg8[%dma_wait3A_165] : memref<4704xf32, #tpu.memory_space<vmem>> -> memref<1568xf32, #tpu.memory_space<vmem>>
    %dma_wait3A_167 = tpu.memref_slice %arg2[%add3A_19] : memref<150528xf32, #tpu.memory_space<hbm>> -> memref<1568xf32, #tpu.memory_space<hbm>>
    %dma_wait3A_168 = arith.constant 3136 : i32
    %dma_wait3A_169 = tpu.memref_slice %arg8[%dma_wait3A_168] : memref<4704xf32, #tpu.memory_space<vmem>> -> memref<1568xf32, #tpu.memory_space<vmem>>
    %dma_wait3A_170 = tpu.memref_slice %arg2[%add3A_19] : memref<150528xf32, #tpu.memory_space<hbm>> -> memref<1568xf32, #tpu.memory_space<hbm>>
    tpu.wait_dma2 semaphore(%arg14 : memref<!tpu.dma_semaphore, #tpu.memory_space<semaphore_mem>>) src(%dma_wait3A_170 : memref<1568xf32, #tpu.memory_space<hbm>>) dst(%dma_wait3A_169 : memref<1568xf32, #tpu.memory_space<vmem>>)
    %dma_wait3A_171 = arith.constant 0 : i32
    %dma_wait3A_172 = tpu.memref_slice %arg9[%dma_wait3A_171] : memref<12544xi32, #tpu.memory_space<vmem>> -> memref<1568xi32, #tpu.memory_space<vmem>>
    %dma_wait3A_173 = tpu.memref_slice %arg3[%add3A_27] : memref<401408xi32, #tpu.memory_space<hbm>> -> memref<1568xi32, #tpu.memory_space<hbm>>
    %dma_wait3A_174 = arith.constant 0 : i32
    %dma_wait3A_175 = tpu.memref_slice %arg9[%dma_wait3A_174] : memref<12544xi32, #tpu.memory_space<vmem>> -> memref<1568xi32, #tpu.memory_space<vmem>>
    %dma_wait3A_176 = tpu.memref_slice %arg3[%add3A_27] : memref<401408xi32, #tpu.memory_space<hbm>> -> memref<1568xi32, #tpu.memory_space<hbm>>
    tpu.wait_dma2 semaphore(%arg14 : memref<!tpu.dma_semaphore, #tpu.memory_space<semaphore_mem>>) src(%dma_wait3A_176 : memref<1568xi32, #tpu.memory_space<hbm>>) dst(%dma_wait3A_175 : memref<1568xi32, #tpu.memory_space<vmem>>)
    %dma_wait3A_177 = arith.constant 0 : i32
    %dma_wait3A_178 = tpu.memref_slice %arg10[%dma_wait3A_177] : memref<12544xf32, #tpu.memory_space<vmem>> -> memref<1568xf32, #tpu.memory_space<vmem>>
    %dma_wait3A_179 = tpu.memref_slice %arg4[%add3A_35] : memref<401408xf32, #tpu.memory_space<hbm>> -> memref<1568xf32, #tpu.memory_space<hbm>>
    %dma_wait3A_180 = arith.constant 0 : i32
    %dma_wait3A_181 = tpu.memref_slice %arg10[%dma_wait3A_180] : memref<12544xf32, #tpu.memory_space<vmem>> -> memref<1568xf32, #tpu.memory_space<vmem>>
    %dma_wait3A_182 = tpu.memref_slice %arg4[%add3A_35] : memref<401408xf32, #tpu.memory_space<hbm>> -> memref<1568xf32, #tpu.memory_space<hbm>>
    tpu.wait_dma2 semaphore(%arg14 : memref<!tpu.dma_semaphore, #tpu.memory_space<semaphore_mem>>) src(%dma_wait3A_182 : memref<1568xf32, #tpu.memory_space<hbm>>) dst(%dma_wait3A_181 : memref<1568xf32, #tpu.memory_space<vmem>>)
    %dma_wait3A_183 = arith.constant 1568 : i32
    %dma_wait3A_184 = tpu.memref_slice %arg9[%dma_wait3A_183] : memref<12544xi32, #tpu.memory_space<vmem>> -> memref<1568xi32, #tpu.memory_space<vmem>>
    %dma_wait3A_185 = tpu.memref_slice %arg3[%add3A_43] : memref<401408xi32, #tpu.memory_space<hbm>> -> memref<1568xi32, #tpu.memory_space<hbm>>
    %dma_wait3A_186 = arith.constant 1568 : i32
    %dma_wait3A_187 = tpu.memref_slice %arg9[%dma_wait3A_186] : memref<12544xi32, #tpu.memory_space<vmem>> -> memref<1568xi32, #tpu.memory_space<vmem>>
    %dma_wait3A_188 = tpu.memref_slice %arg3[%add3A_43] : memref<401408xi32, #tpu.memory_space<hbm>> -> memref<1568xi32, #tpu.memory_space<hbm>>
    tpu.wait_dma2 semaphore(%arg14 : memref<!tpu.dma_semaphore, #tpu.memory_space<semaphore_mem>>) src(%dma_wait3A_188 : memref<1568xi32, #tpu.memory_space<hbm>>) dst(%dma_wait3A_187 : memref<1568xi32, #tpu.memory_space<vmem>>)
    %dma_wait3A_189 = arith.constant 1568 : i32
    %dma_wait3A_190 = tpu.memref_slice %arg10[%dma_wait3A_189] : memref<12544xf32, #tpu.memory_space<vmem>> -> memref<1568xf32, #tpu.memory_space<vmem>>
    %dma_wait3A_191 = tpu.memref_slice %arg4[%add3A_51] : memref<401408xf32, #tpu.memory_space<hbm>> -> memref<1568xf32, #tpu.memory_space<hbm>>
    %dma_wait3A_192 = arith.constant 1568 : i32
    %dma_wait3A_193 = tpu.memref_slice %arg10[%dma_wait3A_192] : memref<12544xf32, #tpu.memory_space<vmem>> -> memref<1568xf32, #tpu.memory_space<vmem>>
    %dma_wait3A_194 = tpu.memref_slice %arg4[%add3A_51] : memref<401408xf32, #tpu.memory_space<hbm>> -> memref<1568xf32, #tpu.memory_space<hbm>>
    tpu.wait_dma2 semaphore(%arg14 : memref<!tpu.dma_semaphore, #tpu.memory_space<semaphore_mem>>) src(%dma_wait3A_194 : memref<1568xf32, #tpu.memory_space<hbm>>) dst(%dma_wait3A_193 : memref<1568xf32, #tpu.memory_space<vmem>>)
    %dma_wait3A_195 = arith.constant 3136 : i32
    %dma_wait3A_196 = tpu.memref_slice %arg9[%dma_wait3A_195] : memref<12544xi32, #tpu.memory_space<vmem>> -> memref<1568xi32, #tpu.memory_space<vmem>>
    %dma_wait3A_197 = tpu.memref_slice %arg3[%add3A_59] : memref<401408xi32, #tpu.memory_space<hbm>> -> memref<1568xi32, #tpu.memory_space<hbm>>
    %dma_wait3A_198 = arith.constant 3136 : i32
    %dma_wait3A_199 = tpu.memref_slice %arg9[%dma_wait3A_198] : memref<12544xi32, #tpu.memory_space<vmem>> -> memref<1568xi32, #tpu.memory_space<vmem>>
    %dma_wait3A_200 = tpu.memref_slice %arg3[%add3A_59] : memref<401408xi32, #tpu.memory_space<hbm>> -> memref<1568xi32, #tpu.memory_space<hbm>>
    tpu.wait_dma2 semaphore(%arg14 : memref<!tpu.dma_semaphore, #tpu.memory_space<semaphore_mem>>) src(%dma_wait3A_200 : memref<1568xi32, #tpu.memory_space<hbm>>) dst(%dma_wait3A_199 : memref<1568xi32, #tpu.memory_space<vmem>>)
    %dma_wait3A_201 = arith.constant 3136 : i32
    %dma_wait3A_202 = tpu.memref_slice %arg10[%dma_wait3A_201] : memref<12544xf32, #tpu.memory_space<vmem>> -> memref<1568xf32, #tpu.memory_space<vmem>>
    %dma_wait3A_203 = tpu.memref_slice %arg4[%add3A_67] : memref<401408xf32, #tpu.memory_space<hbm>> -> memref<1568xf32, #tpu.memory_space<hbm>>
    %dma_wait3A_204 = arith.constant 3136 : i32
    %dma_wait3A_205 = tpu.memref_slice %arg10[%dma_wait3A_204] : memref<12544xf32, #tpu.memory_space<vmem>> -> memref<1568xf32, #tpu.memory_space<vmem>>
    %dma_wait3A_206 = tpu.memref_slice %arg4[%add3A_67] : memref<401408xf32, #tpu.memory_space<hbm>> -> memref<1568xf32, #tpu.memory_space<hbm>>
    tpu.wait_dma2 semaphore(%arg14 : memref<!tpu.dma_semaphore, #tpu.memory_space<semaphore_mem>>) src(%dma_wait3A_206 : memref<1568xf32, #tpu.memory_space<hbm>>) dst(%dma_wait3A_205 : memref<1568xf32, #tpu.memory_space<vmem>>)
    %dma_wait3A_207 = arith.constant 4704 : i32
    %dma_wait3A_208 = tpu.memref_slice %arg9[%dma_wait3A_207] : memref<12544xi32, #tpu.memory_space<vmem>> -> memref<1568xi32, #tpu.memory_space<vmem>>
    %dma_wait3A_209 = tpu.memref_slice %arg3[%add3A_75] : memref<401408xi32, #tpu.memory_space<hbm>> -> memref<1568xi32, #tpu.memory_space<hbm>>
    %dma_wait3A_210 = arith.constant 4704 : i32
    %dma_wait3A_211 = tpu.memref_slice %arg9[%dma_wait3A_210] : memref<12544xi32, #tpu.memory_space<vmem>> -> memref<1568xi32, #tpu.memory_space<vmem>>
    %dma_wait3A_212 = tpu.memref_slice %arg3[%add3A_75] : memref<401408xi32, #tpu.memory_space<hbm>> -> memref<1568xi32, #tpu.memory_space<hbm>>
    tpu.wait_dma2 semaphore(%arg14 : memref<!tpu.dma_semaphore, #tpu.memory_space<semaphore_mem>>) src(%dma_wait3A_212 : memref<1568xi32, #tpu.memory_space<hbm>>) dst(%dma_wait3A_211 : memref<1568xi32, #tpu.memory_space<vmem>>)
    %dma_wait3A_213 = arith.constant 4704 : i32
    %dma_wait3A_214 = tpu.memref_slice %arg10[%dma_wait3A_213] : memref<12544xf32, #tpu.memory_space<vmem>> -> memref<1568xf32, #tpu.memory_space<vmem>>
    %dma_wait3A_215 = tpu.memref_slice %arg4[%add3A_83] : memref<401408xf32, #tpu.memory_space<hbm>> -> memref<1568xf32, #tpu.memory_space<hbm>>
    %dma_wait3A_216 = arith.constant 4704 : i32
    %dma_wait3A_217 = tpu.memref_slice %arg10[%dma_wait3A_216] : memref<12544xf32, #tpu.memory_space<vmem>> -> memref<1568xf32, #tpu.memory_space<vmem>>
    %dma_wait3A_218 = tpu.memref_slice %arg4[%add3A_83] : memref<401408xf32, #tpu.memory_space<hbm>> -> memref<1568xf32, #tpu.memory_space<hbm>>
    tpu.wait_dma2 semaphore(%arg14 : memref<!tpu.dma_semaphore, #tpu.memory_space<semaphore_mem>>) src(%dma_wait3A_218 : memref<1568xf32, #tpu.memory_space<hbm>>) dst(%dma_wait3A_217 : memref<1568xf32, #tpu.memory_space<vmem>>)
    %dma_wait3A_219 = arith.constant 6272 : i32
    %dma_wait3A_220 = tpu.memref_slice %arg9[%dma_wait3A_219] : memref<12544xi32, #tpu.memory_space<vmem>> -> memref<1568xi32, #tpu.memory_space<vmem>>
    %dma_wait3A_221 = tpu.memref_slice %arg3[%add3A_91] : memref<401408xi32, #tpu.memory_space<hbm>> -> memref<1568xi32, #tpu.memory_space<hbm>>
    %dma_wait3A_222 = arith.constant 6272 : i32
    %dma_wait3A_223 = tpu.memref_slice %arg9[%dma_wait3A_222] : memref<12544xi32, #tpu.memory_space<vmem>> -> memref<1568xi32, #tpu.memory_space<vmem>>
    %dma_wait3A_224 = tpu.memref_slice %arg3[%add3A_91] : memref<401408xi32, #tpu.memory_space<hbm>> -> memref<1568xi32, #tpu.memory_space<hbm>>
    tpu.wait_dma2 semaphore(%arg14 : memref<!tpu.dma_semaphore, #tpu.memory_space<semaphore_mem>>) src(%dma_wait3A_224 : memref<1568xi32, #tpu.memory_space<hbm>>) dst(%dma_wait3A_223 : memref<1568xi32, #tpu.memory_space<vmem>>)
    %dma_wait3A_225 = arith.constant 6272 : i32
    %dma_wait3A_226 = tpu.memref_slice %arg10[%dma_wait3A_225] : memref<12544xf32, #tpu.memory_space<vmem>> -> memref<1568xf32, #tpu.memory_space<vmem>>
    %dma_wait3A_227 = tpu.memref_slice %arg4[%add3A_99] : memref<401408xf32, #tpu.memory_space<hbm>> -> memref<1568xf32, #tpu.memory_space<hbm>>
    %dma_wait3A_228 = arith.constant 6272 : i32
    %dma_wait3A_229 = tpu.memref_slice %arg10[%dma_wait3A_228] : memref<12544xf32, #tpu.memory_space<vmem>> -> memref<1568xf32, #tpu.memory_space<vmem>>
    %dma_wait3A_230 = tpu.memref_slice %arg4[%add3A_99] : memref<401408xf32, #tpu.memory_space<hbm>> -> memref<1568xf32, #tpu.memory_space<hbm>>
    tpu.wait_dma2 semaphore(%arg14 : memref<!tpu.dma_semaphore, #tpu.memory_space<semaphore_mem>>) src(%dma_wait3A_230 : memref<1568xf32, #tpu.memory_space<hbm>>) dst(%dma_wait3A_229 : memref<1568xf32, #tpu.memory_space<vmem>>)
    %dma_wait3A_231 = arith.constant 7840 : i32
    %dma_wait3A_232 = tpu.memref_slice %arg9[%dma_wait3A_231] : memref<12544xi32, #tpu.memory_space<vmem>> -> memref<1568xi32, #tpu.memory_space<vmem>>
    %dma_wait3A_233 = tpu.memref_slice %arg3[%add3A_107] : memref<401408xi32, #tpu.memory_space<hbm>> -> memref<1568xi32, #tpu.memory_space<hbm>>
    %dma_wait3A_234 = arith.constant 7840 : i32
    %dma_wait3A_235 = tpu.memref_slice %arg9[%dma_wait3A_234] : memref<12544xi32, #tpu.memory_space<vmem>> -> memref<1568xi32, #tpu.memory_space<vmem>>
    %dma_wait3A_236 = tpu.memref_slice %arg3[%add3A_107] : memref<401408xi32, #tpu.memory_space<hbm>> -> memref<1568xi32, #tpu.memory_space<hbm>>
    tpu.wait_dma2 semaphore(%arg14 : memref<!tpu.dma_semaphore, #tpu.memory_space<semaphore_mem>>) src(%dma_wait3A_236 : memref<1568xi32, #tpu.memory_space<hbm>>) dst(%dma_wait3A_235 : memref<1568xi32, #tpu.memory_space<vmem>>)
    %dma_wait3A_237 = arith.constant 7840 : i32
    %dma_wait3A_238 = tpu.memref_slice %arg10[%dma_wait3A_237] : memref<12544xf32, #tpu.memory_space<vmem>> -> memref<1568xf32, #tpu.memory_space<vmem>>
    %dma_wait3A_239 = tpu.memref_slice %arg4[%add3A_115] : memref<401408xf32, #tpu.memory_space<hbm>> -> memref<1568xf32, #tpu.memory_space<hbm>>
    %dma_wait3A_240 = arith.constant 7840 : i32
    %dma_wait3A_241 = tpu.memref_slice %arg10[%dma_wait3A_240] : memref<12544xf32, #tpu.memory_space<vmem>> -> memref<1568xf32, #tpu.memory_space<vmem>>
    %dma_wait3A_242 = tpu.memref_slice %arg4[%add3A_115] : memref<401408xf32, #tpu.memory_space<hbm>> -> memref<1568xf32, #tpu.memory_space<hbm>>
    tpu.wait_dma2 semaphore(%arg14 : memref<!tpu.dma_semaphore, #tpu.memory_space<semaphore_mem>>) src(%dma_wait3A_242 : memref<1568xf32, #tpu.memory_space<hbm>>) dst(%dma_wait3A_241 : memref<1568xf32, #tpu.memory_space<vmem>>)
    %dma_wait3A_243 = arith.constant 9408 : i32
    %dma_wait3A_244 = tpu.memref_slice %arg9[%dma_wait3A_243] : memref<12544xi32, #tpu.memory_space<vmem>> -> memref<1568xi32, #tpu.memory_space<vmem>>
    %dma_wait3A_245 = tpu.memref_slice %arg3[%add3A_123] : memref<401408xi32, #tpu.memory_space<hbm>> -> memref<1568xi32, #tpu.memory_space<hbm>>
    %dma_wait3A_246 = arith.constant 9408 : i32
    %dma_wait3A_247 = tpu.memref_slice %arg9[%dma_wait3A_246] : memref<12544xi32, #tpu.memory_space<vmem>> -> memref<1568xi32, #tpu.memory_space<vmem>>
    %dma_wait3A_248 = tpu.memref_slice %arg3[%add3A_123] : memref<401408xi32, #tpu.memory_space<hbm>> -> memref<1568xi32, #tpu.memory_space<hbm>>
    tpu.wait_dma2 semaphore(%arg14 : memref<!tpu.dma_semaphore, #tpu.memory_space<semaphore_mem>>) src(%dma_wait3A_248 : memref<1568xi32, #tpu.memory_space<hbm>>) dst(%dma_wait3A_247 : memref<1568xi32, #tpu.memory_space<vmem>>)
    %dma_wait3A_249 = arith.constant 9408 : i32
    %dma_wait3A_250 = tpu.memref_slice %arg10[%dma_wait3A_249] : memref<12544xf32, #tpu.memory_space<vmem>> -> memref<1568xf32, #tpu.memory_space<vmem>>
    %dma_wait3A_251 = tpu.memref_slice %arg4[%add3A_131] : memref<401408xf32, #tpu.memory_space<hbm>> -> memref<1568xf32, #tpu.memory_space<hbm>>
    %dma_wait3A_252 = arith.constant 9408 : i32
    %dma_wait3A_253 = tpu.memref_slice %arg10[%dma_wait3A_252] : memref<12544xf32, #tpu.memory_space<vmem>> -> memref<1568xf32, #tpu.memory_space<vmem>>
    %dma_wait3A_254 = tpu.memref_slice %arg4[%add3A_131] : memref<401408xf32, #tpu.memory_space<hbm>> -> memref<1568xf32, #tpu.memory_space<hbm>>
    tpu.wait_dma2 semaphore(%arg14 : memref<!tpu.dma_semaphore, #tpu.memory_space<semaphore_mem>>) src(%dma_wait3A_254 : memref<1568xf32, #tpu.memory_space<hbm>>) dst(%dma_wait3A_253 : memref<1568xf32, #tpu.memory_space<vmem>>)
    %dma_wait3A_255 = arith.constant 10976 : i32
    %dma_wait3A_256 = tpu.memref_slice %arg9[%dma_wait3A_255] : memref<12544xi32, #tpu.memory_space<vmem>> -> memref<1568xi32, #tpu.memory_space<vmem>>
    %dma_wait3A_257 = tpu.memref_slice %arg3[%add3A_139] : memref<401408xi32, #tpu.memory_space<hbm>> -> memref<1568xi32, #tpu.memory_space<hbm>>
    %dma_wait3A_258 = arith.constant 10976 : i32
    %dma_wait3A_259 = tpu.memref_slice %arg9[%dma_wait3A_258] : memref<12544xi32, #tpu.memory_space<vmem>> -> memref<1568xi32, #tpu.memory_space<vmem>>
    %dma_wait3A_260 = tpu.memref_slice %arg3[%add3A_139] : memref<401408xi32, #tpu.memory_space<hbm>> -> memref<1568xi32, #tpu.memory_space<hbm>>
    tpu.wait_dma2 semaphore(%arg14 : memref<!tpu.dma_semaphore, #tpu.memory_space<semaphore_mem>>) src(%dma_wait3A_260 : memref<1568xi32, #tpu.memory_space<hbm>>) dst(%dma_wait3A_259 : memref<1568xi32, #tpu.memory_space<vmem>>)
    %dma_wait3A_261 = arith.constant 10976 : i32
    %dma_wait3A_262 = tpu.memref_slice %arg10[%dma_wait3A_261] : memref<12544xf32, #tpu.memory_space<vmem>> -> memref<1568xf32, #tpu.memory_space<vmem>>
    %dma_wait3A_263 = tpu.memref_slice %arg4[%add3A_147] : memref<401408xf32, #tpu.memory_space<hbm>> -> memref<1568xf32, #tpu.memory_space<hbm>>
    %dma_wait3A_264 = arith.constant 10976 : i32
    %dma_wait3A_265 = tpu.memref_slice %arg10[%dma_wait3A_264] : memref<12544xf32, #tpu.memory_space<vmem>> -> memref<1568xf32, #tpu.memory_space<vmem>>
    %dma_wait3A_266 = tpu.memref_slice %arg4[%add3A_147] : memref<401408xf32, #tpu.memory_space<hbm>> -> memref<1568xf32, #tpu.memory_space<hbm>>
    tpu.wait_dma2 semaphore(%arg14 : memref<!tpu.dma_semaphore, #tpu.memory_space<semaphore_mem>>) src(%dma_wait3A_266 : memref<1568xf32, #tpu.memory_space<hbm>>) dst(%dma_wait3A_265 : memref<1568xf32, #tpu.memory_space<vmem>>)
    tpu.wait_dma2 semaphore(%arg14 : memref<!tpu.dma_semaphore, #tpu.memory_space<semaphore_mem>>) src(%arg5 : memref<16384xf32, #tpu.memory_space<hbm>>) dst(%arg11 : memref<16384xf32, #tpu.memory_space<vmem>>)
    %scan3A = arith.constant 0 : i32
    %scan3A_267 = arith.constant 0 : i32
    %scan3A_268 = arith.constant 49 : i32
    %scan3A_269 = arith.addi %scan3A_267, %scan3A_268 : i32
    %scan3A_270 = arith.constant 1 : i32
    scf.for %scan3A_284 = %scan3A_267 to %scan3A_269 step %scan3A_270  : i32 {
      %mul3A_285 = arith.constant 2 : i32
      %mul3A_286 = arith.muli %scan3A_284, %mul3A_285 : i32
      %add3A_287 = arith.constant 0 : i32
      %add3A_288 = arith.addi %mul3A_286, %add3A_287 : i32
      %mul3A_289 = arith.constant 16 : i32
      %mul3A_290 = arith.muli %add3A_288, %mul3A_289 : i32
      %broadcast_in_dim3A = arith.constant 0.000000e+00 : f32
      %broadcast_in_dim3A_291 = vector.broadcast %broadcast_in_dim3A : f32 to vector<16xf32>
      %broadcast_in_dim3A_292 = arith.constant 0.000000e+00 : f32
      %broadcast_in_dim3A_293 = vector.broadcast %broadcast_in_dim3A_292 : f32 to vector<16xf32>
      %broadcast_in_dim3A_294 = arith.constant 0.000000e+00 : f32
      %broadcast_in_dim3A_295 = vector.broadcast %broadcast_in_dim3A_294 : f32 to vector<16xf32>
      %broadcast_in_dim3A_296 = arith.constant 0.000000e+00 : f32
      %broadcast_in_dim3A_297 = vector.broadcast %broadcast_in_dim3A_296 : f32 to vector<16xf32>
      %broadcast_in_dim3A_298 = arith.constant 0.000000e+00 : f32
      %broadcast_in_dim3A_299 = vector.broadcast %broadcast_in_dim3A_298 : f32 to vector<16xf32>
      %broadcast_in_dim3A_300 = arith.constant 0.000000e+00 : f32
      %broadcast_in_dim3A_301 = vector.broadcast %broadcast_in_dim3A_300 : f32 to vector<16xf32>
      %broadcast_in_dim3A_302 = arith.constant 0.000000e+00 : f32
      %broadcast_in_dim3A_303 = vector.broadcast %broadcast_in_dim3A_302 : f32 to vector<16xf32>
      %broadcast_in_dim3A_304 = arith.constant 0.000000e+00 : f32
      %broadcast_in_dim3A_305 = vector.broadcast %broadcast_in_dim3A_304 : f32 to vector<16xf32>
      %broadcast_in_dim3A_306 = arith.constant 0.000000e+00 : f32
      %broadcast_in_dim3A_307 = vector.broadcast %broadcast_in_dim3A_306 : f32 to vector<16xf32>
      %broadcast_in_dim3A_308 = arith.constant 0.000000e+00 : f32
      %broadcast_in_dim3A_309 = vector.broadcast %broadcast_in_dim3A_308 : f32 to vector<16xf32>
      %broadcast_in_dim3A_310 = arith.constant 0.000000e+00 : f32
      %broadcast_in_dim3A_311 = vector.broadcast %broadcast_in_dim3A_310 : f32 to vector<16xf32>
      %broadcast_in_dim3A_312 = arith.constant 0.000000e+00 : f32
      %broadcast_in_dim3A_313 = vector.broadcast %broadcast_in_dim3A_312 : f32 to vector<16xf32>
      %broadcast_in_dim3A_314 = arith.constant 0.000000e+00 : f32
      %broadcast_in_dim3A_315 = vector.broadcast %broadcast_in_dim3A_314 : f32 to vector<16xf32>
      %broadcast_in_dim3A_316 = arith.constant 0.000000e+00 : f32
      %broadcast_in_dim3A_317 = vector.broadcast %broadcast_in_dim3A_316 : f32 to vector<16xf32>
      %broadcast_in_dim3A_318 = arith.constant 0.000000e+00 : f32
      %broadcast_in_dim3A_319 = vector.broadcast %broadcast_in_dim3A_318 : f32 to vector<16xf32>
      %add3A_320 = arith.constant 0 : i32
      %add3A_321 = arith.addi %add3A_320, %mul3A_290 : i32
      %get3A = arith.index_cast %add3A_321 : i32 to index
      %get3A_322 = tpu.vector_load %arg9[%get3A] {strides = array<i32>} : memref<12544xi32, #tpu.memory_space<vmem>>, vector<16xi32>,
      %add3A_323 = arith.constant 0 : i32
      %add3A_324 = arith.addi %add3A_323, %mul3A_290 : i32
      %get3A_325 = arith.index_cast %add3A_324 : i32 to index
      %get3A_326 = tpu.vector_load %arg10[%get3A_325] {strides = array<i32>} : memref<12544xf32, #tpu.memory_space<vmem>>, vector<16xf32>,
      %mul3A_327 = arith.constant 16 : i32
      %mul3A_328 = vector.broadcast %mul3A_327 : i32 to vector<16xi32>
      %mul3A_329 = arith.muli %get3A_322, %mul3A_328 : vector<16xi32>
      %add3A_330 = arith.constant 0 : i32
      %add3A_331 = vector.broadcast %add3A_330 : i32 to vector<16xi32>
      %add3A_332 = arith.addi %mul3A_329, %add3A_331 : vector<16xi32>
      %gather3A = tpu.vector_load_idx %arg11[%add3A_332] : memref<16384xf32, #tpu.memory_space<vmem>>[vector<16xi32>], vector<16xf32>,
      %mul3A_333 = arith.mulf %get3A_326, %gather3A : vector<16xf32>
      %add3A_334 = arith.addf %broadcast_in_dim3A_291, %mul3A_333 : vector<16xf32>
      %add3A_335 = arith.constant 1 : i32
      %add3A_336 = vector.broadcast %add3A_335 : i32 to vector<16xi32>
      %add3A_337 = arith.addi %mul3A_329, %add3A_336 : vector<16xi32>
      %gather3A_338 = tpu.vector_load_idx %arg11[%add3A_337] : memref<16384xf32, #tpu.memory_space<vmem>>[vector<16xi32>], vector<16xf32>,
      %mul3A_339 = arith.mulf %get3A_326, %gather3A_338 : vector<16xf32>
      %add3A_340 = arith.addf %broadcast_in_dim3A_293, %mul3A_339 : vector<16xf32>
      %add3A_341 = arith.constant 2 : i32
      %add3A_342 = vector.broadcast %add3A_341 : i32 to vector<16xi32>
      %add3A_343 = arith.addi %mul3A_329, %add3A_342 : vector<16xi32>
      %gather3A_344 = tpu.vector_load_idx %arg11[%add3A_343] : memref<16384xf32, #tpu.memory_space<vmem>>[vector<16xi32>], vector<16xf32>,
      %mul3A_345 = arith.mulf %get3A_326, %gather3A_344 : vector<16xf32>
      %add3A_346 = arith.addf %broadcast_in_dim3A_295, %mul3A_345 : vector<16xf32>
      %add3A_347 = arith.constant 3 : i32
      %add3A_348 = vector.broadcast %add3A_347 : i32 to vector<16xi32>
      %add3A_349 = arith.addi %mul3A_329, %add3A_348 : vector<16xi32>
      %gather3A_350 = tpu.vector_load_idx %arg11[%add3A_349] : memref<16384xf32, #tpu.memory_space<vmem>>[vector<16xi32>], vector<16xf32>,
      %mul3A_351 = arith.mulf %get3A_326, %gather3A_350 : vector<16xf32>
      %add3A_352 = arith.addf %broadcast_in_dim3A_297, %mul3A_351 : vector<16xf32>
      %add3A_353 = arith.constant 4 : i32
      %add3A_354 = vector.broadcast %add3A_353 : i32 to vector<16xi32>
      %add3A_355 = arith.addi %mul3A_329, %add3A_354 : vector<16xi32>
      %gather3A_356 = tpu.vector_load_idx %arg11[%add3A_355] : memref<16384xf32, #tpu.memory_space<vmem>>[vector<16xi32>], vector<16xf32>,
      %mul3A_357 = arith.mulf %get3A_326, %gather3A_356 : vector<16xf32>
      %add3A_358 = arith.addf %broadcast_in_dim3A_299, %mul3A_357 : vector<16xf32>
      %add3A_359 = arith.constant 5 : i32
      %add3A_360 = vector.broadcast %add3A_359 : i32 to vector<16xi32>
      %add3A_361 = arith.addi %mul3A_329, %add3A_360 : vector<16xi32>
      %gather3A_362 = tpu.vector_load_idx %arg11[%add3A_361] : memref<16384xf32, #tpu.memory_space<vmem>>[vector<16xi32>], vector<16xf32>,
      %mul3A_363 = arith.mulf %get3A_326, %gather3A_362 : vector<16xf32>
      %add3A_364 = arith.addf %broadcast_in_dim3A_301, %mul3A_363 : vector<16xf32>
      %add3A_365 = arith.constant 6 : i32
      %add3A_366 = vector.broadcast %add3A_365 : i32 to vector<16xi32>
      %add3A_367 = arith.addi %mul3A_329, %add3A_366 : vector<16xi32>
      %gather3A_368 = tpu.vector_load_idx %arg11[%add3A_367] : memref<16384xf32, #tpu.memory_space<vmem>>[vector<16xi32>], vector<16xf32>,
      %mul3A_369 = arith.mulf %get3A_326, %gather3A_368 : vector<16xf32>
      %add3A_370 = arith.addf %broadcast_in_dim3A_303, %mul3A_369 : vector<16xf32>
      %add3A_371 = arith.constant 7 : i32
      %add3A_372 = vector.broadcast %add3A_371 : i32 to vector<16xi32>
      %add3A_373 = arith.addi %mul3A_329, %add3A_372 : vector<16xi32>
      %gather3A_374 = tpu.vector_load_idx %arg11[%add3A_373] : memref<16384xf32, #tpu.memory_space<vmem>>[vector<16xi32>], vector<16xf32>,
      %mul3A_375 = arith.mulf %get3A_326, %gather3A_374 : vector<16xf32>
      %add3A_376 = arith.addf %broadcast_in_dim3A_305, %mul3A_375 : vector<16xf32>
      %add3A_377 = arith.constant 8 : i32
      %add3A_378 = vector.broadcast %add3A_377 : i32 to vector<16xi32>
      %add3A_379 = arith.addi %mul3A_329, %add3A_378 : vector<16xi32>
      %gather3A_380 = tpu.vector_load_idx %arg11[%add3A_379] : memref<16384xf32, #tpu.memory_space<vmem>>[vector<16xi32>], vector<16xf32>,
      %mul3A_381 = arith.mulf %get3A_326, %gather3A_380 : vector<16xf32>
      %add3A_382 = arith.addf %broadcast_in_dim3A_307, %mul3A_381 : vector<16xf32>
      %add3A_383 = arith.constant 9 : i32
      %add3A_384 = vector.broadcast %add3A_383 : i32 to vector<16xi32>
      %add3A_385 = arith.addi %mul3A_329, %add3A_384 : vector<16xi32>
      %gather3A_386 = tpu.vector_load_idx %arg11[%add3A_385] : memref<16384xf32, #tpu.memory_space<vmem>>[vector<16xi32>], vector<16xf32>,
      %mul3A_387 = arith.mulf %get3A_326, %gather3A_386 : vector<16xf32>
      %add3A_388 = arith.addf %broadcast_in_dim3A_309, %mul3A_387 : vector<16xf32>
      %add3A_389 = arith.constant 10 : i32
      %add3A_390 = vector.broadcast %add3A_389 : i32 to vector<16xi32>
      %add3A_391 = arith.addi %mul3A_329, %add3A_390 : vector<16xi32>
      %gather3A_392 = tpu.vector_load_idx %arg11[%add3A_391] : memref<16384xf32, #tpu.memory_space<vmem>>[vector<16xi32>], vector<16xf32>,
      %mul3A_393 = arith.mulf %get3A_326, %gather3A_392 : vector<16xf32>
      %add3A_394 = arith.addf %broadcast_in_dim3A_311, %mul3A_393 : vector<16xf32>
      %add3A_395 = arith.constant 11 : i32
      %add3A_396 = vector.broadcast %add3A_395 : i32 to vector<16xi32>
      %add3A_397 = arith.addi %mul3A_329, %add3A_396 : vector<16xi32>
      %gather3A_398 = tpu.vector_load_idx %arg11[%add3A_397] : memref<16384xf32, #tpu.memory_space<vmem>>[vector<16xi32>], vector<16xf32>,
      %mul3A_399 = arith.mulf %get3A_326, %gather3A_398 : vector<16xf32>
      %add3A_400 = arith.addf %broadcast_in_dim3A_313, %mul3A_399 : vector<16xf32>
      %add3A_401 = arith.constant 12 : i32
      %add3A_402 = vector.broadcast %add3A_401 : i32 to vector<16xi32>
      %add3A_403 = arith.addi %mul3A_329, %add3A_402 : vector<16xi32>
      %gather3A_404 = tpu.vector_load_idx %arg11[%add3A_403] : memref<16384xf32, #tpu.memory_space<vmem>>[vector<16xi32>], vector<16xf32>,
      %mul3A_405 = arith.mulf %get3A_326, %gather3A_404 : vector<16xf32>
      %add3A_406 = arith.addf %broadcast_in_dim3A_315, %mul3A_405 : vector<16xf32>
      %add3A_407 = arith.constant 13 : i32
      %add3A_408 = vector.broadcast %add3A_407 : i32 to vector<16xi32>
      %add3A_409 = arith.addi %mul3A_329, %add3A_408 : vector<16xi32>
      %gather3A_410 = tpu.vector_load_idx %arg11[%add3A_409] : memref<16384xf32, #tpu.memory_space<vmem>>[vector<16xi32>], vector<16xf32>,
      %mul3A_411 = arith.mulf %get3A_326, %gather3A_410 : vector<16xf32>
      %add3A_412 = arith.addf %broadcast_in_dim3A_317, %mul3A_411 : vector<16xf32>
      %add3A_413 = arith.constant 14 : i32
      %add3A_414 = vector.broadcast %add3A_413 : i32 to vector<16xi32>
      %add3A_415 = arith.addi %mul3A_329, %add3A_414 : vector<16xi32>
      %gather3A_416 = tpu.vector_load_idx %arg11[%add3A_415] : memref<16384xf32, #tpu.memory_space<vmem>>[vector<16xi32>], vector<16xf32>,
      %mul3A_417 = arith.mulf %get3A_326, %gather3A_416 : vector<16xf32>
      %add3A_418 = arith.addf %broadcast_in_dim3A_319, %mul3A_417 : vector<16xf32>
      %add3A_419 = arith.constant 1568 : i32
      %add3A_420 = arith.addi %add3A_419, %mul3A_290 : i32
      %get3A_421 = arith.index_cast %add3A_420 : i32 to index
      %get3A_422 = tpu.vector_load %arg9[%get3A_421] {strides = array<i32>} : memref<12544xi32, #tpu.memory_space<vmem>>, vector<16xi32>,
      %add3A_423 = arith.constant 1568 : i32
      %add3A_424 = arith.addi %add3A_423, %mul3A_290 : i32
      %get3A_425 = arith.index_cast %add3A_424 : i32 to index
      %get3A_426 = tpu.vector_load %arg10[%get3A_425] {strides = array<i32>} : memref<12544xf32, #tpu.memory_space<vmem>>, vector<16xf32>,
      %mul3A_427 = arith.constant 16 : i32
      %mul3A_428 = vector.broadcast %mul3A_427 : i32 to vector<16xi32>
      %mul3A_429 = arith.muli %get3A_422, %mul3A_428 : vector<16xi32>
      %add3A_430 = arith.constant 0 : i32
      %add3A_431 = vector.broadcast %add3A_430 : i32 to vector<16xi32>
      %add3A_432 = arith.addi %mul3A_429, %add3A_431 : vector<16xi32>
      %gather3A_433 = tpu.vector_load_idx %arg11[%add3A_432] : memref<16384xf32, #tpu.memory_space<vmem>>[vector<16xi32>], vector<16xf32>,
      %mul3A_434 = arith.mulf %get3A_426, %gather3A_433 : vector<16xf32>
      %add3A_435 = arith.addf %add3A_334, %mul3A_434 : vector<16xf32>
      %add3A_436 = arith.constant 1 : i32
      %add3A_437 = vector.broadcast %add3A_436 : i32 to vector<16xi32>
      %add3A_438 = arith.addi %mul3A_429, %add3A_437 : vector<16xi32>
      %gather3A_439 = tpu.vector_load_idx %arg11[%add3A_438] : memref<16384xf32, #tpu.memory_space<vmem>>[vector<16xi32>], vector<16xf32>,
      %mul3A_440 = arith.mulf %get3A_426, %gather3A_439 : vector<16xf32>
      %add3A_441 = arith.addf %add3A_340, %mul3A_440 : vector<16xf32>
      %add3A_442 = arith.constant 2 : i32
      %add3A_443 = vector.broadcast %add3A_442 : i32 to vector<16xi32>
      %add3A_444 = arith.addi %mul3A_429, %add3A_443 : vector<16xi32>
      %gather3A_445 = tpu.vector_load_idx %arg11[%add3A_444] : memref<16384xf32, #tpu.memory_space<vmem>>[vector<16xi32>], vector<16xf32>,
      %mul3A_446 = arith.mulf %get3A_426, %gather3A_445 : vector<16xf32>
      %add3A_447 = arith.addf %add3A_346, %mul3A_446 : vector<16xf32>
      %add3A_448 = arith.constant 3 : i32
      %add3A_449 = vector.broadcast %add3A_448 : i32 to vector<16xi32>
      %add3A_450 = arith.addi %mul3A_429, %add3A_449 : vector<16xi32>
      %gather3A_451 = tpu.vector_load_idx %arg11[%add3A_450] : memref<16384xf32, #tpu.memory_space<vmem>>[vector<16xi32>], vector<16xf32>,
      %mul3A_452 = arith.mulf %get3A_426, %gather3A_451 : vector<16xf32>
      %add3A_453 = arith.addf %add3A_352, %mul3A_452 : vector<16xf32>
      %add3A_454 = arith.constant 4 : i32
      %add3A_455 = vector.broadcast %add3A_454 : i32 to vector<16xi32>
      %add3A_456 = arith.addi %mul3A_429, %add3A_455 : vector<16xi32>
      %gather3A_457 = tpu.vector_load_idx %arg11[%add3A_456] : memref<16384xf32, #tpu.memory_space<vmem>>[vector<16xi32>], vector<16xf32>,
      %mul3A_458 = arith.mulf %get3A_426, %gather3A_457 : vector<16xf32>
      %add3A_459 = arith.addf %add3A_358, %mul3A_458 : vector<16xf32>
      %add3A_460 = arith.constant 5 : i32
      %add3A_461 = vector.broadcast %add3A_460 : i32 to vector<16xi32>
      %add3A_462 = arith.addi %mul3A_429, %add3A_461 : vector<16xi32>
      %gather3A_463 = tpu.vector_load_idx %arg11[%add3A_462] : memref<16384xf32, #tpu.memory_space<vmem>>[vector<16xi32>], vector<16xf32>,
      %mul3A_464 = arith.mulf %get3A_426, %gather3A_463 : vector<16xf32>
      %add3A_465 = arith.addf %add3A_364, %mul3A_464 : vector<16xf32>
      %add3A_466 = arith.constant 6 : i32
      %add3A_467 = vector.broadcast %add3A_466 : i32 to vector<16xi32>
      %add3A_468 = arith.addi %mul3A_429, %add3A_467 : vector<16xi32>
      %gather3A_469 = tpu.vector_load_idx %arg11[%add3A_468] : memref<16384xf32, #tpu.memory_space<vmem>>[vector<16xi32>], vector<16xf32>,
      %mul3A_470 = arith.mulf %get3A_426, %gather3A_469 : vector<16xf32>
      %add3A_471 = arith.addf %add3A_370, %mul3A_470 : vector<16xf32>
      %add3A_472 = arith.constant 7 : i32
      %add3A_473 = vector.broadcast %add3A_472 : i32 to vector<16xi32>
      %add3A_474 = arith.addi %mul3A_429, %add3A_473 : vector<16xi32>
      %gather3A_475 = tpu.vector_load_idx %arg11[%add3A_474] : memref<16384xf32, #tpu.memory_space<vmem>>[vector<16xi32>], vector<16xf32>,
      %mul3A_476 = arith.mulf %get3A_426, %gather3A_475 : vector<16xf32>
      %add3A_477 = arith.addf %add3A_376, %mul3A_476 : vector<16xf32>
      %add3A_478 = arith.constant 8 : i32
      %add3A_479 = vector.broadcast %add3A_478 : i32 to vector<16xi32>
      %add3A_480 = arith.addi %mul3A_429, %add3A_479 : vector<16xi32>
      %gather3A_481 = tpu.vector_load_idx %arg11[%add3A_480] : memref<16384xf32, #tpu.memory_space<vmem>>[vector<16xi32>], vector<16xf32>,
      %mul3A_482 = arith.mulf %get3A_426, %gather3A_481 : vector<16xf32>
      %add3A_483 = arith.addf %add3A_382, %mul3A_482 : vector<16xf32>
      %add3A_484 = arith.constant 9 : i32
      %add3A_485 = vector.broadcast %add3A_484 : i32 to vector<16xi32>
      %add3A_486 = arith.addi %mul3A_429, %add3A_485 : vector<16xi32>
      %gather3A_487 = tpu.vector_load_idx %arg11[%add3A_486] : memref<16384xf32, #tpu.memory_space<vmem>>[vector<16xi32>], vector<16xf32>,
      %mul3A_488 = arith.mulf %get3A_426, %gather3A_487 : vector<16xf32>
      %add3A_489 = arith.addf %add3A_388, %mul3A_488 : vector<16xf32>
      %add3A_490 = arith.constant 10 : i32
      %add3A_491 = vector.broadcast %add3A_490 : i32 to vector<16xi32>
      %add3A_492 = arith.addi %mul3A_429, %add3A_491 : vector<16xi32>
      %gather3A_493 = tpu.vector_load_idx %arg11[%add3A_492] : memref<16384xf32, #tpu.memory_space<vmem>>[vector<16xi32>], vector<16xf32>,
      %mul3A_494 = arith.mulf %get3A_426, %gather3A_493 : vector<16xf32>
      %add3A_495 = arith.addf %add3A_394, %mul3A_494 : vector<16xf32>
      %add3A_496 = arith.constant 11 : i32
      %add3A_497 = vector.broadcast %add3A_496 : i32 to vector<16xi32>
      %add3A_498 = arith.addi %mul3A_429, %add3A_497 : vector<16xi32>
      %gather3A_499 = tpu.vector_load_idx %arg11[%add3A_498] : memref<16384xf32, #tpu.memory_space<vmem>>[vector<16xi32>], vector<16xf32>,
      %mul3A_500 = arith.mulf %get3A_426, %gather3A_499 : vector<16xf32>
      %add3A_501 = arith.addf %add3A_400, %mul3A_500 : vector<16xf32>
      %add3A_502 = arith.constant 12 : i32
      %add3A_503 = vector.broadcast %add3A_502 : i32 to vector<16xi32>
      %add3A_504 = arith.addi %mul3A_429, %add3A_503 : vector<16xi32>
      %gather3A_505 = tpu.vector_load_idx %arg11[%add3A_504] : memref<16384xf32, #tpu.memory_space<vmem>>[vector<16xi32>], vector<16xf32>,
      %mul3A_506 = arith.mulf %get3A_426, %gather3A_505 : vector<16xf32>
      %add3A_507 = arith.addf %add3A_406, %mul3A_506 : vector<16xf32>
      %add3A_508 = arith.constant 13 : i32
      %add3A_509 = vector.broadcast %add3A_508 : i32 to vector<16xi32>
      %add3A_510 = arith.addi %mul3A_429, %add3A_509 : vector<16xi32>
      %gather3A_511 = tpu.vector_load_idx %arg11[%add3A_510] : memref<16384xf32, #tpu.memory_space<vmem>>[vector<16xi32>], vector<16xf32>,
      %mul3A_512 = arith.mulf %get3A_426, %gather3A_511 : vector<16xf32>
      %add3A_513 = arith.addf %add3A_412, %mul3A_512 : vector<16xf32>
      %add3A_514 = arith.constant 14 : i32
      %add3A_515 = vector.broadcast %add3A_514 : i32 to vector<16xi32>
      %add3A_516 = arith.addi %mul3A_429, %add3A_515 : vector<16xi32>
      %gather3A_517 = tpu.vector_load_idx %arg11[%add3A_516] : memref<16384xf32, #tpu.memory_space<vmem>>[vector<16xi32>], vector<16xf32>,
      %mul3A_518 = arith.mulf %get3A_426, %gather3A_517 : vector<16xf32>
      %add3A_519 = arith.addf %add3A_418, %mul3A_518 : vector<16xf32>
      %add3A_520 = arith.constant 3136 : i32
      %add3A_521 = arith.addi %add3A_520, %mul3A_290 : i32
      %get3A_522 = arith.index_cast %add3A_521 : i32 to index
      %get3A_523 = tpu.vector_load %arg9[%get3A_522] {strides = array<i32>} : memref<12544xi32, #tpu.memory_space<vmem>>, vector<16xi32>,
      %add3A_524 = arith.constant 3136 : i32
      %add3A_525 = arith.addi %add3A_524, %mul3A_290 : i32
      %get3A_526 = arith.index_cast %add3A_525 : i32 to index
      %get3A_527 = tpu.vector_load %arg10[%get3A_526] {strides = array<i32>} : memref<12544xf32, #tpu.memory_space<vmem>>, vector<16xf32>,
      %mul3A_528 = arith.constant 16 : i32
      %mul3A_529 = vector.broadcast %mul3A_528 : i32 to vector<16xi32>
      %mul3A_530 = arith.muli %get3A_523, %mul3A_529 : vector<16xi32>
      %add3A_531 = arith.constant 0 : i32
      %add3A_532 = vector.broadcast %add3A_531 : i32 to vector<16xi32>
      %add3A_533 = arith.addi %mul3A_530, %add3A_532 : vector<16xi32>
      %gather3A_534 = tpu.vector_load_idx %arg11[%add3A_533] : memref<16384xf32, #tpu.memory_space<vmem>>[vector<16xi32>], vector<16xf32>,
      %mul3A_535 = arith.mulf %get3A_527, %gather3A_534 : vector<16xf32>
      %add3A_536 = arith.addf %add3A_435, %mul3A_535 : vector<16xf32>
      %add3A_537 = arith.constant 1 : i32
      %add3A_538 = vector.broadcast %add3A_537 : i32 to vector<16xi32>
      %add3A_539 = arith.addi %mul3A_530, %add3A_538 : vector<16xi32>
      %gather3A_540 = tpu.vector_load_idx %arg11[%add3A_539] : memref<16384xf32, #tpu.memory_space<vmem>>[vector<16xi32>], vector<16xf32>,
      %mul3A_541 = arith.mulf %get3A_527, %gather3A_540 : vector<16xf32>
      %add3A_542 = arith.addf %add3A_441, %mul3A_541 : vector<16xf32>
      %add3A_543 = arith.constant 2 : i32
      %add3A_544 = vector.broadcast %add3A_543 : i32 to vector<16xi32>
      %add3A_545 = arith.addi %mul3A_530, %add3A_544 : vector<16xi32>
      %gather3A_546 = tpu.vector_load_idx %arg11[%add3A_545] : memref<16384xf32, #tpu.memory_space<vmem>>[vector<16xi32>], vector<16xf32>,
      %mul3A_547 = arith.mulf %get3A_527, %gather3A_546 : vector<16xf32>
      %add3A_548 = arith.addf %add3A_447, %mul3A_547 : vector<16xf32>
      %add3A_549 = arith.constant 3 : i32
      %add3A_550 = vector.broadcast %add3A_549 : i32 to vector<16xi32>
      %add3A_551 = arith.addi %mul3A_530, %add3A_550 : vector<16xi32>
      %gather3A_552 = tpu.vector_load_idx %arg11[%add3A_551] : memref<16384xf32, #tpu.memory_space<vmem>>[vector<16xi32>], vector<16xf32>,
      %mul3A_553 = arith.mulf %get3A_527, %gather3A_552 : vector<16xf32>
      %add3A_554 = arith.addf %add3A_453, %mul3A_553 : vector<16xf32>
      %add3A_555 = arith.constant 4 : i32
      %add3A_556 = vector.broadcast %add3A_555 : i32 to vector<16xi32>
      %add3A_557 = arith.addi %mul3A_530, %add3A_556 : vector<16xi32>
      %gather3A_558 = tpu.vector_load_idx %arg11[%add3A_557] : memref<16384xf32, #tpu.memory_space<vmem>>[vector<16xi32>], vector<16xf32>,
      %mul3A_559 = arith.mulf %get3A_527, %gather3A_558 : vector<16xf32>
      %add3A_560 = arith.addf %add3A_459, %mul3A_559 : vector<16xf32>
      %add3A_561 = arith.constant 5 : i32
      %add3A_562 = vector.broadcast %add3A_561 : i32 to vector<16xi32>
      %add3A_563 = arith.addi %mul3A_530, %add3A_562 : vector<16xi32>
      %gather3A_564 = tpu.vector_load_idx %arg11[%add3A_563] : memref<16384xf32, #tpu.memory_space<vmem>>[vector<16xi32>], vector<16xf32>,
      %mul3A_565 = arith.mulf %get3A_527, %gather3A_564 : vector<16xf32>
      %add3A_566 = arith.addf %add3A_465, %mul3A_565 : vector<16xf32>
      %add3A_567 = arith.constant 6 : i32
      %add3A_568 = vector.broadcast %add3A_567 : i32 to vector<16xi32>
      %add3A_569 = arith.addi %mul3A_530, %add3A_568 : vector<16xi32>
      %gather3A_570 = tpu.vector_load_idx %arg11[%add3A_569] : memref<16384xf32, #tpu.memory_space<vmem>>[vector<16xi32>], vector<16xf32>,
      %mul3A_571 = arith.mulf %get3A_527, %gather3A_570 : vector<16xf32>
      %add3A_572 = arith.addf %add3A_471, %mul3A_571 : vector<16xf32>
      %add3A_573 = arith.constant 7 : i32
      %add3A_574 = vector.broadcast %add3A_573 : i32 to vector<16xi32>
      %add3A_575 = arith.addi %mul3A_530, %add3A_574 : vector<16xi32>
      %gather3A_576 = tpu.vector_load_idx %arg11[%add3A_575] : memref<16384xf32, #tpu.memory_space<vmem>>[vector<16xi32>], vector<16xf32>,
      %mul3A_577 = arith.mulf %get3A_527, %gather3A_576 : vector<16xf32>
      %add3A_578 = arith.addf %add3A_477, %mul3A_577 : vector<16xf32>
      %add3A_579 = arith.constant 8 : i32
      %add3A_580 = vector.broadcast %add3A_579 : i32 to vector<16xi32>
      %add3A_581 = arith.addi %mul3A_530, %add3A_580 : vector<16xi32>
      %gather3A_582 = tpu.vector_load_idx %arg11[%add3A_581] : memref<16384xf32, #tpu.memory_space<vmem>>[vector<16xi32>], vector<16xf32>,
      %mul3A_583 = arith.mulf %get3A_527, %gather3A_582 : vector<16xf32>
      %add3A_584 = arith.addf %add3A_483, %mul3A_583 : vector<16xf32>
      %add3A_585 = arith.constant 9 : i32
      %add3A_586 = vector.broadcast %add3A_585 : i32 to vector<16xi32>
      %add3A_587 = arith.addi %mul3A_530, %add3A_586 : vector<16xi32>
      %gather3A_588 = tpu.vector_load_idx %arg11[%add3A_587] : memref<16384xf32, #tpu.memory_space<vmem>>[vector<16xi32>], vector<16xf32>,
      %mul3A_589 = arith.mulf %get3A_527, %gather3A_588 : vector<16xf32>
      %add3A_590 = arith.addf %add3A_489, %mul3A_589 : vector<16xf32>
      %add3A_591 = arith.constant 10 : i32
      %add3A_592 = vector.broadcast %add3A_591 : i32 to vector<16xi32>
      %add3A_593 = arith.addi %mul3A_530, %add3A_592 : vector<16xi32>
      %gather3A_594 = tpu.vector_load_idx %arg11[%add3A_593] : memref<16384xf32, #tpu.memory_space<vmem>>[vector<16xi32>], vector<16xf32>,
      %mul3A_595 = arith.mulf %get3A_527, %gather3A_594 : vector<16xf32>
      %add3A_596 = arith.addf %add3A_495, %mul3A_595 : vector<16xf32>
      %add3A_597 = arith.constant 11 : i32
      %add3A_598 = vector.broadcast %add3A_597 : i32 to vector<16xi32>
      %add3A_599 = arith.addi %mul3A_530, %add3A_598 : vector<16xi32>
      %gather3A_600 = tpu.vector_load_idx %arg11[%add3A_599] : memref<16384xf32, #tpu.memory_space<vmem>>[vector<16xi32>], vector<16xf32>,
      %mul3A_601 = arith.mulf %get3A_527, %gather3A_600 : vector<16xf32>
      %add3A_602 = arith.addf %add3A_501, %mul3A_601 : vector<16xf32>
      %add3A_603 = arith.constant 12 : i32
      %add3A_604 = vector.broadcast %add3A_603 : i32 to vector<16xi32>
      %add3A_605 = arith.addi %mul3A_530, %add3A_604 : vector<16xi32>
      %gather3A_606 = tpu.vector_load_idx %arg11[%add3A_605] : memref<16384xf32, #tpu.memory_space<vmem>>[vector<16xi32>], vector<16xf32>,
      %mul3A_607 = arith.mulf %get3A_527, %gather3A_606 : vector<16xf32>
      %add3A_608 = arith.addf %add3A_507, %mul3A_607 : vector<16xf32>
      %add3A_609 = arith.constant 13 : i32
      %add3A_610 = vector.broadcast %add3A_609 : i32 to vector<16xi32>
      %add3A_611 = arith.addi %mul3A_530, %add3A_610 : vector<16xi32>
      %gather3A_612 = tpu.vector_load_idx %arg11[%add3A_611] : memref<16384xf32, #tpu.memory_space<vmem>>[vector<16xi32>], vector<16xf32>,
      %mul3A_613 = arith.mulf %get3A_527, %gather3A_612 : vector<16xf32>
      %add3A_614 = arith.addf %add3A_513, %mul3A_613 : vector<16xf32>
      %add3A_615 = arith.constant 14 : i32
      %add3A_616 = vector.broadcast %add3A_615 : i32 to vector<16xi32>
      %add3A_617 = arith.addi %mul3A_530, %add3A_616 : vector<16xi32>
      %gather3A_618 = tpu.vector_load_idx %arg11[%add3A_617] : memref<16384xf32, #tpu.memory_space<vmem>>[vector<16xi32>], vector<16xf32>,
      %mul3A_619 = arith.mulf %get3A_527, %gather3A_618 : vector<16xf32>
      %add3A_620 = arith.addf %add3A_519, %mul3A_619 : vector<16xf32>
      %add3A_621 = arith.constant 4704 : i32
      %add3A_622 = arith.addi %add3A_621, %mul3A_290 : i32
      %get3A_623 = arith.index_cast %add3A_622 : i32 to index
      %get3A_624 = tpu.vector_load %arg9[%get3A_623] {strides = array<i32>} : memref<12544xi32, #tpu.memory_space<vmem>>, vector<16xi32>,
      %add3A_625 = arith.constant 4704 : i32
      %add3A_626 = arith.addi %add3A_625, %mul3A_290 : i32
      %get3A_627 = arith.index_cast %add3A_626 : i32 to index
      %get3A_628 = tpu.vector_load %arg10[%get3A_627] {strides = array<i32>} : memref<12544xf32, #tpu.memory_space<vmem>>, vector<16xf32>,
      %mul3A_629 = arith.constant 16 : i32
      %mul3A_630 = vector.broadcast %mul3A_629 : i32 to vector<16xi32>
      %mul3A_631 = arith.muli %get3A_624, %mul3A_630 : vector<16xi32>
      %add3A_632 = arith.constant 0 : i32
      %add3A_633 = vector.broadcast %add3A_632 : i32 to vector<16xi32>
      %add3A_634 = arith.addi %mul3A_631, %add3A_633 : vector<16xi32>
      %gather3A_635 = tpu.vector_load_idx %arg11[%add3A_634] : memref<16384xf32, #tpu.memory_space<vmem>>[vector<16xi32>], vector<16xf32>,
      %mul3A_636 = arith.mulf %get3A_628, %gather3A_635 : vector<16xf32>
      %add3A_637 = arith.addf %add3A_536, %mul3A_636 : vector<16xf32>
      %add3A_638 = arith.constant 1 : i32
      %add3A_639 = vector.broadcast %add3A_638 : i32 to vector<16xi32>
      %add3A_640 = arith.addi %mul3A_631, %add3A_639 : vector<16xi32>
      %gather3A_641 = tpu.vector_load_idx %arg11[%add3A_640] : memref<16384xf32, #tpu.memory_space<vmem>>[vector<16xi32>], vector<16xf32>,
      %mul3A_642 = arith.mulf %get3A_628, %gather3A_641 : vector<16xf32>
      %add3A_643 = arith.addf %add3A_542, %mul3A_642 : vector<16xf32>
      %add3A_644 = arith.constant 2 : i32
      %add3A_645 = vector.broadcast %add3A_644 : i32 to vector<16xi32>
      %add3A_646 = arith.addi %mul3A_631, %add3A_645 : vector<16xi32>
      %gather3A_647 = tpu.vector_load_idx %arg11[%add3A_646] : memref<16384xf32, #tpu.memory_space<vmem>>[vector<16xi32>], vector<16xf32>,
      %mul3A_648 = arith.mulf %get3A_628, %gather3A_647 : vector<16xf32>
      %add3A_649 = arith.addf %add3A_548, %mul3A_648 : vector<16xf32>
      %add3A_650 = arith.constant 3 : i32
      %add3A_651 = vector.broadcast %add3A_650 : i32 to vector<16xi32>
      %add3A_652 = arith.addi %mul3A_631, %add3A_651 : vector<16xi32>
      %gather3A_653 = tpu.vector_load_idx %arg11[%add3A_652] : memref<16384xf32, #tpu.memory_space<vmem>>[vector<16xi32>], vector<16xf32>,
      %mul3A_654 = arith.mulf %get3A_628, %gather3A_653 : vector<16xf32>
      %add3A_655 = arith.addf %add3A_554, %mul3A_654 : vector<16xf32>
      %add3A_656 = arith.constant 4 : i32
      %add3A_657 = vector.broadcast %add3A_656 : i32 to vector<16xi32>
      %add3A_658 = arith.addi %mul3A_631, %add3A_657 : vector<16xi32>
      %gather3A_659 = tpu.vector_load_idx %arg11[%add3A_658] : memref<16384xf32, #tpu.memory_space<vmem>>[vector<16xi32>], vector<16xf32>,
      %mul3A_660 = arith.mulf %get3A_628, %gather3A_659 : vector<16xf32>
      %add3A_661 = arith.addf %add3A_560, %mul3A_660 : vector<16xf32>
      %add3A_662 = arith.constant 5 : i32
      %add3A_663 = vector.broadcast %add3A_662 : i32 to vector<16xi32>
      %add3A_664 = arith.addi %mul3A_631, %add3A_663 : vector<16xi32>
      %gather3A_665 = tpu.vector_load_idx %arg11[%add3A_664] : memref<16384xf32, #tpu.memory_space<vmem>>[vector<16xi32>], vector<16xf32>,
      %mul3A_666 = arith.mulf %get3A_628, %gather3A_665 : vector<16xf32>
      %add3A_667 = arith.addf %add3A_566, %mul3A_666 : vector<16xf32>
      %add3A_668 = arith.constant 6 : i32
      %add3A_669 = vector.broadcast %add3A_668 : i32 to vector<16xi32>
      %add3A_670 = arith.addi %mul3A_631, %add3A_669 : vector<16xi32>
      %gather3A_671 = tpu.vector_load_idx %arg11[%add3A_670] : memref<16384xf32, #tpu.memory_space<vmem>>[vector<16xi32>], vector<16xf32>,
      %mul3A_672 = arith.mulf %get3A_628, %gather3A_671 : vector<16xf32>
      %add3A_673 = arith.addf %add3A_572, %mul3A_672 : vector<16xf32>
      %add3A_674 = arith.constant 7 : i32
      %add3A_675 = vector.broadcast %add3A_674 : i32 to vector<16xi32>
      %add3A_676 = arith.addi %mul3A_631, %add3A_675 : vector<16xi32>
      %gather3A_677 = tpu.vector_load_idx %arg11[%add3A_676] : memref<16384xf32, #tpu.memory_space<vmem>>[vector<16xi32>], vector<16xf32>,
      %mul3A_678 = arith.mulf %get3A_628, %gather3A_677 : vector<16xf32>
      %add3A_679 = arith.addf %add3A_578, %mul3A_678 : vector<16xf32>
      %add3A_680 = arith.constant 8 : i32
      %add3A_681 = vector.broadcast %add3A_680 : i32 to vector<16xi32>
      %add3A_682 = arith.addi %mul3A_631, %add3A_681 : vector<16xi32>
      %gather3A_683 = tpu.vector_load_idx %arg11[%add3A_682] : memref<16384xf32, #tpu.memory_space<vmem>>[vector<16xi32>], vector<16xf32>,
      %mul3A_684 = arith.mulf %get3A_628, %gather3A_683 : vector<16xf32>
      %add3A_685 = arith.addf %add3A_584, %mul3A_684 : vector<16xf32>
      %add3A_686 = arith.constant 9 : i32
      %add3A_687 = vector.broadcast %add3A_686 : i32 to vector<16xi32>
      %add3A_688 = arith.addi %mul3A_631, %add3A_687 : vector<16xi32>
      %gather3A_689 = tpu.vector_load_idx %arg11[%add3A_688] : memref<16384xf32, #tpu.memory_space<vmem>>[vector<16xi32>], vector<16xf32>,
      %mul3A_690 = arith.mulf %get3A_628, %gather3A_689 : vector<16xf32>
      %add3A_691 = arith.addf %add3A_590, %mul3A_690 : vector<16xf32>
      %add3A_692 = arith.constant 10 : i32
      %add3A_693 = vector.broadcast %add3A_692 : i32 to vector<16xi32>
      %add3A_694 = arith.addi %mul3A_631, %add3A_693 : vector<16xi32>
      %gather3A_695 = tpu.vector_load_idx %arg11[%add3A_694] : memref<16384xf32, #tpu.memory_space<vmem>>[vector<16xi32>], vector<16xf32>,
      %mul3A_696 = arith.mulf %get3A_628, %gather3A_695 : vector<16xf32>
      %add3A_697 = arith.addf %add3A_596, %mul3A_696 : vector<16xf32>
      %add3A_698 = arith.constant 11 : i32
      %add3A_699 = vector.broadcast %add3A_698 : i32 to vector<16xi32>
      %add3A_700 = arith.addi %mul3A_631, %add3A_699 : vector<16xi32>
      %gather3A_701 = tpu.vector_load_idx %arg11[%add3A_700] : memref<16384xf32, #tpu.memory_space<vmem>>[vector<16xi32>], vector<16xf32>,
      %mul3A_702 = arith.mulf %get3A_628, %gather3A_701 : vector<16xf32>
      %add3A_703 = arith.addf %add3A_602, %mul3A_702 : vector<16xf32>
      %add3A_704 = arith.constant 12 : i32
      %add3A_705 = vector.broadcast %add3A_704 : i32 to vector<16xi32>
      %add3A_706 = arith.addi %mul3A_631, %add3A_705 : vector<16xi32>
      %gather3A_707 = tpu.vector_load_idx %arg11[%add3A_706] : memref<16384xf32, #tpu.memory_space<vmem>>[vector<16xi32>], vector<16xf32>,
      %mul3A_708 = arith.mulf %get3A_628, %gather3A_707 : vector<16xf32>
      %add3A_709 = arith.addf %add3A_608, %mul3A_708 : vector<16xf32>
      %add3A_710 = arith.constant 13 : i32
      %add3A_711 = vector.broadcast %add3A_710 : i32 to vector<16xi32>
      %add3A_712 = arith.addi %mul3A_631, %add3A_711 : vector<16xi32>
      %gather3A_713 = tpu.vector_load_idx %arg11[%add3A_712] : memref<16384xf32, #tpu.memory_space<vmem>>[vector<16xi32>], vector<16xf32>,
      %mul3A_714 = arith.mulf %get3A_628, %gather3A_713 : vector<16xf32>
      %add3A_715 = arith.addf %add3A_614, %mul3A_714 : vector<16xf32>
      %add3A_716 = arith.constant 14 : i32
      %add3A_717 = vector.broadcast %add3A_716 : i32 to vector<16xi32>
      %add3A_718 = arith.addi %mul3A_631, %add3A_717 : vector<16xi32>
      %gather3A_719 = tpu.vector_load_idx %arg11[%add3A_718] : memref<16384xf32, #tpu.memory_space<vmem>>[vector<16xi32>], vector<16xf32>,
      %mul3A_720 = arith.mulf %get3A_628, %gather3A_719 : vector<16xf32>
      %add3A_721 = arith.addf %add3A_620, %mul3A_720 : vector<16xf32>
      %add3A_722 = arith.constant 6272 : i32
      %add3A_723 = arith.addi %add3A_722, %mul3A_290 : i32
      %get3A_724 = arith.index_cast %add3A_723 : i32 to index
      %get3A_725 = tpu.vector_load %arg9[%get3A_724] {strides = array<i32>} : memref<12544xi32, #tpu.memory_space<vmem>>, vector<16xi32>,
      %add3A_726 = arith.constant 6272 : i32
      %add3A_727 = arith.addi %add3A_726, %mul3A_290 : i32
      %get3A_728 = arith.index_cast %add3A_727 : i32 to index
      %get3A_729 = tpu.vector_load %arg10[%get3A_728] {strides = array<i32>} : memref<12544xf32, #tpu.memory_space<vmem>>, vector<16xf32>,
      %mul3A_730 = arith.constant 16 : i32
      %mul3A_731 = vector.broadcast %mul3A_730 : i32 to vector<16xi32>
      %mul3A_732 = arith.muli %get3A_725, %mul3A_731 : vector<16xi32>
      %add3A_733 = arith.constant 0 : i32
      %add3A_734 = vector.broadcast %add3A_733 : i32 to vector<16xi32>
      %add3A_735 = arith.addi %mul3A_732, %add3A_734 : vector<16xi32>
      %gather3A_736 = tpu.vector_load_idx %arg11[%add3A_735] : memref<16384xf32, #tpu.memory_space<vmem>>[vector<16xi32>], vector<16xf32>,
      %mul3A_737 = arith.mulf %get3A_729, %gather3A_736 : vector<16xf32>
      %add3A_738 = arith.addf %add3A_637, %mul3A_737 : vector<16xf32>
      %add3A_739 = arith.constant 1 : i32
      %add3A_740 = vector.broadcast %add3A_739 : i32 to vector<16xi32>
      %add3A_741 = arith.addi %mul3A_732, %add3A_740 : vector<16xi32>
      %gather3A_742 = tpu.vector_load_idx %arg11[%add3A_741] : memref<16384xf32, #tpu.memory_space<vmem>>[vector<16xi32>], vector<16xf32>,
      %mul3A_743 = arith.mulf %get3A_729, %gather3A_742 : vector<16xf32>
      %add3A_744 = arith.addf %add3A_643, %mul3A_743 : vector<16xf32>
      %add3A_745 = arith.constant 2 : i32
      %add3A_746 = vector.broadcast %add3A_745 : i32 to vector<16xi32>
      %add3A_747 = arith.addi %mul3A_732, %add3A_746 : vector<16xi32>
      %gather3A_748 = tpu.vector_load_idx %arg11[%add3A_747] : memref<16384xf32, #tpu.memory_space<vmem>>[vector<16xi32>], vector<16xf32>,
      %mul3A_749 = arith.mulf %get3A_729, %gather3A_748 : vector<16xf32>
      %add3A_750 = arith.addf %add3A_649, %mul3A_749 : vector<16xf32>
      %add3A_751 = arith.constant 3 : i32
      %add3A_752 = vector.broadcast %add3A_751 : i32 to vector<16xi32>
      %add3A_753 = arith.addi %mul3A_732, %add3A_752 : vector<16xi32>
      %gather3A_754 = tpu.vector_load_idx %arg11[%add3A_753] : memref<16384xf32, #tpu.memory_space<vmem>>[vector<16xi32>], vector<16xf32>,
      %mul3A_755 = arith.mulf %get3A_729, %gather3A_754 : vector<16xf32>
      %add3A_756 = arith.addf %add3A_655, %mul3A_755 : vector<16xf32>
      %add3A_757 = arith.constant 4 : i32
      %add3A_758 = vector.broadcast %add3A_757 : i32 to vector<16xi32>
      %add3A_759 = arith.addi %mul3A_732, %add3A_758 : vector<16xi32>
      %gather3A_760 = tpu.vector_load_idx %arg11[%add3A_759] : memref<16384xf32, #tpu.memory_space<vmem>>[vector<16xi32>], vector<16xf32>,
      %mul3A_761 = arith.mulf %get3A_729, %gather3A_760 : vector<16xf32>
      %add3A_762 = arith.addf %add3A_661, %mul3A_761 : vector<16xf32>
      %add3A_763 = arith.constant 5 : i32
      %add3A_764 = vector.broadcast %add3A_763 : i32 to vector<16xi32>
      %add3A_765 = arith.addi %mul3A_732, %add3A_764 : vector<16xi32>
      %gather3A_766 = tpu.vector_load_idx %arg11[%add3A_765] : memref<16384xf32, #tpu.memory_space<vmem>>[vector<16xi32>], vector<16xf32>,
      %mul3A_767 = arith.mulf %get3A_729, %gather3A_766 : vector<16xf32>
      %add3A_768 = arith.addf %add3A_667, %mul3A_767 : vector<16xf32>
      %add3A_769 = arith.constant 6 : i32
      %add3A_770 = vector.broadcast %add3A_769 : i32 to vector<16xi32>
      %add3A_771 = arith.addi %mul3A_732, %add3A_770 : vector<16xi32>
      %gather3A_772 = tpu.vector_load_idx %arg11[%add3A_771] : memref<16384xf32, #tpu.memory_space<vmem>>[vector<16xi32>], vector<16xf32>,
      %mul3A_773 = arith.mulf %get3A_729, %gather3A_772 : vector<16xf32>
      %add3A_774 = arith.addf %add3A_673, %mul3A_773 : vector<16xf32>
      %add3A_775 = arith.constant 7 : i32
      %add3A_776 = vector.broadcast %add3A_775 : i32 to vector<16xi32>
      %add3A_777 = arith.addi %mul3A_732, %add3A_776 : vector<16xi32>
      %gather3A_778 = tpu.vector_load_idx %arg11[%add3A_777] : memref<16384xf32, #tpu.memory_space<vmem>>[vector<16xi32>], vector<16xf32>,
      %mul3A_779 = arith.mulf %get3A_729, %gather3A_778 : vector<16xf32>
      %add3A_780 = arith.addf %add3A_679, %mul3A_779 : vector<16xf32>
      %add3A_781 = arith.constant 8 : i32
      %add3A_782 = vector.broadcast %add3A_781 : i32 to vector<16xi32>
      %add3A_783 = arith.addi %mul3A_732, %add3A_782 : vector<16xi32>
      %gather3A_784 = tpu.vector_load_idx %arg11[%add3A_783] : memref<16384xf32, #tpu.memory_space<vmem>>[vector<16xi32>], vector<16xf32>,
      %mul3A_785 = arith.mulf %get3A_729, %gather3A_784 : vector<16xf32>
      %add3A_786 = arith.addf %add3A_685, %mul3A_785 : vector<16xf32>
      %add3A_787 = arith.constant 9 : i32
      %add3A_788 = vector.broadcast %add3A_787 : i32 to vector<16xi32>
      %add3A_789 = arith.addi %mul3A_732, %add3A_788 : vector<16xi32>
      %gather3A_790 = tpu.vector_load_idx %arg11[%add3A_789] : memref<16384xf32, #tpu.memory_space<vmem>>[vector<16xi32>], vector<16xf32>,
      %mul3A_791 = arith.mulf %get3A_729, %gather3A_790 : vector<16xf32>
      %add3A_792 = arith.addf %add3A_691, %mul3A_791 : vector<16xf32>
      %add3A_793 = arith.constant 10 : i32
      %add3A_794 = vector.broadcast %add3A_793 : i32 to vector<16xi32>
      %add3A_795 = arith.addi %mul3A_732, %add3A_794 : vector<16xi32>
      %gather3A_796 = tpu.vector_load_idx %arg11[%add3A_795] : memref<16384xf32, #tpu.memory_space<vmem>>[vector<16xi32>], vector<16xf32>,
      %mul3A_797 = arith.mulf %get3A_729, %gather3A_796 : vector<16xf32>
      %add3A_798 = arith.addf %add3A_697, %mul3A_797 : vector<16xf32>
      %add3A_799 = arith.constant 11 : i32
      %add3A_800 = vector.broadcast %add3A_799 : i32 to vector<16xi32>
      %add3A_801 = arith.addi %mul3A_732, %add3A_800 : vector<16xi32>
      %gather3A_802 = tpu.vector_load_idx %arg11[%add3A_801] : memref<16384xf32, #tpu.memory_space<vmem>>[vector<16xi32>], vector<16xf32>,
      %mul3A_803 = arith.mulf %get3A_729, %gather3A_802 : vector<16xf32>
      %add3A_804 = arith.addf %add3A_703, %mul3A_803 : vector<16xf32>
      %add3A_805 = arith.constant 12 : i32
      %add3A_806 = vector.broadcast %add3A_805 : i32 to vector<16xi32>
      %add3A_807 = arith.addi %mul3A_732, %add3A_806 : vector<16xi32>
      %gather3A_808 = tpu.vector_load_idx %arg11[%add3A_807] : memref<16384xf32, #tpu.memory_space<vmem>>[vector<16xi32>], vector<16xf32>,
      %mul3A_809 = arith.mulf %get3A_729, %gather3A_808 : vector<16xf32>
      %add3A_810 = arith.addf %add3A_709, %mul3A_809 : vector<16xf32>
      %add3A_811 = arith.constant 13 : i32
      %add3A_812 = vector.broadcast %add3A_811 : i32 to vector<16xi32>
      %add3A_813 = arith.addi %mul3A_732, %add3A_812 : vector<16xi32>
      %gather3A_814 = tpu.vector_load_idx %arg11[%add3A_813] : memref<16384xf32, #tpu.memory_space<vmem>>[vector<16xi32>], vector<16xf32>,
      %mul3A_815 = arith.mulf %get3A_729, %gather3A_814 : vector<16xf32>
      %add3A_816 = arith.addf %add3A_715, %mul3A_815 : vector<16xf32>
      %add3A_817 = arith.constant 14 : i32
      %add3A_818 = vector.broadcast %add3A_817 : i32 to vector<16xi32>
      %add3A_819 = arith.addi %mul3A_732, %add3A_818 : vector<16xi32>
      %gather3A_820 = tpu.vector_load_idx %arg11[%add3A_819] : memref<16384xf32, #tpu.memory_space<vmem>>[vector<16xi32>], vector<16xf32>,
      %mul3A_821 = arith.mulf %get3A_729, %gather3A_820 : vector<16xf32>
      %add3A_822 = arith.addf %add3A_721, %mul3A_821 : vector<16xf32>
      %add3A_823 = arith.constant 7840 : i32
      %add3A_824 = arith.addi %add3A_823, %mul3A_290 : i32
      %get3A_825 = arith.index_cast %add3A_824 : i32 to index
      %get3A_826 = tpu.vector_load %arg9[%get3A_825] {strides = array<i32>} : memref<12544xi32, #tpu.memory_space<vmem>>, vector<16xi32>,
      %add3A_827 = arith.constant 7840 : i32
      %add3A_828 = arith.addi %add3A_827, %mul3A_290 : i32
      %get3A_829 = arith.index_cast %add3A_828 : i32 to index
      %get3A_830 = tpu.vector_load %arg10[%get3A_829] {strides = array<i32>} : memref<12544xf32, #tpu.memory_space<vmem>>, vector<16xf32>,
      %mul3A_831 = arith.constant 16 : i32
      %mul3A_832 = vector.broadcast %mul3A_831 : i32 to vector<16xi32>
      %mul3A_833 = arith.muli %get3A_826, %mul3A_832 : vector<16xi32>
      %add3A_834 = arith.constant 0 : i32
      %add3A_835 = vector.broadcast %add3A_834 : i32 to vector<16xi32>
      %add3A_836 = arith.addi %mul3A_833, %add3A_835 : vector<16xi32>
      %gather3A_837 = tpu.vector_load_idx %arg11[%add3A_836] : memref<16384xf32, #tpu.memory_space<vmem>>[vector<16xi32>], vector<16xf32>,
      %mul3A_838 = arith.mulf %get3A_830, %gather3A_837 : vector<16xf32>
      %add3A_839 = arith.addf %add3A_738, %mul3A_838 : vector<16xf32>
      %add3A_840 = arith.constant 1 : i32
      %add3A_841 = vector.broadcast %add3A_840 : i32 to vector<16xi32>
      %add3A_842 = arith.addi %mul3A_833, %add3A_841 : vector<16xi32>
      %gather3A_843 = tpu.vector_load_idx %arg11[%add3A_842] : memref<16384xf32, #tpu.memory_space<vmem>>[vector<16xi32>], vector<16xf32>,
      %mul3A_844 = arith.mulf %get3A_830, %gather3A_843 : vector<16xf32>
      %add3A_845 = arith.addf %add3A_744, %mul3A_844 : vector<16xf32>
      %add3A_846 = arith.constant 2 : i32
      %add3A_847 = vector.broadcast %add3A_846 : i32 to vector<16xi32>
      %add3A_848 = arith.addi %mul3A_833, %add3A_847 : vector<16xi32>
      %gather3A_849 = tpu.vector_load_idx %arg11[%add3A_848] : memref<16384xf32, #tpu.memory_space<vmem>>[vector<16xi32>], vector<16xf32>,
      %mul3A_850 = arith.mulf %get3A_830, %gather3A_849 : vector<16xf32>
      %add3A_851 = arith.addf %add3A_750, %mul3A_850 : vector<16xf32>
      %add3A_852 = arith.constant 3 : i32
      %add3A_853 = vector.broadcast %add3A_852 : i32 to vector<16xi32>
      %add3A_854 = arith.addi %mul3A_833, %add3A_853 : vector<16xi32>
      %gather3A_855 = tpu.vector_load_idx %arg11[%add3A_854] : memref<16384xf32, #tpu.memory_space<vmem>>[vector<16xi32>], vector<16xf32>,
      %mul3A_856 = arith.mulf %get3A_830, %gather3A_855 : vector<16xf32>
      %add3A_857 = arith.addf %add3A_756, %mul3A_856 : vector<16xf32>
      %add3A_858 = arith.constant 4 : i32
      %add3A_859 = vector.broadcast %add3A_858 : i32 to vector<16xi32>
      %add3A_860 = arith.addi %mul3A_833, %add3A_859 : vector<16xi32>
      %gather3A_861 = tpu.vector_load_idx %arg11[%add3A_860] : memref<16384xf32, #tpu.memory_space<vmem>>[vector<16xi32>], vector<16xf32>,
      %mul3A_862 = arith.mulf %get3A_830, %gather3A_861 : vector<16xf32>
      %add3A_863 = arith.addf %add3A_762, %mul3A_862 : vector<16xf32>
      %add3A_864 = arith.constant 5 : i32
      %add3A_865 = vector.broadcast %add3A_864 : i32 to vector<16xi32>
      %add3A_866 = arith.addi %mul3A_833, %add3A_865 : vector<16xi32>
      %gather3A_867 = tpu.vector_load_idx %arg11[%add3A_866] : memref<16384xf32, #tpu.memory_space<vmem>>[vector<16xi32>], vector<16xf32>,
      %mul3A_868 = arith.mulf %get3A_830, %gather3A_867 : vector<16xf32>
      %add3A_869 = arith.addf %add3A_768, %mul3A_868 : vector<16xf32>
      %add3A_870 = arith.constant 6 : i32
      %add3A_871 = vector.broadcast %add3A_870 : i32 to vector<16xi32>
      %add3A_872 = arith.addi %mul3A_833, %add3A_871 : vector<16xi32>
      %gather3A_873 = tpu.vector_load_idx %arg11[%add3A_872] : memref<16384xf32, #tpu.memory_space<vmem>>[vector<16xi32>], vector<16xf32>,
      %mul3A_874 = arith.mulf %get3A_830, %gather3A_873 : vector<16xf32>
      %add3A_875 = arith.addf %add3A_774, %mul3A_874 : vector<16xf32>
      %add3A_876 = arith.constant 7 : i32
      %add3A_877 = vector.broadcast %add3A_876 : i32 to vector<16xi32>
      %add3A_878 = arith.addi %mul3A_833, %add3A_877 : vector<16xi32>
      %gather3A_879 = tpu.vector_load_idx %arg11[%add3A_878] : memref<16384xf32, #tpu.memory_space<vmem>>[vector<16xi32>], vector<16xf32>,
      %mul3A_880 = arith.mulf %get3A_830, %gather3A_879 : vector<16xf32>
      %add3A_881 = arith.addf %add3A_780, %mul3A_880 : vector<16xf32>
      %add3A_882 = arith.constant 8 : i32
      %add3A_883 = vector.broadcast %add3A_882 : i32 to vector<16xi32>
      %add3A_884 = arith.addi %mul3A_833, %add3A_883 : vector<16xi32>
      %gather3A_885 = tpu.vector_load_idx %arg11[%add3A_884] : memref<16384xf32, #tpu.memory_space<vmem>>[vector<16xi32>], vector<16xf32>,
      %mul3A_886 = arith.mulf %get3A_830, %gather3A_885 : vector<16xf32>
      %add3A_887 = arith.addf %add3A_786, %mul3A_886 : vector<16xf32>
      %add3A_888 = arith.constant 9 : i32
      %add3A_889 = vector.broadcast %add3A_888 : i32 to vector<16xi32>
      %add3A_890 = arith.addi %mul3A_833, %add3A_889 : vector<16xi32>
      %gather3A_891 = tpu.vector_load_idx %arg11[%add3A_890] : memref<16384xf32, #tpu.memory_space<vmem>>[vector<16xi32>], vector<16xf32>,
      %mul3A_892 = arith.mulf %get3A_830, %gather3A_891 : vector<16xf32>
      %add3A_893 = arith.addf %add3A_792, %mul3A_892 : vector<16xf32>
      %add3A_894 = arith.constant 10 : i32
      %add3A_895 = vector.broadcast %add3A_894 : i32 to vector<16xi32>
      %add3A_896 = arith.addi %mul3A_833, %add3A_895 : vector<16xi32>
      %gather3A_897 = tpu.vector_load_idx %arg11[%add3A_896] : memref<16384xf32, #tpu.memory_space<vmem>>[vector<16xi32>], vector<16xf32>,
      %mul3A_898 = arith.mulf %get3A_830, %gather3A_897 : vector<16xf32>
      %add3A_899 = arith.addf %add3A_798, %mul3A_898 : vector<16xf32>
      %add3A_900 = arith.constant 11 : i32
      %add3A_901 = vector.broadcast %add3A_900 : i32 to vector<16xi32>
      %add3A_902 = arith.addi %mul3A_833, %add3A_901 : vector<16xi32>
      %gather3A_903 = tpu.vector_load_idx %arg11[%add3A_902] : memref<16384xf32, #tpu.memory_space<vmem>>[vector<16xi32>], vector<16xf32>,
      %mul3A_904 = arith.mulf %get3A_830, %gather3A_903 : vector<16xf32>
      %add3A_905 = arith.addf %add3A_804, %mul3A_904 : vector<16xf32>
      %add3A_906 = arith.constant 12 : i32
      %add3A_907 = vector.broadcast %add3A_906 : i32 to vector<16xi32>
      %add3A_908 = arith.addi %mul3A_833, %add3A_907 : vector<16xi32>
      %gather3A_909 = tpu.vector_load_idx %arg11[%add3A_908] : memref<16384xf32, #tpu.memory_space<vmem>>[vector<16xi32>], vector<16xf32>,
      %mul3A_910 = arith.mulf %get3A_830, %gather3A_909 : vector<16xf32>
      %add3A_911 = arith.addf %add3A_810, %mul3A_910 : vector<16xf32>
      %add3A_912 = arith.constant 13 : i32
      %add3A_913 = vector.broadcast %add3A_912 : i32 to vector<16xi32>
      %add3A_914 = arith.addi %mul3A_833, %add3A_913 : vector<16xi32>
      %gather3A_915 = tpu.vector_load_idx %arg11[%add3A_914] : memref<16384xf32, #tpu.memory_space<vmem>>[vector<16xi32>], vector<16xf32>,
      %mul3A_916 = arith.mulf %get3A_830, %gather3A_915 : vector<16xf32>
      %add3A_917 = arith.addf %add3A_816, %mul3A_916 : vector<16xf32>
      %add3A_918 = arith.constant 14 : i32
      %add3A_919 = vector.broadcast %add3A_918 : i32 to vector<16xi32>
      %add3A_920 = arith.addi %mul3A_833, %add3A_919 : vector<16xi32>
      %gather3A_921 = tpu.vector_load_idx %arg11[%add3A_920] : memref<16384xf32, #tpu.memory_space<vmem>>[vector<16xi32>], vector<16xf32>,
      %mul3A_922 = arith.mulf %get3A_830, %gather3A_921 : vector<16xf32>
      %add3A_923 = arith.addf %add3A_822, %mul3A_922 : vector<16xf32>
      %add3A_924 = arith.constant 9408 : i32
      %add3A_925 = arith.addi %add3A_924, %mul3A_290 : i32
      %get3A_926 = arith.index_cast %add3A_925 : i32 to index
      %get3A_927 = tpu.vector_load %arg9[%get3A_926] {strides = array<i32>} : memref<12544xi32, #tpu.memory_space<vmem>>, vector<16xi32>,
      %add3A_928 = arith.constant 9408 : i32
      %add3A_929 = arith.addi %add3A_928, %mul3A_290 : i32
      %get3A_930 = arith.index_cast %add3A_929 : i32 to index
      %get3A_931 = tpu.vector_load %arg10[%get3A_930] {strides = array<i32>} : memref<12544xf32, #tpu.memory_space<vmem>>, vector<16xf32>,
      %mul3A_932 = arith.constant 16 : i32
      %mul3A_933 = vector.broadcast %mul3A_932 : i32 to vector<16xi32>
      %mul3A_934 = arith.muli %get3A_927, %mul3A_933 : vector<16xi32>
      %add3A_935 = arith.constant 0 : i32
      %add3A_936 = vector.broadcast %add3A_935 : i32 to vector<16xi32>
      %add3A_937 = arith.addi %mul3A_934, %add3A_936 : vector<16xi32>
      %gather3A_938 = tpu.vector_load_idx %arg11[%add3A_937] : memref<16384xf32, #tpu.memory_space<vmem>>[vector<16xi32>], vector<16xf32>,
      %mul3A_939 = arith.mulf %get3A_931, %gather3A_938 : vector<16xf32>
      %add3A_940 = arith.addf %add3A_839, %mul3A_939 : vector<16xf32>
      %add3A_941 = arith.constant 1 : i32
      %add3A_942 = vector.broadcast %add3A_941 : i32 to vector<16xi32>
      %add3A_943 = arith.addi %mul3A_934, %add3A_942 : vector<16xi32>
      %gather3A_944 = tpu.vector_load_idx %arg11[%add3A_943] : memref<16384xf32, #tpu.memory_space<vmem>>[vector<16xi32>], vector<16xf32>,
      %mul3A_945 = arith.mulf %get3A_931, %gather3A_944 : vector<16xf32>
      %add3A_946 = arith.addf %add3A_845, %mul3A_945 : vector<16xf32>
      %add3A_947 = arith.constant 2 : i32
      %add3A_948 = vector.broadcast %add3A_947 : i32 to vector<16xi32>
      %add3A_949 = arith.addi %mul3A_934, %add3A_948 : vector<16xi32>
      %gather3A_950 = tpu.vector_load_idx %arg11[%add3A_949] : memref<16384xf32, #tpu.memory_space<vmem>>[vector<16xi32>], vector<16xf32>,
      %mul3A_951 = arith.mulf %get3A_931, %gather3A_950 : vector<16xf32>
      %add3A_952 = arith.addf %add3A_851, %mul3A_951 : vector<16xf32>
      %add3A_953 = arith.constant 3 : i32
      %add3A_954 = vector.broadcast %add3A_953 : i32 to vector<16xi32>
      %add3A_955 = arith.addi %mul3A_934, %add3A_954 : vector<16xi32>
      %gather3A_956 = tpu.vector_load_idx %arg11[%add3A_955] : memref<16384xf32, #tpu.memory_space<vmem>>[vector<16xi32>], vector<16xf32>,
      %mul3A_957 = arith.mulf %get3A_931, %gather3A_956 : vector<16xf32>
      %add3A_958 = arith.addf %add3A_857, %mul3A_957 : vector<16xf32>
      %add3A_959 = arith.constant 4 : i32
      %add3A_960 = vector.broadcast %add3A_959 : i32 to vector<16xi32>
      %add3A_961 = arith.addi %mul3A_934, %add3A_960 : vector<16xi32>
      %gather3A_962 = tpu.vector_load_idx %arg11[%add3A_961] : memref<16384xf32, #tpu.memory_space<vmem>>[vector<16xi32>], vector<16xf32>,
      %mul3A_963 = arith.mulf %get3A_931, %gather3A_962 : vector<16xf32>
      %add3A_964 = arith.addf %add3A_863, %mul3A_963 : vector<16xf32>
      %add3A_965 = arith.constant 5 : i32
      %add3A_966 = vector.broadcast %add3A_965 : i32 to vector<16xi32>
      %add3A_967 = arith.addi %mul3A_934, %add3A_966 : vector<16xi32>
      %gather3A_968 = tpu.vector_load_idx %arg11[%add3A_967] : memref<16384xf32, #tpu.memory_space<vmem>>[vector<16xi32>], vector<16xf32>,
      %mul3A_969 = arith.mulf %get3A_931, %gather3A_968 : vector<16xf32>
      %add3A_970 = arith.addf %add3A_869, %mul3A_969 : vector<16xf32>
      %add3A_971 = arith.constant 6 : i32
      %add3A_972 = vector.broadcast %add3A_971 : i32 to vector<16xi32>
      %add3A_973 = arith.addi %mul3A_934, %add3A_972 : vector<16xi32>
      %gather3A_974 = tpu.vector_load_idx %arg11[%add3A_973] : memref<16384xf32, #tpu.memory_space<vmem>>[vector<16xi32>], vector<16xf32>,
      %mul3A_975 = arith.mulf %get3A_931, %gather3A_974 : vector<16xf32>
      %add3A_976 = arith.addf %add3A_875, %mul3A_975 : vector<16xf32>
      %add3A_977 = arith.constant 7 : i32
      %add3A_978 = vector.broadcast %add3A_977 : i32 to vector<16xi32>
      %add3A_979 = arith.addi %mul3A_934, %add3A_978 : vector<16xi32>
      %gather3A_980 = tpu.vector_load_idx %arg11[%add3A_979] : memref<16384xf32, #tpu.memory_space<vmem>>[vector<16xi32>], vector<16xf32>,
      %mul3A_981 = arith.mulf %get3A_931, %gather3A_980 : vector<16xf32>
      %add3A_982 = arith.addf %add3A_881, %mul3A_981 : vector<16xf32>
      %add3A_983 = arith.constant 8 : i32
      %add3A_984 = vector.broadcast %add3A_983 : i32 to vector<16xi32>
      %add3A_985 = arith.addi %mul3A_934, %add3A_984 : vector<16xi32>
      %gather3A_986 = tpu.vector_load_idx %arg11[%add3A_985] : memref<16384xf32, #tpu.memory_space<vmem>>[vector<16xi32>], vector<16xf32>,
      %mul3A_987 = arith.mulf %get3A_931, %gather3A_986 : vector<16xf32>
      %add3A_988 = arith.addf %add3A_887, %mul3A_987 : vector<16xf32>
      %add3A_989 = arith.constant 9 : i32
      %add3A_990 = vector.broadcast %add3A_989 : i32 to vector<16xi32>
      %add3A_991 = arith.addi %mul3A_934, %add3A_990 : vector<16xi32>
      %gather3A_992 = tpu.vector_load_idx %arg11[%add3A_991] : memref<16384xf32, #tpu.memory_space<vmem>>[vector<16xi32>], vector<16xf32>,
      %mul3A_993 = arith.mulf %get3A_931, %gather3A_992 : vector<16xf32>
      %add3A_994 = arith.addf %add3A_893, %mul3A_993 : vector<16xf32>
      %add3A_995 = arith.constant 10 : i32
      %add3A_996 = vector.broadcast %add3A_995 : i32 to vector<16xi32>
      %add3A_997 = arith.addi %mul3A_934, %add3A_996 : vector<16xi32>
      %gather3A_998 = tpu.vector_load_idx %arg11[%add3A_997] : memref<16384xf32, #tpu.memory_space<vmem>>[vector<16xi32>], vector<16xf32>,
      %mul3A_999 = arith.mulf %get3A_931, %gather3A_998 : vector<16xf32>
      %add3A_1000 = arith.addf %add3A_899, %mul3A_999 : vector<16xf32>
      %add3A_1001 = arith.constant 11 : i32
      %add3A_1002 = vector.broadcast %add3A_1001 : i32 to vector<16xi32>
      %add3A_1003 = arith.addi %mul3A_934, %add3A_1002 : vector<16xi32>
      %gather3A_1004 = tpu.vector_load_idx %arg11[%add3A_1003] : memref<16384xf32, #tpu.memory_space<vmem>>[vector<16xi32>], vector<16xf32>,
      %mul3A_1005 = arith.mulf %get3A_931, %gather3A_1004 : vector<16xf32>
      %add3A_1006 = arith.addf %add3A_905, %mul3A_1005 : vector<16xf32>
      %add3A_1007 = arith.constant 12 : i32
      %add3A_1008 = vector.broadcast %add3A_1007 : i32 to vector<16xi32>
      %add3A_1009 = arith.addi %mul3A_934, %add3A_1008 : vector<16xi32>
      %gather3A_1010 = tpu.vector_load_idx %arg11[%add3A_1009] : memref<16384xf32, #tpu.memory_space<vmem>>[vector<16xi32>], vector<16xf32>,
      %mul3A_1011 = arith.mulf %get3A_931, %gather3A_1010 : vector<16xf32>
      %add3A_1012 = arith.addf %add3A_911, %mul3A_1011 : vector<16xf32>
      %add3A_1013 = arith.constant 13 : i32
      %add3A_1014 = vector.broadcast %add3A_1013 : i32 to vector<16xi32>
      %add3A_1015 = arith.addi %mul3A_934, %add3A_1014 : vector<16xi32>
      %gather3A_1016 = tpu.vector_load_idx %arg11[%add3A_1015] : memref<16384xf32, #tpu.memory_space<vmem>>[vector<16xi32>], vector<16xf32>,
      %mul3A_1017 = arith.mulf %get3A_931, %gather3A_1016 : vector<16xf32>
      %add3A_1018 = arith.addf %add3A_917, %mul3A_1017 : vector<16xf32>
      %add3A_1019 = arith.constant 14 : i32
      %add3A_1020 = vector.broadcast %add3A_1019 : i32 to vector<16xi32>
      %add3A_1021 = arith.addi %mul3A_934, %add3A_1020 : vector<16xi32>
      %gather3A_1022 = tpu.vector_load_idx %arg11[%add3A_1021] : memref<16384xf32, #tpu.memory_space<vmem>>[vector<16xi32>], vector<16xf32>,
      %mul3A_1023 = arith.mulf %get3A_931, %gather3A_1022 : vector<16xf32>
      %add3A_1024 = arith.addf %add3A_923, %mul3A_1023 : vector<16xf32>
      %add3A_1025 = arith.constant 10976 : i32
      %add3A_1026 = arith.addi %add3A_1025, %mul3A_290 : i32
      %get3A_1027 = arith.index_cast %add3A_1026 : i32 to index
      %get3A_1028 = tpu.vector_load %arg9[%get3A_1027] {strides = array<i32>} : memref<12544xi32, #tpu.memory_space<vmem>>, vector<16xi32>,
      %add3A_1029 = arith.constant 10976 : i32
      %add3A_1030 = arith.addi %add3A_1029, %mul3A_290 : i32
      %get3A_1031 = arith.index_cast %add3A_1030 : i32 to index
      %get3A_1032 = tpu.vector_load %arg10[%get3A_1031] {strides = array<i32>} : memref<12544xf32, #tpu.memory_space<vmem>>, vector<16xf32>,
      %mul3A_1033 = arith.constant 16 : i32
      %mul3A_1034 = vector.broadcast %mul3A_1033 : i32 to vector<16xi32>
      %mul3A_1035 = arith.muli %get3A_1028, %mul3A_1034 : vector<16xi32>
      %add3A_1036 = arith.constant 0 : i32
      %add3A_1037 = vector.broadcast %add3A_1036 : i32 to vector<16xi32>
      %add3A_1038 = arith.addi %mul3A_1035, %add3A_1037 : vector<16xi32>
      %gather3A_1039 = tpu.vector_load_idx %arg11[%add3A_1038] : memref<16384xf32, #tpu.memory_space<vmem>>[vector<16xi32>], vector<16xf32>,
      %mul3A_1040 = arith.mulf %get3A_1032, %gather3A_1039 : vector<16xf32>
      %add3A_1041 = arith.addf %add3A_940, %mul3A_1040 : vector<16xf32>
      %add3A_1042 = arith.constant 1 : i32
      %add3A_1043 = vector.broadcast %add3A_1042 : i32 to vector<16xi32>
      %add3A_1044 = arith.addi %mul3A_1035, %add3A_1043 : vector<16xi32>
      %gather3A_1045 = tpu.vector_load_idx %arg11[%add3A_1044] : memref<16384xf32, #tpu.memory_space<vmem>>[vector<16xi32>], vector<16xf32>,
      %mul3A_1046 = arith.mulf %get3A_1032, %gather3A_1045 : vector<16xf32>
      %add3A_1047 = arith.addf %add3A_946, %mul3A_1046 : vector<16xf32>
      %add3A_1048 = arith.constant 2 : i32
      %add3A_1049 = vector.broadcast %add3A_1048 : i32 to vector<16xi32>
      %add3A_1050 = arith.addi %mul3A_1035, %add3A_1049 : vector<16xi32>
      %gather3A_1051 = tpu.vector_load_idx %arg11[%add3A_1050] : memref<16384xf32, #tpu.memory_space<vmem>>[vector<16xi32>], vector<16xf32>,
      %mul3A_1052 = arith.mulf %get3A_1032, %gather3A_1051 : vector<16xf32>
      %add3A_1053 = arith.addf %add3A_952, %mul3A_1052 : vector<16xf32>
      %add3A_1054 = arith.constant 3 : i32
      %add3A_1055 = vector.broadcast %add3A_1054 : i32 to vector<16xi32>
      %add3A_1056 = arith.addi %mul3A_1035, %add3A_1055 : vector<16xi32>
      %gather3A_1057 = tpu.vector_load_idx %arg11[%add3A_1056] : memref<16384xf32, #tpu.memory_space<vmem>>[vector<16xi32>], vector<16xf32>,
      %mul3A_1058 = arith.mulf %get3A_1032, %gather3A_1057 : vector<16xf32>
      %add3A_1059 = arith.addf %add3A_958, %mul3A_1058 : vector<16xf32>
      %add3A_1060 = arith.constant 4 : i32
      %add3A_1061 = vector.broadcast %add3A_1060 : i32 to vector<16xi32>
      %add3A_1062 = arith.addi %mul3A_1035, %add3A_1061 : vector<16xi32>
      %gather3A_1063 = tpu.vector_load_idx %arg11[%add3A_1062] : memref<16384xf32, #tpu.memory_space<vmem>>[vector<16xi32>], vector<16xf32>,
      %mul3A_1064 = arith.mulf %get3A_1032, %gather3A_1063 : vector<16xf32>
      %add3A_1065 = arith.addf %add3A_964, %mul3A_1064 : vector<16xf32>
      %add3A_1066 = arith.constant 5 : i32
      %add3A_1067 = vector.broadcast %add3A_1066 : i32 to vector<16xi32>
      %add3A_1068 = arith.addi %mul3A_1035, %add3A_1067 : vector<16xi32>
      %gather3A_1069 = tpu.vector_load_idx %arg11[%add3A_1068] : memref<16384xf32, #tpu.memory_space<vmem>>[vector<16xi32>], vector<16xf32>,
      %mul3A_1070 = arith.mulf %get3A_1032, %gather3A_1069 : vector<16xf32>
      %add3A_1071 = arith.addf %add3A_970, %mul3A_1070 : vector<16xf32>
      %add3A_1072 = arith.constant 6 : i32
      %add3A_1073 = vector.broadcast %add3A_1072 : i32 to vector<16xi32>
      %add3A_1074 = arith.addi %mul3A_1035, %add3A_1073 : vector<16xi32>
      %gather3A_1075 = tpu.vector_load_idx %arg11[%add3A_1074] : memref<16384xf32, #tpu.memory_space<vmem>>[vector<16xi32>], vector<16xf32>,
      %mul3A_1076 = arith.mulf %get3A_1032, %gather3A_1075 : vector<16xf32>
      %add3A_1077 = arith.addf %add3A_976, %mul3A_1076 : vector<16xf32>
      %add3A_1078 = arith.constant 7 : i32
      %add3A_1079 = vector.broadcast %add3A_1078 : i32 to vector<16xi32>
      %add3A_1080 = arith.addi %mul3A_1035, %add3A_1079 : vector<16xi32>
      %gather3A_1081 = tpu.vector_load_idx %arg11[%add3A_1080] : memref<16384xf32, #tpu.memory_space<vmem>>[vector<16xi32>], vector<16xf32>,
      %mul3A_1082 = arith.mulf %get3A_1032, %gather3A_1081 : vector<16xf32>
      %add3A_1083 = arith.addf %add3A_982, %mul3A_1082 : vector<16xf32>
      %add3A_1084 = arith.constant 8 : i32
      %add3A_1085 = vector.broadcast %add3A_1084 : i32 to vector<16xi32>
      %add3A_1086 = arith.addi %mul3A_1035, %add3A_1085 : vector<16xi32>
      %gather3A_1087 = tpu.vector_load_idx %arg11[%add3A_1086] : memref<16384xf32, #tpu.memory_space<vmem>>[vector<16xi32>], vector<16xf32>,
      %mul3A_1088 = arith.mulf %get3A_1032, %gather3A_1087 : vector<16xf32>
      %add3A_1089 = arith.addf %add3A_988, %mul3A_1088 : vector<16xf32>
      %add3A_1090 = arith.constant 9 : i32
      %add3A_1091 = vector.broadcast %add3A_1090 : i32 to vector<16xi32>
      %add3A_1092 = arith.addi %mul3A_1035, %add3A_1091 : vector<16xi32>
      %gather3A_1093 = tpu.vector_load_idx %arg11[%add3A_1092] : memref<16384xf32, #tpu.memory_space<vmem>>[vector<16xi32>], vector<16xf32>,
      %mul3A_1094 = arith.mulf %get3A_1032, %gather3A_1093 : vector<16xf32>
      %add3A_1095 = arith.addf %add3A_994, %mul3A_1094 : vector<16xf32>
      %add3A_1096 = arith.constant 10 : i32
      %add3A_1097 = vector.broadcast %add3A_1096 : i32 to vector<16xi32>
      %add3A_1098 = arith.addi %mul3A_1035, %add3A_1097 : vector<16xi32>
      %gather3A_1099 = tpu.vector_load_idx %arg11[%add3A_1098] : memref<16384xf32, #tpu.memory_space<vmem>>[vector<16xi32>], vector<16xf32>,
      %mul3A_1100 = arith.mulf %get3A_1032, %gather3A_1099 : vector<16xf32>
      %add3A_1101 = arith.addf %add3A_1000, %mul3A_1100 : vector<16xf32>
      %add3A_1102 = arith.constant 11 : i32
      %add3A_1103 = vector.broadcast %add3A_1102 : i32 to vector<16xi32>
      %add3A_1104 = arith.addi %mul3A_1035, %add3A_1103 : vector<16xi32>
      %gather3A_1105 = tpu.vector_load_idx %arg11[%add3A_1104] : memref<16384xf32, #tpu.memory_space<vmem>>[vector<16xi32>], vector<16xf32>,
      %mul3A_1106 = arith.mulf %get3A_1032, %gather3A_1105 : vector<16xf32>
      %add3A_1107 = arith.addf %add3A_1006, %mul3A_1106 : vector<16xf32>
      %add3A_1108 = arith.constant 12 : i32
      %add3A_1109 = vector.broadcast %add3A_1108 : i32 to vector<16xi32>
      %add3A_1110 = arith.addi %mul3A_1035, %add3A_1109 : vector<16xi32>
      %gather3A_1111 = tpu.vector_load_idx %arg11[%add3A_1110] : memref<16384xf32, #tpu.memory_space<vmem>>[vector<16xi32>], vector<16xf32>,
      %mul3A_1112 = arith.mulf %get3A_1032, %gather3A_1111 : vector<16xf32>
      %add3A_1113 = arith.addf %add3A_1012, %mul3A_1112 : vector<16xf32>
      %add3A_1114 = arith.constant 13 : i32
      %add3A_1115 = vector.broadcast %add3A_1114 : i32 to vector<16xi32>
      %add3A_1116 = arith.addi %mul3A_1035, %add3A_1115 : vector<16xi32>
      %gather3A_1117 = tpu.vector_load_idx %arg11[%add3A_1116] : memref<16384xf32, #tpu.memory_space<vmem>>[vector<16xi32>], vector<16xf32>,
      %mul3A_1118 = arith.mulf %get3A_1032, %gather3A_1117 : vector<16xf32>
      %add3A_1119 = arith.addf %add3A_1018, %mul3A_1118 : vector<16xf32>
      %add3A_1120 = arith.constant 14 : i32
      %add3A_1121 = vector.broadcast %add3A_1120 : i32 to vector<16xi32>
      %add3A_1122 = arith.addi %mul3A_1035, %add3A_1121 : vector<16xi32>
      %gather3A_1123 = tpu.vector_load_idx %arg11[%add3A_1122] : memref<16384xf32, #tpu.memory_space<vmem>>[vector<16xi32>], vector<16xf32>,
      %mul3A_1124 = arith.mulf %get3A_1032, %gather3A_1123 : vector<16xf32>
      %add3A_1125 = arith.addf %add3A_1024, %mul3A_1124 : vector<16xf32>
      %get3A_1126 = arith.index_cast %mul3A_290 : i32 to index
      %get3A_1127 = tpu.vector_load %arg8[%get3A_1126] {strides = array<i32>} : memref<4704xf32, #tpu.memory_space<vmem>>, vector<16xf32>,
      %add3A_1128 = arith.constant 1568 : i32
      %add3A_1129 = arith.addi %add3A_1128, %mul3A_290 : i32
      %get3A_1130 = arith.index_cast %add3A_1129 : i32 to index
      %get3A_1131 = tpu.vector_load %arg8[%get3A_1130] {strides = array<i32>} : memref<4704xf32, #tpu.memory_space<vmem>>, vector<16xf32>,
      %add3A_1132 = arith.constant 3136 : i32
      %add3A_1133 = arith.addi %add3A_1132, %mul3A_290 : i32
      %get3A_1134 = arith.index_cast %add3A_1133 : i32 to index
      %get3A_1135 = tpu.vector_load %arg8[%get3A_1134] {strides = array<i32>} : memref<4704xf32, #tpu.memory_space<vmem>>, vector<16xf32>,
      %mul3A_1136 = arith.mulf %add3A_1041, %get3A_1127 : vector<16xf32>
      %mul3A_1137 = arith.mulf %add3A_1047, %get3A_1131 : vector<16xf32>
      %add3A_1138 = arith.addf %mul3A_1136, %mul3A_1137 : vector<16xf32>
      %mul3A_1139 = arith.mulf %add3A_1053, %get3A_1135 : vector<16xf32>
      %add3A_1140 = arith.addf %add3A_1138, %mul3A_1139 : vector<16xf32>
      %add3A_1141 = arith.addf %add3A_1140, %add3A_1095 : vector<16xf32>
      %swap3A = arith.index_cast %mul3A_290 : i32 to index
      %swap3A_1142 = tpu.vector_load %arg12[%swap3A] {strides = array<i32>} : memref<4704xf32, #tpu.memory_space<vmem>>, vector<16xf32>,
      tpu.vector_store %arg12[%swap3A], %add3A_1141 {strides = array<i32>} : memref<4704xf32, #tpu.memory_space<vmem>>, vector<16xf32>,
      %mul3A_1143 = arith.mulf %add3A_1059, %get3A_1127 : vector<16xf32>
      %mul3A_1144 = arith.mulf %add3A_1065, %get3A_1131 : vector<16xf32>
      %add3A_1145 = arith.addf %mul3A_1143, %mul3A_1144 : vector<16xf32>
      %mul3A_1146 = arith.mulf %add3A_1071, %get3A_1135 : vector<16xf32>
      %add3A_1147 = arith.addf %add3A_1145, %mul3A_1146 : vector<16xf32>
      %add3A_1148 = arith.addf %add3A_1147, %add3A_1101 : vector<16xf32>
      %add3A_1149 = arith.constant 1568 : i32
      %add3A_1150 = arith.addi %add3A_1149, %mul3A_290 : i32
      %swap3A_1151 = arith.index_cast %add3A_1150 : i32 to index
      %swap3A_1152 = tpu.vector_load %arg12[%swap3A_1151] {strides = array<i32>} : memref<4704xf32, #tpu.memory_space<vmem>>, vector<16xf32>,
      tpu.vector_store %arg12[%swap3A_1151], %add3A_1148 {strides = array<i32>} : memref<4704xf32, #tpu.memory_space<vmem>>, vector<16xf32>,
      %mul3A_1153 = arith.mulf %add3A_1077, %get3A_1127 : vector<16xf32>
      %mul3A_1154 = arith.mulf %add3A_1083, %get3A_1131 : vector<16xf32>
      %add3A_1155 = arith.addf %mul3A_1153, %mul3A_1154 : vector<16xf32>
      %mul3A_1156 = arith.mulf %add3A_1089, %get3A_1135 : vector<16xf32>
      %add3A_1157 = arith.addf %add3A_1155, %mul3A_1156 : vector<16xf32>
      %add3A_1158 = arith.addf %add3A_1157, %add3A_1107 : vector<16xf32>
      %add3A_1159 = arith.constant 3136 : i32
      %add3A_1160 = arith.addi %add3A_1159, %mul3A_290 : i32
      %swap3A_1161 = arith.index_cast %add3A_1160 : i32 to index
      %swap3A_1162 = tpu.vector_load %arg12[%swap3A_1161] {strides = array<i32>} : memref<4704xf32, #tpu.memory_space<vmem>>, vector<16xf32>,
      tpu.vector_store %arg12[%swap3A_1161], %add3A_1158 {strides = array<i32>} : memref<4704xf32, #tpu.memory_space<vmem>>, vector<16xf32>,
      %swap3A_1163 = arith.index_cast %mul3A_290 : i32 to index
      %swap3A_1164 = tpu.vector_load %arg13[%swap3A_1163] {strides = array<i32>} : memref<4704xf32, #tpu.memory_space<vmem>>, vector<16xf32>,
      tpu.vector_store %arg13[%swap3A_1163], %add3A_1113 {strides = array<i32>} : memref<4704xf32, #tpu.memory_space<vmem>>, vector<16xf32>,
      %add3A_1165 = arith.constant 1568 : i32
      %add3A_1166 = arith.addi %add3A_1165, %mul3A_290 : i32
      %swap3A_1167 = arith.index_cast %add3A_1166 : i32 to index
      %swap3A_1168 = tpu.vector_load %arg13[%swap3A_1167] {strides = array<i32>} : memref<4704xf32, #tpu.memory_space<vmem>>, vector<16xf32>,
      tpu.vector_store %arg13[%swap3A_1167], %add3A_1119 {strides = array<i32>} : memref<4704xf32, #tpu.memory_space<vmem>>, vector<16xf32>,
      %add3A_1169 = arith.constant 3136 : i32
      %add3A_1170 = arith.addi %add3A_1169, %mul3A_290 : i32
      %swap3A_1171 = arith.index_cast %add3A_1170 : i32 to index
      %swap3A_1172 = tpu.vector_load %arg13[%swap3A_1171] {strides = array<i32>} : memref<4704xf32, #tpu.memory_space<vmem>>, vector<16xf32>,
      tpu.vector_store %arg13[%swap3A_1171], %add3A_1125 {strides = array<i32>} : memref<4704xf32, #tpu.memory_space<vmem>>, vector<16xf32>,
      %mul3A_1173 = arith.constant 2 : i32
      %mul3A_1174 = arith.muli %scan3A_284, %mul3A_1173 : i32
      %add3A_1175 = arith.constant 1 : i32
      %add3A_1176 = arith.addi %mul3A_1174, %add3A_1175 : i32
      %mul3A_1177 = arith.constant 16 : i32
      %mul3A_1178 = arith.muli %add3A_1176, %mul3A_1177 : i32
      %broadcast_in_dim3A_1179 = arith.constant 0.000000e+00 : f32
      %broadcast_in_dim3A_1180 = vector.broadcast %broadcast_in_dim3A_1179 : f32 to vector<16xf32>
      %broadcast_in_dim3A_1181 = arith.constant 0.000000e+00 : f32
      %broadcast_in_dim3A_1182 = vector.broadcast %broadcast_in_dim3A_1181 : f32 to vector<16xf32>
      %broadcast_in_dim3A_1183 = arith.constant 0.000000e+00 : f32
      %broadcast_in_dim3A_1184 = vector.broadcast %broadcast_in_dim3A_1183 : f32 to vector<16xf32>
      %broadcast_in_dim3A_1185 = arith.constant 0.000000e+00 : f32
      %broadcast_in_dim3A_1186 = vector.broadcast %broadcast_in_dim3A_1185 : f32 to vector<16xf32>
      %broadcast_in_dim3A_1187 = arith.constant 0.000000e+00 : f32
      %broadcast_in_dim3A_1188 = vector.broadcast %broadcast_in_dim3A_1187 : f32 to vector<16xf32>
      %broadcast_in_dim3A_1189 = arith.constant 0.000000e+00 : f32
      %broadcast_in_dim3A_1190 = vector.broadcast %broadcast_in_dim3A_1189 : f32 to vector<16xf32>
      %broadcast_in_dim3A_1191 = arith.constant 0.000000e+00 : f32
      %broadcast_in_dim3A_1192 = vector.broadcast %broadcast_in_dim3A_1191 : f32 to vector<16xf32>
      %broadcast_in_dim3A_1193 = arith.constant 0.000000e+00 : f32
      %broadcast_in_dim3A_1194 = vector.broadcast %broadcast_in_dim3A_1193 : f32 to vector<16xf32>
      %broadcast_in_dim3A_1195 = arith.constant 0.000000e+00 : f32
      %broadcast_in_dim3A_1196 = vector.broadcast %broadcast_in_dim3A_1195 : f32 to vector<16xf32>
      %broadcast_in_dim3A_1197 = arith.constant 0.000000e+00 : f32
      %broadcast_in_dim3A_1198 = vector.broadcast %broadcast_in_dim3A_1197 : f32 to vector<16xf32>
      %broadcast_in_dim3A_1199 = arith.constant 0.000000e+00 : f32
      %broadcast_in_dim3A_1200 = vector.broadcast %broadcast_in_dim3A_1199 : f32 to vector<16xf32>
      %broadcast_in_dim3A_1201 = arith.constant 0.000000e+00 : f32
      %broadcast_in_dim3A_1202 = vector.broadcast %broadcast_in_dim3A_1201 : f32 to vector<16xf32>
      %broadcast_in_dim3A_1203 = arith.constant 0.000000e+00 : f32
      %broadcast_in_dim3A_1204 = vector.broadcast %broadcast_in_dim3A_1203 : f32 to vector<16xf32>
      %broadcast_in_dim3A_1205 = arith.constant 0.000000e+00 : f32
      %broadcast_in_dim3A_1206 = vector.broadcast %broadcast_in_dim3A_1205 : f32 to vector<16xf32>
      %broadcast_in_dim3A_1207 = arith.constant 0.000000e+00 : f32
      %broadcast_in_dim3A_1208 = vector.broadcast %broadcast_in_dim3A_1207 : f32 to vector<16xf32>
      %add3A_1209 = arith.constant 0 : i32
      %add3A_1210 = arith.addi %add3A_1209, %mul3A_1178 : i32
      %get3A_1211 = arith.index_cast %add3A_1210 : i32 to index
      %get3A_1212 = tpu.vector_load %arg9[%get3A_1211] {strides = array<i32>} : memref<12544xi32, #tpu.memory_space<vmem>>, vector<16xi32>,
      %add3A_1213 = arith.constant 0 : i32
      %add3A_1214 = arith.addi %add3A_1213, %mul3A_1178 : i32
      %get3A_1215 = arith.index_cast %add3A_1214 : i32 to index
      %get3A_1216 = tpu.vector_load %arg10[%get3A_1215] {strides = array<i32>} : memref<12544xf32, #tpu.memory_space<vmem>>, vector<16xf32>,
      %mul3A_1217 = arith.constant 16 : i32
      %mul3A_1218 = vector.broadcast %mul3A_1217 : i32 to vector<16xi32>
      %mul3A_1219 = arith.muli %get3A_1212, %mul3A_1218 : vector<16xi32>
      %add3A_1220 = arith.constant 0 : i32
      %add3A_1221 = vector.broadcast %add3A_1220 : i32 to vector<16xi32>
      %add3A_1222 = arith.addi %mul3A_1219, %add3A_1221 : vector<16xi32>
      %gather3A_1223 = tpu.vector_load_idx %arg11[%add3A_1222] : memref<16384xf32, #tpu.memory_space<vmem>>[vector<16xi32>], vector<16xf32>,
      %mul3A_1224 = arith.mulf %get3A_1216, %gather3A_1223 : vector<16xf32>
      %add3A_1225 = arith.addf %broadcast_in_dim3A_1180, %mul3A_1224 : vector<16xf32>
      %add3A_1226 = arith.constant 1 : i32
      %add3A_1227 = vector.broadcast %add3A_1226 : i32 to vector<16xi32>
      %add3A_1228 = arith.addi %mul3A_1219, %add3A_1227 : vector<16xi32>
      %gather3A_1229 = tpu.vector_load_idx %arg11[%add3A_1228] : memref<16384xf32, #tpu.memory_space<vmem>>[vector<16xi32>], vector<16xf32>,
      %mul3A_1230 = arith.mulf %get3A_1216, %gather3A_1229 : vector<16xf32>
      %add3A_1231 = arith.addf %broadcast_in_dim3A_1182, %mul3A_1230 : vector<16xf32>
      %add3A_1232 = arith.constant 2 : i32
      %add3A_1233 = vector.broadcast %add3A_1232 : i32 to vector<16xi32>
      %add3A_1234 = arith.addi %mul3A_1219, %add3A_1233 : vector<16xi32>
      %gather3A_1235 = tpu.vector_load_idx %arg11[%add3A_1234] : memref<16384xf32, #tpu.memory_space<vmem>>[vector<16xi32>], vector<16xf32>,
      %mul3A_1236 = arith.mulf %get3A_1216, %gather3A_1235 : vector<16xf32>
      %add3A_1237 = arith.addf %broadcast_in_dim3A_1184, %mul3A_1236 : vector<16xf32>
      %add3A_1238 = arith.constant 3 : i32
      %add3A_1239 = vector.broadcast %add3A_1238 : i32 to vector<16xi32>
      %add3A_1240 = arith.addi %mul3A_1219, %add3A_1239 : vector<16xi32>
      %gather3A_1241 = tpu.vector_load_idx %arg11[%add3A_1240] : memref<16384xf32, #tpu.memory_space<vmem>>[vector<16xi32>], vector<16xf32>,
      %mul3A_1242 = arith.mulf %get3A_1216, %gather3A_1241 : vector<16xf32>
      %add3A_1243 = arith.addf %broadcast_in_dim3A_1186, %mul3A_1242 : vector<16xf32>
      %add3A_1244 = arith.constant 4 : i32
      %add3A_1245 = vector.broadcast %add3A_1244 : i32 to vector<16xi32>
      %add3A_1246 = arith.addi %mul3A_1219, %add3A_1245 : vector<16xi32>
      %gather3A_1247 = tpu.vector_load_idx %arg11[%add3A_1246] : memref<16384xf32, #tpu.memory_space<vmem>>[vector<16xi32>], vector<16xf32>,
      %mul3A_1248 = arith.mulf %get3A_1216, %gather3A_1247 : vector<16xf32>
      %add3A_1249 = arith.addf %broadcast_in_dim3A_1188, %mul3A_1248 : vector<16xf32>
      %add3A_1250 = arith.constant 5 : i32
      %add3A_1251 = vector.broadcast %add3A_1250 : i32 to vector<16xi32>
      %add3A_1252 = arith.addi %mul3A_1219, %add3A_1251 : vector<16xi32>
      %gather3A_1253 = tpu.vector_load_idx %arg11[%add3A_1252] : memref<16384xf32, #tpu.memory_space<vmem>>[vector<16xi32>], vector<16xf32>,
      %mul3A_1254 = arith.mulf %get3A_1216, %gather3A_1253 : vector<16xf32>
      %add3A_1255 = arith.addf %broadcast_in_dim3A_1190, %mul3A_1254 : vector<16xf32>
      %add3A_1256 = arith.constant 6 : i32
      %add3A_1257 = vector.broadcast %add3A_1256 : i32 to vector<16xi32>
      %add3A_1258 = arith.addi %mul3A_1219, %add3A_1257 : vector<16xi32>
      %gather3A_1259 = tpu.vector_load_idx %arg11[%add3A_1258] : memref<16384xf32, #tpu.memory_space<vmem>>[vector<16xi32>], vector<16xf32>,
      %mul3A_1260 = arith.mulf %get3A_1216, %gather3A_1259 : vector<16xf32>
      %add3A_1261 = arith.addf %broadcast_in_dim3A_1192, %mul3A_1260 : vector<16xf32>
      %add3A_1262 = arith.constant 7 : i32
      %add3A_1263 = vector.broadcast %add3A_1262 : i32 to vector<16xi32>
      %add3A_1264 = arith.addi %mul3A_1219, %add3A_1263 : vector<16xi32>
      %gather3A_1265 = tpu.vector_load_idx %arg11[%add3A_1264] : memref<16384xf32, #tpu.memory_space<vmem>>[vector<16xi32>], vector<16xf32>,
      %mul3A_1266 = arith.mulf %get3A_1216, %gather3A_1265 : vector<16xf32>
      %add3A_1267 = arith.addf %broadcast_in_dim3A_1194, %mul3A_1266 : vector<16xf32>
      %add3A_1268 = arith.constant 8 : i32
      %add3A_1269 = vector.broadcast %add3A_1268 : i32 to vector<16xi32>
      %add3A_1270 = arith.addi %mul3A_1219, %add3A_1269 : vector<16xi32>
      %gather3A_1271 = tpu.vector_load_idx %arg11[%add3A_1270] : memref<16384xf32, #tpu.memory_space<vmem>>[vector<16xi32>], vector<16xf32>,
      %mul3A_1272 = arith.mulf %get3A_1216, %gather3A_1271 : vector<16xf32>
      %add3A_1273 = arith.addf %broadcast_in_dim3A_1196, %mul3A_1272 : vector<16xf32>
      %add3A_1274 = arith.constant 9 : i32
      %add3A_1275 = vector.broadcast %add3A_1274 : i32 to vector<16xi32>
      %add3A_1276 = arith.addi %mul3A_1219, %add3A_1275 : vector<16xi32>
      %gather3A_1277 = tpu.vector_load_idx %arg11[%add3A_1276] : memref<16384xf32, #tpu.memory_space<vmem>>[vector<16xi32>], vector<16xf32>,
      %mul3A_1278 = arith.mulf %get3A_1216, %gather3A_1277 : vector<16xf32>
      %add3A_1279 = arith.addf %broadcast_in_dim3A_1198, %mul3A_1278 : vector<16xf32>
      %add3A_1280 = arith.constant 10 : i32
      %add3A_1281 = vector.broadcast %add3A_1280 : i32 to vector<16xi32>
      %add3A_1282 = arith.addi %mul3A_1219, %add3A_1281 : vector<16xi32>
      %gather3A_1283 = tpu.vector_load_idx %arg11[%add3A_1282] : memref<16384xf32, #tpu.memory_space<vmem>>[vector<16xi32>], vector<16xf32>,
      %mul3A_1284 = arith.mulf %get3A_1216, %gather3A_1283 : vector<16xf32>
      %add3A_1285 = arith.addf %broadcast_in_dim3A_1200, %mul3A_1284 : vector<16xf32>
      %add3A_1286 = arith.constant 11 : i32
      %add3A_1287 = vector.broadcast %add3A_1286 : i32 to vector<16xi32>
      %add3A_1288 = arith.addi %mul3A_1219, %add3A_1287 : vector<16xi32>
      %gather3A_1289 = tpu.vector_load_idx %arg11[%add3A_1288] : memref<16384xf32, #tpu.memory_space<vmem>>[vector<16xi32>], vector<16xf32>,
      %mul3A_1290 = arith.mulf %get3A_1216, %gather3A_1289 : vector<16xf32>
      %add3A_1291 = arith.addf %broadcast_in_dim3A_1202, %mul3A_1290 : vector<16xf32>
      %add3A_1292 = arith.constant 12 : i32
      %add3A_1293 = vector.broadcast %add3A_1292 : i32 to vector<16xi32>
      %add3A_1294 = arith.addi %mul3A_1219, %add3A_1293 : vector<16xi32>
      %gather3A_1295 = tpu.vector_load_idx %arg11[%add3A_1294] : memref<16384xf32, #tpu.memory_space<vmem>>[vector<16xi32>], vector<16xf32>,
      %mul3A_1296 = arith.mulf %get3A_1216, %gather3A_1295 : vector<16xf32>
      %add3A_1297 = arith.addf %broadcast_in_dim3A_1204, %mul3A_1296 : vector<16xf32>
      %add3A_1298 = arith.constant 13 : i32
      %add3A_1299 = vector.broadcast %add3A_1298 : i32 to vector<16xi32>
      %add3A_1300 = arith.addi %mul3A_1219, %add3A_1299 : vector<16xi32>
      %gather3A_1301 = tpu.vector_load_idx %arg11[%add3A_1300] : memref<16384xf32, #tpu.memory_space<vmem>>[vector<16xi32>], vector<16xf32>,
      %mul3A_1302 = arith.mulf %get3A_1216, %gather3A_1301 : vector<16xf32>
      %add3A_1303 = arith.addf %broadcast_in_dim3A_1206, %mul3A_1302 : vector<16xf32>
      %add3A_1304 = arith.constant 14 : i32
      %add3A_1305 = vector.broadcast %add3A_1304 : i32 to vector<16xi32>
      %add3A_1306 = arith.addi %mul3A_1219, %add3A_1305 : vector<16xi32>
      %gather3A_1307 = tpu.vector_load_idx %arg11[%add3A_1306] : memref<16384xf32, #tpu.memory_space<vmem>>[vector<16xi32>], vector<16xf32>,
      %mul3A_1308 = arith.mulf %get3A_1216, %gather3A_1307 : vector<16xf32>
      %add3A_1309 = arith.addf %broadcast_in_dim3A_1208, %mul3A_1308 : vector<16xf32>
      %add3A_1310 = arith.constant 1568 : i32
      %add3A_1311 = arith.addi %add3A_1310, %mul3A_1178 : i32
      %get3A_1312 = arith.index_cast %add3A_1311 : i32 to index
      %get3A_1313 = tpu.vector_load %arg9[%get3A_1312] {strides = array<i32>} : memref<12544xi32, #tpu.memory_space<vmem>>, vector<16xi32>,
      %add3A_1314 = arith.constant 1568 : i32
      %add3A_1315 = arith.addi %add3A_1314, %mul3A_1178 : i32
      %get3A_1316 = arith.index_cast %add3A_1315 : i32 to index
      %get3A_1317 = tpu.vector_load %arg10[%get3A_1316] {strides = array<i32>} : memref<12544xf32, #tpu.memory_space<vmem>>, vector<16xf32>,
      %mul3A_1318 = arith.constant 16 : i32
      %mul3A_1319 = vector.broadcast %mul3A_1318 : i32 to vector<16xi32>
      %mul3A_1320 = arith.muli %get3A_1313, %mul3A_1319 : vector<16xi32>
      %add3A_1321 = arith.constant 0 : i32
      %add3A_1322 = vector.broadcast %add3A_1321 : i32 to vector<16xi32>
      %add3A_1323 = arith.addi %mul3A_1320, %add3A_1322 : vector<16xi32>
      %gather3A_1324 = tpu.vector_load_idx %arg11[%add3A_1323] : memref<16384xf32, #tpu.memory_space<vmem>>[vector<16xi32>], vector<16xf32>,
      %mul3A_1325 = arith.mulf %get3A_1317, %gather3A_1324 : vector<16xf32>
      %add3A_1326 = arith.addf %add3A_1225, %mul3A_1325 : vector<16xf32>
      %add3A_1327 = arith.constant 1 : i32
      %add3A_1328 = vector.broadcast %add3A_1327 : i32 to vector<16xi32>
      %add3A_1329 = arith.addi %mul3A_1320, %add3A_1328 : vector<16xi32>
      %gather3A_1330 = tpu.vector_load_idx %arg11[%add3A_1329] : memref<16384xf32, #tpu.memory_space<vmem>>[vector<16xi32>], vector<16xf32>,
      %mul3A_1331 = arith.mulf %get3A_1317, %gather3A_1330 : vector<16xf32>
      %add3A_1332 = arith.addf %add3A_1231, %mul3A_1331 : vector<16xf32>
      %add3A_1333 = arith.constant 2 : i32
      %add3A_1334 = vector.broadcast %add3A_1333 : i32 to vector<16xi32>
      %add3A_1335 = arith.addi %mul3A_1320, %add3A_1334 : vector<16xi32>
      %gather3A_1336 = tpu.vector_load_idx %arg11[%add3A_1335] : memref<16384xf32, #tpu.memory_space<vmem>>[vector<16xi32>], vector<16xf32>,
      %mul3A_1337 = arith.mulf %get3A_1317, %gather3A_1336 : vector<16xf32>
      %add3A_1338 = arith.addf %add3A_1237, %mul3A_1337 : vector<16xf32>
      %add3A_1339 = arith.constant 3 : i32
      %add3A_1340 = vector.broadcast %add3A_1339 : i32 to vector<16xi32>
      %add3A_1341 = arith.addi %mul3A_1320, %add3A_1340 : vector<16xi32>
      %gather3A_1342 = tpu.vector_load_idx %arg11[%add3A_1341] : memref<16384xf32, #tpu.memory_space<vmem>>[vector<16xi32>], vector<16xf32>,
      %mul3A_1343 = arith.mulf %get3A_1317, %gather3A_1342 : vector<16xf32>
      %add3A_1344 = arith.addf %add3A_1243, %mul3A_1343 : vector<16xf32>
      %add3A_1345 = arith.constant 4 : i32
      %add3A_1346 = vector.broadcast %add3A_1345 : i32 to vector<16xi32>
      %add3A_1347 = arith.addi %mul3A_1320, %add3A_1346 : vector<16xi32>
      %gather3A_1348 = tpu.vector_load_idx %arg11[%add3A_1347] : memref<16384xf32, #tpu.memory_space<vmem>>[vector<16xi32>], vector<16xf32>,
      %mul3A_1349 = arith.mulf %get3A_1317, %gather3A_1348 : vector<16xf32>
      %add3A_1350 = arith.addf %add3A_1249, %mul3A_1349 : vector<16xf32>
      %add3A_1351 = arith.constant 5 : i32
      %add3A_1352 = vector.broadcast %add3A_1351 : i32 to vector<16xi32>
      %add3A_1353 = arith.addi %mul3A_1320, %add3A_1352 : vector<16xi32>
      %gather3A_1354 = tpu.vector_load_idx %arg11[%add3A_1353] : memref<16384xf32, #tpu.memory_space<vmem>>[vector<16xi32>], vector<16xf32>,
      %mul3A_1355 = arith.mulf %get3A_1317, %gather3A_1354 : vector<16xf32>
      %add3A_1356 = arith.addf %add3A_1255, %mul3A_1355 : vector<16xf32>
      %add3A_1357 = arith.constant 6 : i32
      %add3A_1358 = vector.broadcast %add3A_1357 : i32 to vector<16xi32>
      %add3A_1359 = arith.addi %mul3A_1320, %add3A_1358 : vector<16xi32>
      %gather3A_1360 = tpu.vector_load_idx %arg11[%add3A_1359] : memref<16384xf32, #tpu.memory_space<vmem>>[vector<16xi32>], vector<16xf32>,
      %mul3A_1361 = arith.mulf %get3A_1317, %gather3A_1360 : vector<16xf32>
      %add3A_1362 = arith.addf %add3A_1261, %mul3A_1361 : vector<16xf32>
      %add3A_1363 = arith.constant 7 : i32
      %add3A_1364 = vector.broadcast %add3A_1363 : i32 to vector<16xi32>
      %add3A_1365 = arith.addi %mul3A_1320, %add3A_1364 : vector<16xi32>
      %gather3A_1366 = tpu.vector_load_idx %arg11[%add3A_1365] : memref<16384xf32, #tpu.memory_space<vmem>>[vector<16xi32>], vector<16xf32>,
      %mul3A_1367 = arith.mulf %get3A_1317, %gather3A_1366 : vector<16xf32>
      %add3A_1368 = arith.addf %add3A_1267, %mul3A_1367 : vector<16xf32>
      %add3A_1369 = arith.constant 8 : i32
      %add3A_1370 = vector.broadcast %add3A_1369 : i32 to vector<16xi32>
      %add3A_1371 = arith.addi %mul3A_1320, %add3A_1370 : vector<16xi32>
      %gather3A_1372 = tpu.vector_load_idx %arg11[%add3A_1371] : memref<16384xf32, #tpu.memory_space<vmem>>[vector<16xi32>], vector<16xf32>,
      %mul3A_1373 = arith.mulf %get3A_1317, %gather3A_1372 : vector<16xf32>
      %add3A_1374 = arith.addf %add3A_1273, %mul3A_1373 : vector<16xf32>
      %add3A_1375 = arith.constant 9 : i32
      %add3A_1376 = vector.broadcast %add3A_1375 : i32 to vector<16xi32>
      %add3A_1377 = arith.addi %mul3A_1320, %add3A_1376 : vector<16xi32>
      %gather3A_1378 = tpu.vector_load_idx %arg11[%add3A_1377] : memref<16384xf32, #tpu.memory_space<vmem>>[vector<16xi32>], vector<16xf32>,
      %mul3A_1379 = arith.mulf %get3A_1317, %gather3A_1378 : vector<16xf32>
      %add3A_1380 = arith.addf %add3A_1279, %mul3A_1379 : vector<16xf32>
      %add3A_1381 = arith.constant 10 : i32
      %add3A_1382 = vector.broadcast %add3A_1381 : i32 to vector<16xi32>
      %add3A_1383 = arith.addi %mul3A_1320, %add3A_1382 : vector<16xi32>
      %gather3A_1384 = tpu.vector_load_idx %arg11[%add3A_1383] : memref<16384xf32, #tpu.memory_space<vmem>>[vector<16xi32>], vector<16xf32>,
      %mul3A_1385 = arith.mulf %get3A_1317, %gather3A_1384 : vector<16xf32>
      %add3A_1386 = arith.addf %add3A_1285, %mul3A_1385 : vector<16xf32>
      %add3A_1387 = arith.constant 11 : i32
      %add3A_1388 = vector.broadcast %add3A_1387 : i32 to vector<16xi32>
      %add3A_1389 = arith.addi %mul3A_1320, %add3A_1388 : vector<16xi32>
      %gather3A_1390 = tpu.vector_load_idx %arg11[%add3A_1389] : memref<16384xf32, #tpu.memory_space<vmem>>[vector<16xi32>], vector<16xf32>,
      %mul3A_1391 = arith.mulf %get3A_1317, %gather3A_1390 : vector<16xf32>
      %add3A_1392 = arith.addf %add3A_1291, %mul3A_1391 : vector<16xf32>
      %add3A_1393 = arith.constant 12 : i32
      %add3A_1394 = vector.broadcast %add3A_1393 : i32 to vector<16xi32>
      %add3A_1395 = arith.addi %mul3A_1320, %add3A_1394 : vector<16xi32>
      %gather3A_1396 = tpu.vector_load_idx %arg11[%add3A_1395] : memref<16384xf32, #tpu.memory_space<vmem>>[vector<16xi32>], vector<16xf32>,
      %mul3A_1397 = arith.mulf %get3A_1317, %gather3A_1396 : vector<16xf32>
      %add3A_1398 = arith.addf %add3A_1297, %mul3A_1397 : vector<16xf32>
      %add3A_1399 = arith.constant 13 : i32
      %add3A_1400 = vector.broadcast %add3A_1399 : i32 to vector<16xi32>
      %add3A_1401 = arith.addi %mul3A_1320, %add3A_1400 : vector<16xi32>
      %gather3A_1402 = tpu.vector_load_idx %arg11[%add3A_1401] : memref<16384xf32, #tpu.memory_space<vmem>>[vector<16xi32>], vector<16xf32>,
      %mul3A_1403 = arith.mulf %get3A_1317, %gather3A_1402 : vector<16xf32>
      %add3A_1404 = arith.addf %add3A_1303, %mul3A_1403 : vector<16xf32>
      %add3A_1405 = arith.constant 14 : i32
      %add3A_1406 = vector.broadcast %add3A_1405 : i32 to vector<16xi32>
      %add3A_1407 = arith.addi %mul3A_1320, %add3A_1406 : vector<16xi32>
      %gather3A_1408 = tpu.vector_load_idx %arg11[%add3A_1407] : memref<16384xf32, #tpu.memory_space<vmem>>[vector<16xi32>], vector<16xf32>,
      %mul3A_1409 = arith.mulf %get3A_1317, %gather3A_1408 : vector<16xf32>
      %add3A_1410 = arith.addf %add3A_1309, %mul3A_1409 : vector<16xf32>
      %add3A_1411 = arith.constant 3136 : i32
      %add3A_1412 = arith.addi %add3A_1411, %mul3A_1178 : i32
      %get3A_1413 = arith.index_cast %add3A_1412 : i32 to index
      %get3A_1414 = tpu.vector_load %arg9[%get3A_1413] {strides = array<i32>} : memref<12544xi32, #tpu.memory_space<vmem>>, vector<16xi32>,
      %add3A_1415 = arith.constant 3136 : i32
      %add3A_1416 = arith.addi %add3A_1415, %mul3A_1178 : i32
      %get3A_1417 = arith.index_cast %add3A_1416 : i32 to index
      %get3A_1418 = tpu.vector_load %arg10[%get3A_1417] {strides = array<i32>} : memref<12544xf32, #tpu.memory_space<vmem>>, vector<16xf32>,
      %mul3A_1419 = arith.constant 16 : i32
      %mul3A_1420 = vector.broadcast %mul3A_1419 : i32 to vector<16xi32>
      %mul3A_1421 = arith.muli %get3A_1414, %mul3A_1420 : vector<16xi32>
      %add3A_1422 = arith.constant 0 : i32
      %add3A_1423 = vector.broadcast %add3A_1422 : i32 to vector<16xi32>
      %add3A_1424 = arith.addi %mul3A_1421, %add3A_1423 : vector<16xi32>
      %gather3A_1425 = tpu.vector_load_idx %arg11[%add3A_1424] : memref<16384xf32, #tpu.memory_space<vmem>>[vector<16xi32>], vector<16xf32>,
      %mul3A_1426 = arith.mulf %get3A_1418, %gather3A_1425 : vector<16xf32>
      %add3A_1427 = arith.addf %add3A_1326, %mul3A_1426 : vector<16xf32>
      %add3A_1428 = arith.constant 1 : i32
      %add3A_1429 = vector.broadcast %add3A_1428 : i32 to vector<16xi32>
      %add3A_1430 = arith.addi %mul3A_1421, %add3A_1429 : vector<16xi32>
      %gather3A_1431 = tpu.vector_load_idx %arg11[%add3A_1430] : memref<16384xf32, #tpu.memory_space<vmem>>[vector<16xi32>], vector<16xf32>,
      %mul3A_1432 = arith.mulf %get3A_1418, %gather3A_1431 : vector<16xf32>
      %add3A_1433 = arith.addf %add3A_1332, %mul3A_1432 : vector<16xf32>
      %add3A_1434 = arith.constant 2 : i32
      %add3A_1435 = vector.broadcast %add3A_1434 : i32 to vector<16xi32>
      %add3A_1436 = arith.addi %mul3A_1421, %add3A_1435 : vector<16xi32>
      %gather3A_1437 = tpu.vector_load_idx %arg11[%add3A_1436] : memref<16384xf32, #tpu.memory_space<vmem>>[vector<16xi32>], vector<16xf32>,
      %mul3A_1438 = arith.mulf %get3A_1418, %gather3A_1437 : vector<16xf32>
      %add3A_1439 = arith.addf %add3A_1338, %mul3A_1438 : vector<16xf32>
      %add3A_1440 = arith.constant 3 : i32
      %add3A_1441 = vector.broadcast %add3A_1440 : i32 to vector<16xi32>
      %add3A_1442 = arith.addi %mul3A_1421, %add3A_1441 : vector<16xi32>
      %gather3A_1443 = tpu.vector_load_idx %arg11[%add3A_1442] : memref<16384xf32, #tpu.memory_space<vmem>>[vector<16xi32>], vector<16xf32>,
      %mul3A_1444 = arith.mulf %get3A_1418, %gather3A_1443 : vector<16xf32>
      %add3A_1445 = arith.addf %add3A_1344, %mul3A_1444 : vector<16xf32>
      %add3A_1446 = arith.constant 4 : i32
      %add3A_1447 = vector.broadcast %add3A_1446 : i32 to vector<16xi32>
      %add3A_1448 = arith.addi %mul3A_1421, %add3A_1447 : vector<16xi32>
      %gather3A_1449 = tpu.vector_load_idx %arg11[%add3A_1448] : memref<16384xf32, #tpu.memory_space<vmem>>[vector<16xi32>], vector<16xf32>,
      %mul3A_1450 = arith.mulf %get3A_1418, %gather3A_1449 : vector<16xf32>
      %add3A_1451 = arith.addf %add3A_1350, %mul3A_1450 : vector<16xf32>
      %add3A_1452 = arith.constant 5 : i32
      %add3A_1453 = vector.broadcast %add3A_1452 : i32 to vector<16xi32>
      %add3A_1454 = arith.addi %mul3A_1421, %add3A_1453 : vector<16xi32>
      %gather3A_1455 = tpu.vector_load_idx %arg11[%add3A_1454] : memref<16384xf32, #tpu.memory_space<vmem>>[vector<16xi32>], vector<16xf32>,
      %mul3A_1456 = arith.mulf %get3A_1418, %gather3A_1455 : vector<16xf32>
      %add3A_1457 = arith.addf %add3A_1356, %mul3A_1456 : vector<16xf32>
      %add3A_1458 = arith.constant 6 : i32
      %add3A_1459 = vector.broadcast %add3A_1458 : i32 to vector<16xi32>
      %add3A_1460 = arith.addi %mul3A_1421, %add3A_1459 : vector<16xi32>
      %gather3A_1461 = tpu.vector_load_idx %arg11[%add3A_1460] : memref<16384xf32, #tpu.memory_space<vmem>>[vector<16xi32>], vector<16xf32>,
      %mul3A_1462 = arith.mulf %get3A_1418, %gather3A_1461 : vector<16xf32>
      %add3A_1463 = arith.addf %add3A_1362, %mul3A_1462 : vector<16xf32>
      %add3A_1464 = arith.constant 7 : i32
      %add3A_1465 = vector.broadcast %add3A_1464 : i32 to vector<16xi32>
      %add3A_1466 = arith.addi %mul3A_1421, %add3A_1465 : vector<16xi32>
      %gather3A_1467 = tpu.vector_load_idx %arg11[%add3A_1466] : memref<16384xf32, #tpu.memory_space<vmem>>[vector<16xi32>], vector<16xf32>,
      %mul3A_1468 = arith.mulf %get3A_1418, %gather3A_1467 : vector<16xf32>
      %add3A_1469 = arith.addf %add3A_1368, %mul3A_1468 : vector<16xf32>
      %add3A_1470 = arith.constant 8 : i32
      %add3A_1471 = vector.broadcast %add3A_1470 : i32 to vector<16xi32>
      %add3A_1472 = arith.addi %mul3A_1421, %add3A_1471 : vector<16xi32>
      %gather3A_1473 = tpu.vector_load_idx %arg11[%add3A_1472] : memref<16384xf32, #tpu.memory_space<vmem>>[vector<16xi32>], vector<16xf32>,
      %mul3A_1474 = arith.mulf %get3A_1418, %gather3A_1473 : vector<16xf32>
      %add3A_1475 = arith.addf %add3A_1374, %mul3A_1474 : vector<16xf32>
      %add3A_1476 = arith.constant 9 : i32
      %add3A_1477 = vector.broadcast %add3A_1476 : i32 to vector<16xi32>
      %add3A_1478 = arith.addi %mul3A_1421, %add3A_1477 : vector<16xi32>
      %gather3A_1479 = tpu.vector_load_idx %arg11[%add3A_1478] : memref<16384xf32, #tpu.memory_space<vmem>>[vector<16xi32>], vector<16xf32>,
      %mul3A_1480 = arith.mulf %get3A_1418, %gather3A_1479 : vector<16xf32>
      %add3A_1481 = arith.addf %add3A_1380, %mul3A_1480 : vector<16xf32>
      %add3A_1482 = arith.constant 10 : i32
      %add3A_1483 = vector.broadcast %add3A_1482 : i32 to vector<16xi32>
      %add3A_1484 = arith.addi %mul3A_1421, %add3A_1483 : vector<16xi32>
      %gather3A_1485 = tpu.vector_load_idx %arg11[%add3A_1484] : memref<16384xf32, #tpu.memory_space<vmem>>[vector<16xi32>], vector<16xf32>,
      %mul3A_1486 = arith.mulf %get3A_1418, %gather3A_1485 : vector<16xf32>
      %add3A_1487 = arith.addf %add3A_1386, %mul3A_1486 : vector<16xf32>
      %add3A_1488 = arith.constant 11 : i32
      %add3A_1489 = vector.broadcast %add3A_1488 : i32 to vector<16xi32>
      %add3A_1490 = arith.addi %mul3A_1421, %add3A_1489 : vector<16xi32>
      %gather3A_1491 = tpu.vector_load_idx %arg11[%add3A_1490] : memref<16384xf32, #tpu.memory_space<vmem>>[vector<16xi32>], vector<16xf32>,
      %mul3A_1492 = arith.mulf %get3A_1418, %gather3A_1491 : vector<16xf32>
      %add3A_1493 = arith.addf %add3A_1392, %mul3A_1492 : vector<16xf32>
      %add3A_1494 = arith.constant 12 : i32
      %add3A_1495 = vector.broadcast %add3A_1494 : i32 to vector<16xi32>
      %add3A_1496 = arith.addi %mul3A_1421, %add3A_1495 : vector<16xi32>
      %gather3A_1497 = tpu.vector_load_idx %arg11[%add3A_1496] : memref<16384xf32, #tpu.memory_space<vmem>>[vector<16xi32>], vector<16xf32>,
      %mul3A_1498 = arith.mulf %get3A_1418, %gather3A_1497 : vector<16xf32>
      %add3A_1499 = arith.addf %add3A_1398, %mul3A_1498 : vector<16xf32>
      %add3A_1500 = arith.constant 13 : i32
      %add3A_1501 = vector.broadcast %add3A_1500 : i32 to vector<16xi32>
      %add3A_1502 = arith.addi %mul3A_1421, %add3A_1501 : vector<16xi32>
      %gather3A_1503 = tpu.vector_load_idx %arg11[%add3A_1502] : memref<16384xf32, #tpu.memory_space<vmem>>[vector<16xi32>], vector<16xf32>,
      %mul3A_1504 = arith.mulf %get3A_1418, %gather3A_1503 : vector<16xf32>
      %add3A_1505 = arith.addf %add3A_1404, %mul3A_1504 : vector<16xf32>
      %add3A_1506 = arith.constant 14 : i32
      %add3A_1507 = vector.broadcast %add3A_1506 : i32 to vector<16xi32>
      %add3A_1508 = arith.addi %mul3A_1421, %add3A_1507 : vector<16xi32>
      %gather3A_1509 = tpu.vector_load_idx %arg11[%add3A_1508] : memref<16384xf32, #tpu.memory_space<vmem>>[vector<16xi32>], vector<16xf32>,
      %mul3A_1510 = arith.mulf %get3A_1418, %gather3A_1509 : vector<16xf32>
      %add3A_1511 = arith.addf %add3A_1410, %mul3A_1510 : vector<16xf32>
      %add3A_1512 = arith.constant 4704 : i32
      %add3A_1513 = arith.addi %add3A_1512, %mul3A_1178 : i32
      %get3A_1514 = arith.index_cast %add3A_1513 : i32 to index
      %get3A_1515 = tpu.vector_load %arg9[%get3A_1514] {strides = array<i32>} : memref<12544xi32, #tpu.memory_space<vmem>>, vector<16xi32>,
      %add3A_1516 = arith.constant 4704 : i32
      %add3A_1517 = arith.addi %add3A_1516, %mul3A_1178 : i32
      %get3A_1518 = arith.index_cast %add3A_1517 : i32 to index
      %get3A_1519 = tpu.vector_load %arg10[%get3A_1518] {strides = array<i32>} : memref<12544xf32, #tpu.memory_space<vmem>>, vector<16xf32>,
      %mul3A_1520 = arith.constant 16 : i32
      %mul3A_1521 = vector.broadcast %mul3A_1520 : i32 to vector<16xi32>
      %mul3A_1522 = arith.muli %get3A_1515, %mul3A_1521 : vector<16xi32>
      %add3A_1523 = arith.constant 0 : i32
      %add3A_1524 = vector.broadcast %add3A_1523 : i32 to vector<16xi32>
      %add3A_1525 = arith.addi %mul3A_1522, %add3A_1524 : vector<16xi32>
      %gather3A_1526 = tpu.vector_load_idx %arg11[%add3A_1525] : memref<16384xf32, #tpu.memory_space<vmem>>[vector<16xi32>], vector<16xf32>,
      %mul3A_1527 = arith.mulf %get3A_1519, %gather3A_1526 : vector<16xf32>
      %add3A_1528 = arith.addf %add3A_1427, %mul3A_1527 : vector<16xf32>
      %add3A_1529 = arith.constant 1 : i32
      %add3A_1530 = vector.broadcast %add3A_1529 : i32 to vector<16xi32>
      %add3A_1531 = arith.addi %mul3A_1522, %add3A_1530 : vector<16xi32>
      %gather3A_1532 = tpu.vector_load_idx %arg11[%add3A_1531] : memref<16384xf32, #tpu.memory_space<vmem>>[vector<16xi32>], vector<16xf32>,
      %mul3A_1533 = arith.mulf %get3A_1519, %gather3A_1532 : vector<16xf32>
      %add3A_1534 = arith.addf %add3A_1433, %mul3A_1533 : vector<16xf32>
      %add3A_1535 = arith.constant 2 : i32
      %add3A_1536 = vector.broadcast %add3A_1535 : i32 to vector<16xi32>
      %add3A_1537 = arith.addi %mul3A_1522, %add3A_1536 : vector<16xi32>
      %gather3A_1538 = tpu.vector_load_idx %arg11[%add3A_1537] : memref<16384xf32, #tpu.memory_space<vmem>>[vector<16xi32>], vector<16xf32>,
      %mul3A_1539 = arith.mulf %get3A_1519, %gather3A_1538 : vector<16xf32>
      %add3A_1540 = arith.addf %add3A_1439, %mul3A_1539 : vector<16xf32>
      %add3A_1541 = arith.constant 3 : i32
      %add3A_1542 = vector.broadcast %add3A_1541 : i32 to vector<16xi32>
      %add3A_1543 = arith.addi %mul3A_1522, %add3A_1542 : vector<16xi32>
      %gather3A_1544 = tpu.vector_load_idx %arg11[%add3A_1543] : memref<16384xf32, #tpu.memory_space<vmem>>[vector<16xi32>], vector<16xf32>,
      %mul3A_1545 = arith.mulf %get3A_1519, %gather3A_1544 : vector<16xf32>
      %add3A_1546 = arith.addf %add3A_1445, %mul3A_1545 : vector<16xf32>
      %add3A_1547 = arith.constant 4 : i32
      %add3A_1548 = vector.broadcast %add3A_1547 : i32 to vector<16xi32>
      %add3A_1549 = arith.addi %mul3A_1522, %add3A_1548 : vector<16xi32>
      %gather3A_1550 = tpu.vector_load_idx %arg11[%add3A_1549] : memref<16384xf32, #tpu.memory_space<vmem>>[vector<16xi32>], vector<16xf32>,
      %mul3A_1551 = arith.mulf %get3A_1519, %gather3A_1550 : vector<16xf32>
      %add3A_1552 = arith.addf %add3A_1451, %mul3A_1551 : vector<16xf32>
      %add3A_1553 = arith.constant 5 : i32
      %add3A_1554 = vector.broadcast %add3A_1553 : i32 to vector<16xi32>
      %add3A_1555 = arith.addi %mul3A_1522, %add3A_1554 : vector<16xi32>
      %gather3A_1556 = tpu.vector_load_idx %arg11[%add3A_1555] : memref<16384xf32, #tpu.memory_space<vmem>>[vector<16xi32>], vector<16xf32>,
      %mul3A_1557 = arith.mulf %get3A_1519, %gather3A_1556 : vector<16xf32>
      %add3A_1558 = arith.addf %add3A_1457, %mul3A_1557 : vector<16xf32>
      %add3A_1559 = arith.constant 6 : i32
      %add3A_1560 = vector.broadcast %add3A_1559 : i32 to vector<16xi32>
      %add3A_1561 = arith.addi %mul3A_1522, %add3A_1560 : vector<16xi32>
      %gather3A_1562 = tpu.vector_load_idx %arg11[%add3A_1561] : memref<16384xf32, #tpu.memory_space<vmem>>[vector<16xi32>], vector<16xf32>,
      %mul3A_1563 = arith.mulf %get3A_1519, %gather3A_1562 : vector<16xf32>
      %add3A_1564 = arith.addf %add3A_1463, %mul3A_1563 : vector<16xf32>
      %add3A_1565 = arith.constant 7 : i32
      %add3A_1566 = vector.broadcast %add3A_1565 : i32 to vector<16xi32>
      %add3A_1567 = arith.addi %mul3A_1522, %add3A_1566 : vector<16xi32>
      %gather3A_1568 = tpu.vector_load_idx %arg11[%add3A_1567] : memref<16384xf32, #tpu.memory_space<vmem>>[vector<16xi32>], vector<16xf32>,
      %mul3A_1569 = arith.mulf %get3A_1519, %gather3A_1568 : vector<16xf32>
      %add3A_1570 = arith.addf %add3A_1469, %mul3A_1569 : vector<16xf32>
      %add3A_1571 = arith.constant 8 : i32
      %add3A_1572 = vector.broadcast %add3A_1571 : i32 to vector<16xi32>
      %add3A_1573 = arith.addi %mul3A_1522, %add3A_1572 : vector<16xi32>
      %gather3A_1574 = tpu.vector_load_idx %arg11[%add3A_1573] : memref<16384xf32, #tpu.memory_space<vmem>>[vector<16xi32>], vector<16xf32>,
      %mul3A_1575 = arith.mulf %get3A_1519, %gather3A_1574 : vector<16xf32>
      %add3A_1576 = arith.addf %add3A_1475, %mul3A_1575 : vector<16xf32>
      %add3A_1577 = arith.constant 9 : i32
      %add3A_1578 = vector.broadcast %add3A_1577 : i32 to vector<16xi32>
      %add3A_1579 = arith.addi %mul3A_1522, %add3A_1578 : vector<16xi32>
      %gather3A_1580 = tpu.vector_load_idx %arg11[%add3A_1579] : memref<16384xf32, #tpu.memory_space<vmem>>[vector<16xi32>], vector<16xf32>,
      %mul3A_1581 = arith.mulf %get3A_1519, %gather3A_1580 : vector<16xf32>
      %add3A_1582 = arith.addf %add3A_1481, %mul3A_1581 : vector<16xf32>
      %add3A_1583 = arith.constant 10 : i32
      %add3A_1584 = vector.broadcast %add3A_1583 : i32 to vector<16xi32>
      %add3A_1585 = arith.addi %mul3A_1522, %add3A_1584 : vector<16xi32>
      %gather3A_1586 = tpu.vector_load_idx %arg11[%add3A_1585] : memref<16384xf32, #tpu.memory_space<vmem>>[vector<16xi32>], vector<16xf32>,
      %mul3A_1587 = arith.mulf %get3A_1519, %gather3A_1586 : vector<16xf32>
      %add3A_1588 = arith.addf %add3A_1487, %mul3A_1587 : vector<16xf32>
      %add3A_1589 = arith.constant 11 : i32
      %add3A_1590 = vector.broadcast %add3A_1589 : i32 to vector<16xi32>
      %add3A_1591 = arith.addi %mul3A_1522, %add3A_1590 : vector<16xi32>
      %gather3A_1592 = tpu.vector_load_idx %arg11[%add3A_1591] : memref<16384xf32, #tpu.memory_space<vmem>>[vector<16xi32>], vector<16xf32>,
      %mul3A_1593 = arith.mulf %get3A_1519, %gather3A_1592 : vector<16xf32>
      %add3A_1594 = arith.addf %add3A_1493, %mul3A_1593 : vector<16xf32>
      %add3A_1595 = arith.constant 12 : i32
      %add3A_1596 = vector.broadcast %add3A_1595 : i32 to vector<16xi32>
      %add3A_1597 = arith.addi %mul3A_1522, %add3A_1596 : vector<16xi32>
      %gather3A_1598 = tpu.vector_load_idx %arg11[%add3A_1597] : memref<16384xf32, #tpu.memory_space<vmem>>[vector<16xi32>], vector<16xf32>,
      %mul3A_1599 = arith.mulf %get3A_1519, %gather3A_1598 : vector<16xf32>
      %add3A_1600 = arith.addf %add3A_1499, %mul3A_1599 : vector<16xf32>
      %add3A_1601 = arith.constant 13 : i32
      %add3A_1602 = vector.broadcast %add3A_1601 : i32 to vector<16xi32>
      %add3A_1603 = arith.addi %mul3A_1522, %add3A_1602 : vector<16xi32>
      %gather3A_1604 = tpu.vector_load_idx %arg11[%add3A_1603] : memref<16384xf32, #tpu.memory_space<vmem>>[vector<16xi32>], vector<16xf32>,
      %mul3A_1605 = arith.mulf %get3A_1519, %gather3A_1604 : vector<16xf32>
      %add3A_1606 = arith.addf %add3A_1505, %mul3A_1605 : vector<16xf32>
      %add3A_1607 = arith.constant 14 : i32
      %add3A_1608 = vector.broadcast %add3A_1607 : i32 to vector<16xi32>
      %add3A_1609 = arith.addi %mul3A_1522, %add3A_1608 : vector<16xi32>
      %gather3A_1610 = tpu.vector_load_idx %arg11[%add3A_1609] : memref<16384xf32, #tpu.memory_space<vmem>>[vector<16xi32>], vector<16xf32>,
      %mul3A_1611 = arith.mulf %get3A_1519, %gather3A_1610 : vector<16xf32>
      %add3A_1612 = arith.addf %add3A_1511, %mul3A_1611 : vector<16xf32>
      %add3A_1613 = arith.constant 6272 : i32
      %add3A_1614 = arith.addi %add3A_1613, %mul3A_1178 : i32
      %get3A_1615 = arith.index_cast %add3A_1614 : i32 to index
      %get3A_1616 = tpu.vector_load %arg9[%get3A_1615] {strides = array<i32>} : memref<12544xi32, #tpu.memory_space<vmem>>, vector<16xi32>,
      %add3A_1617 = arith.constant 6272 : i32
      %add3A_1618 = arith.addi %add3A_1617, %mul3A_1178 : i32
      %get3A_1619 = arith.index_cast %add3A_1618 : i32 to index
      %get3A_1620 = tpu.vector_load %arg10[%get3A_1619] {strides = array<i32>} : memref<12544xf32, #tpu.memory_space<vmem>>, vector<16xf32>,
      %mul3A_1621 = arith.constant 16 : i32
      %mul3A_1622 = vector.broadcast %mul3A_1621 : i32 to vector<16xi32>
      %mul3A_1623 = arith.muli %get3A_1616, %mul3A_1622 : vector<16xi32>
      %add3A_1624 = arith.constant 0 : i32
      %add3A_1625 = vector.broadcast %add3A_1624 : i32 to vector<16xi32>
      %add3A_1626 = arith.addi %mul3A_1623, %add3A_1625 : vector<16xi32>
      %gather3A_1627 = tpu.vector_load_idx %arg11[%add3A_1626] : memref<16384xf32, #tpu.memory_space<vmem>>[vector<16xi32>], vector<16xf32>,
      %mul3A_1628 = arith.mulf %get3A_1620, %gather3A_1627 : vector<16xf32>
      %add3A_1629 = arith.addf %add3A_1528, %mul3A_1628 : vector<16xf32>
      %add3A_1630 = arith.constant 1 : i32
      %add3A_1631 = vector.broadcast %add3A_1630 : i32 to vector<16xi32>
      %add3A_1632 = arith.addi %mul3A_1623, %add3A_1631 : vector<16xi32>
      %gather3A_1633 = tpu.vector_load_idx %arg11[%add3A_1632] : memref<16384xf32, #tpu.memory_space<vmem>>[vector<16xi32>], vector<16xf32>,
      %mul3A_1634 = arith.mulf %get3A_1620, %gather3A_1633 : vector<16xf32>
      %add3A_1635 = arith.addf %add3A_1534, %mul3A_1634 : vector<16xf32>
      %add3A_1636 = arith.constant 2 : i32
      %add3A_1637 = vector.broadcast %add3A_1636 : i32 to vector<16xi32>
      %add3A_1638 = arith.addi %mul3A_1623, %add3A_1637 : vector<16xi32>
      %gather3A_1639 = tpu.vector_load_idx %arg11[%add3A_1638] : memref<16384xf32, #tpu.memory_space<vmem>>[vector<16xi32>], vector<16xf32>,
      %mul3A_1640 = arith.mulf %get3A_1620, %gather3A_1639 : vector<16xf32>
      %add3A_1641 = arith.addf %add3A_1540, %mul3A_1640 : vector<16xf32>
      %add3A_1642 = arith.constant 3 : i32
      %add3A_1643 = vector.broadcast %add3A_1642 : i32 to vector<16xi32>
      %add3A_1644 = arith.addi %mul3A_1623, %add3A_1643 : vector<16xi32>
      %gather3A_1645 = tpu.vector_load_idx %arg11[%add3A_1644] : memref<16384xf32, #tpu.memory_space<vmem>>[vector<16xi32>], vector<16xf32>,
      %mul3A_1646 = arith.mulf %get3A_1620, %gather3A_1645 : vector<16xf32>
      %add3A_1647 = arith.addf %add3A_1546, %mul3A_1646 : vector<16xf32>
      %add3A_1648 = arith.constant 4 : i32
      %add3A_1649 = vector.broadcast %add3A_1648 : i32 to vector<16xi32>
      %add3A_1650 = arith.addi %mul3A_1623, %add3A_1649 : vector<16xi32>
      %gather3A_1651 = tpu.vector_load_idx %arg11[%add3A_1650] : memref<16384xf32, #tpu.memory_space<vmem>>[vector<16xi32>], vector<16xf32>,
      %mul3A_1652 = arith.mulf %get3A_1620, %gather3A_1651 : vector<16xf32>
      %add3A_1653 = arith.addf %add3A_1552, %mul3A_1652 : vector<16xf32>
      %add3A_1654 = arith.constant 5 : i32
      %add3A_1655 = vector.broadcast %add3A_1654 : i32 to vector<16xi32>
      %add3A_1656 = arith.addi %mul3A_1623, %add3A_1655 : vector<16xi32>
      %gather3A_1657 = tpu.vector_load_idx %arg11[%add3A_1656] : memref<16384xf32, #tpu.memory_space<vmem>>[vector<16xi32>], vector<16xf32>,
      %mul3A_1658 = arith.mulf %get3A_1620, %gather3A_1657 : vector<16xf32>
      %add3A_1659 = arith.addf %add3A_1558, %mul3A_1658 : vector<16xf32>
      %add3A_1660 = arith.constant 6 : i32
      %add3A_1661 = vector.broadcast %add3A_1660 : i32 to vector<16xi32>
      %add3A_1662 = arith.addi %mul3A_1623, %add3A_1661 : vector<16xi32>
      %gather3A_1663 = tpu.vector_load_idx %arg11[%add3A_1662] : memref<16384xf32, #tpu.memory_space<vmem>>[vector<16xi32>], vector<16xf32>,
      %mul3A_1664 = arith.mulf %get3A_1620, %gather3A_1663 : vector<16xf32>
      %add3A_1665 = arith.addf %add3A_1564, %mul3A_1664 : vector<16xf32>
      %add3A_1666 = arith.constant 7 : i32
      %add3A_1667 = vector.broadcast %add3A_1666 : i32 to vector<16xi32>
      %add3A_1668 = arith.addi %mul3A_1623, %add3A_1667 : vector<16xi32>
      %gather3A_1669 = tpu.vector_load_idx %arg11[%add3A_1668] : memref<16384xf32, #tpu.memory_space<vmem>>[vector<16xi32>], vector<16xf32>,
      %mul3A_1670 = arith.mulf %get3A_1620, %gather3A_1669 : vector<16xf32>
      %add3A_1671 = arith.addf %add3A_1570, %mul3A_1670 : vector<16xf32>
      %add3A_1672 = arith.constant 8 : i32
      %add3A_1673 = vector.broadcast %add3A_1672 : i32 to vector<16xi32>
      %add3A_1674 = arith.addi %mul3A_1623, %add3A_1673 : vector<16xi32>
      %gather3A_1675 = tpu.vector_load_idx %arg11[%add3A_1674] : memref<16384xf32, #tpu.memory_space<vmem>>[vector<16xi32>], vector<16xf32>,
      %mul3A_1676 = arith.mulf %get3A_1620, %gather3A_1675 : vector<16xf32>
      %add3A_1677 = arith.addf %add3A_1576, %mul3A_1676 : vector<16xf32>
      %add3A_1678 = arith.constant 9 : i32
      %add3A_1679 = vector.broadcast %add3A_1678 : i32 to vector<16xi32>
      %add3A_1680 = arith.addi %mul3A_1623, %add3A_1679 : vector<16xi32>
      %gather3A_1681 = tpu.vector_load_idx %arg11[%add3A_1680] : memref<16384xf32, #tpu.memory_space<vmem>>[vector<16xi32>], vector<16xf32>,
      %mul3A_1682 = arith.mulf %get3A_1620, %gather3A_1681 : vector<16xf32>
      %add3A_1683 = arith.addf %add3A_1582, %mul3A_1682 : vector<16xf32>
      %add3A_1684 = arith.constant 10 : i32
      %add3A_1685 = vector.broadcast %add3A_1684 : i32 to vector<16xi32>
      %add3A_1686 = arith.addi %mul3A_1623, %add3A_1685 : vector<16xi32>
      %gather3A_1687 = tpu.vector_load_idx %arg11[%add3A_1686] : memref<16384xf32, #tpu.memory_space<vmem>>[vector<16xi32>], vector<16xf32>,
      %mul3A_1688 = arith.mulf %get3A_1620, %gather3A_1687 : vector<16xf32>
      %add3A_1689 = arith.addf %add3A_1588, %mul3A_1688 : vector<16xf32>
      %add3A_1690 = arith.constant 11 : i32
      %add3A_1691 = vector.broadcast %add3A_1690 : i32 to vector<16xi32>
      %add3A_1692 = arith.addi %mul3A_1623, %add3A_1691 : vector<16xi32>
      %gather3A_1693 = tpu.vector_load_idx %arg11[%add3A_1692] : memref<16384xf32, #tpu.memory_space<vmem>>[vector<16xi32>], vector<16xf32>,
      %mul3A_1694 = arith.mulf %get3A_1620, %gather3A_1693 : vector<16xf32>
      %add3A_1695 = arith.addf %add3A_1594, %mul3A_1694 : vector<16xf32>
      %add3A_1696 = arith.constant 12 : i32
      %add3A_1697 = vector.broadcast %add3A_1696 : i32 to vector<16xi32>
      %add3A_1698 = arith.addi %mul3A_1623, %add3A_1697 : vector<16xi32>
      %gather3A_1699 = tpu.vector_load_idx %arg11[%add3A_1698] : memref<16384xf32, #tpu.memory_space<vmem>>[vector<16xi32>], vector<16xf32>,
      %mul3A_1700 = arith.mulf %get3A_1620, %gather3A_1699 : vector<16xf32>
      %add3A_1701 = arith.addf %add3A_1600, %mul3A_1700 : vector<16xf32>
      %add3A_1702 = arith.constant 13 : i32
      %add3A_1703 = vector.broadcast %add3A_1702 : i32 to vector<16xi32>
      %add3A_1704 = arith.addi %mul3A_1623, %add3A_1703 : vector<16xi32>
      %gather3A_1705 = tpu.vector_load_idx %arg11[%add3A_1704] : memref<16384xf32, #tpu.memory_space<vmem>>[vector<16xi32>], vector<16xf32>,
      %mul3A_1706 = arith.mulf %get3A_1620, %gather3A_1705 : vector<16xf32>
      %add3A_1707 = arith.addf %add3A_1606, %mul3A_1706 : vector<16xf32>
      %add3A_1708 = arith.constant 14 : i32
      %add3A_1709 = vector.broadcast %add3A_1708 : i32 to vector<16xi32>
      %add3A_1710 = arith.addi %mul3A_1623, %add3A_1709 : vector<16xi32>
      %gather3A_1711 = tpu.vector_load_idx %arg11[%add3A_1710] : memref<16384xf32, #tpu.memory_space<vmem>>[vector<16xi32>], vector<16xf32>,
      %mul3A_1712 = arith.mulf %get3A_1620, %gather3A_1711 : vector<16xf32>
      %add3A_1713 = arith.addf %add3A_1612, %mul3A_1712 : vector<16xf32>
      %add3A_1714 = arith.constant 7840 : i32
      %add3A_1715 = arith.addi %add3A_1714, %mul3A_1178 : i32
      %get3A_1716 = arith.index_cast %add3A_1715 : i32 to index
      %get3A_1717 = tpu.vector_load %arg9[%get3A_1716] {strides = array<i32>} : memref<12544xi32, #tpu.memory_space<vmem>>, vector<16xi32>,
      %add3A_1718 = arith.constant 7840 : i32
      %add3A_1719 = arith.addi %add3A_1718, %mul3A_1178 : i32
      %get3A_1720 = arith.index_cast %add3A_1719 : i32 to index
      %get3A_1721 = tpu.vector_load %arg10[%get3A_1720] {strides = array<i32>} : memref<12544xf32, #tpu.memory_space<vmem>>, vector<16xf32>,
      %mul3A_1722 = arith.constant 16 : i32
      %mul3A_1723 = vector.broadcast %mul3A_1722 : i32 to vector<16xi32>
      %mul3A_1724 = arith.muli %get3A_1717, %mul3A_1723 : vector<16xi32>
      %add3A_1725 = arith.constant 0 : i32
      %add3A_1726 = vector.broadcast %add3A_1725 : i32 to vector<16xi32>
      %add3A_1727 = arith.addi %mul3A_1724, %add3A_1726 : vector<16xi32>
      %gather3A_1728 = tpu.vector_load_idx %arg11[%add3A_1727] : memref<16384xf32, #tpu.memory_space<vmem>>[vector<16xi32>], vector<16xf32>,
      %mul3A_1729 = arith.mulf %get3A_1721, %gather3A_1728 : vector<16xf32>
      %add3A_1730 = arith.addf %add3A_1629, %mul3A_1729 : vector<16xf32>
      %add3A_1731 = arith.constant 1 : i32
      %add3A_1732 = vector.broadcast %add3A_1731 : i32 to vector<16xi32>
      %add3A_1733 = arith.addi %mul3A_1724, %add3A_1732 : vector<16xi32>
      %gather3A_1734 = tpu.vector_load_idx %arg11[%add3A_1733] : memref<16384xf32, #tpu.memory_space<vmem>>[vector<16xi32>], vector<16xf32>,
      %mul3A_1735 = arith.mulf %get3A_1721, %gather3A_1734 : vector<16xf32>
      %add3A_1736 = arith.addf %add3A_1635, %mul3A_1735 : vector<16xf32>
      %add3A_1737 = arith.constant 2 : i32
      %add3A_1738 = vector.broadcast %add3A_1737 : i32 to vector<16xi32>
      %add3A_1739 = arith.addi %mul3A_1724, %add3A_1738 : vector<16xi32>
      %gather3A_1740 = tpu.vector_load_idx %arg11[%add3A_1739] : memref<16384xf32, #tpu.memory_space<vmem>>[vector<16xi32>], vector<16xf32>,
      %mul3A_1741 = arith.mulf %get3A_1721, %gather3A_1740 : vector<16xf32>
      %add3A_1742 = arith.addf %add3A_1641, %mul3A_1741 : vector<16xf32>
      %add3A_1743 = arith.constant 3 : i32
      %add3A_1744 = vector.broadcast %add3A_1743 : i32 to vector<16xi32>
      %add3A_1745 = arith.addi %mul3A_1724, %add3A_1744 : vector<16xi32>
      %gather3A_1746 = tpu.vector_load_idx %arg11[%add3A_1745] : memref<16384xf32, #tpu.memory_space<vmem>>[vector<16xi32>], vector<16xf32>,
      %mul3A_1747 = arith.mulf %get3A_1721, %gather3A_1746 : vector<16xf32>
      %add3A_1748 = arith.addf %add3A_1647, %mul3A_1747 : vector<16xf32>
      %add3A_1749 = arith.constant 4 : i32
      %add3A_1750 = vector.broadcast %add3A_1749 : i32 to vector<16xi32>
      %add3A_1751 = arith.addi %mul3A_1724, %add3A_1750 : vector<16xi32>
      %gather3A_1752 = tpu.vector_load_idx %arg11[%add3A_1751] : memref<16384xf32, #tpu.memory_space<vmem>>[vector<16xi32>], vector<16xf32>,
      %mul3A_1753 = arith.mulf %get3A_1721, %gather3A_1752 : vector<16xf32>
      %add3A_1754 = arith.addf %add3A_1653, %mul3A_1753 : vector<16xf32>
      %add3A_1755 = arith.constant 5 : i32
      %add3A_1756 = vector.broadcast %add3A_1755 : i32 to vector<16xi32>
      %add3A_1757 = arith.addi %mul3A_1724, %add3A_1756 : vector<16xi32>
      %gather3A_1758 = tpu.vector_load_idx %arg11[%add3A_1757] : memref<16384xf32, #tpu.memory_space<vmem>>[vector<16xi32>], vector<16xf32>,
      %mul3A_1759 = arith.mulf %get3A_1721, %gather3A_1758 : vector<16xf32>
      %add3A_1760 = arith.addf %add3A_1659, %mul3A_1759 : vector<16xf32>
      %add3A_1761 = arith.constant 6 : i32
      %add3A_1762 = vector.broadcast %add3A_1761 : i32 to vector<16xi32>
      %add3A_1763 = arith.addi %mul3A_1724, %add3A_1762 : vector<16xi32>
      %gather3A_1764 = tpu.vector_load_idx %arg11[%add3A_1763] : memref<16384xf32, #tpu.memory_space<vmem>>[vector<16xi32>], vector<16xf32>,
      %mul3A_1765 = arith.mulf %get3A_1721, %gather3A_1764 : vector<16xf32>
      %add3A_1766 = arith.addf %add3A_1665, %mul3A_1765 : vector<16xf32>
      %add3A_1767 = arith.constant 7 : i32
      %add3A_1768 = vector.broadcast %add3A_1767 : i32 to vector<16xi32>
      %add3A_1769 = arith.addi %mul3A_1724, %add3A_1768 : vector<16xi32>
      %gather3A_1770 = tpu.vector_load_idx %arg11[%add3A_1769] : memref<16384xf32, #tpu.memory_space<vmem>>[vector<16xi32>], vector<16xf32>,
      %mul3A_1771 = arith.mulf %get3A_1721, %gather3A_1770 : vector<16xf32>
      %add3A_1772 = arith.addf %add3A_1671, %mul3A_1771 : vector<16xf32>
      %add3A_1773 = arith.constant 8 : i32
      %add3A_1774 = vector.broadcast %add3A_1773 : i32 to vector<16xi32>
      %add3A_1775 = arith.addi %mul3A_1724, %add3A_1774 : vector<16xi32>
      %gather3A_1776 = tpu.vector_load_idx %arg11[%add3A_1775] : memref<16384xf32, #tpu.memory_space<vmem>>[vector<16xi32>], vector<16xf32>,
      %mul3A_1777 = arith.mulf %get3A_1721, %gather3A_1776 : vector<16xf32>
      %add3A_1778 = arith.addf %add3A_1677, %mul3A_1777 : vector<16xf32>
      %add3A_1779 = arith.constant 9 : i32
      %add3A_1780 = vector.broadcast %add3A_1779 : i32 to vector<16xi32>
      %add3A_1781 = arith.addi %mul3A_1724, %add3A_1780 : vector<16xi32>
      %gather3A_1782 = tpu.vector_load_idx %arg11[%add3A_1781] : memref<16384xf32, #tpu.memory_space<vmem>>[vector<16xi32>], vector<16xf32>,
      %mul3A_1783 = arith.mulf %get3A_1721, %gather3A_1782 : vector<16xf32>
      %add3A_1784 = arith.addf %add3A_1683, %mul3A_1783 : vector<16xf32>
      %add3A_1785 = arith.constant 10 : i32
      %add3A_1786 = vector.broadcast %add3A_1785 : i32 to vector<16xi32>
      %add3A_1787 = arith.addi %mul3A_1724, %add3A_1786 : vector<16xi32>
      %gather3A_1788 = tpu.vector_load_idx %arg11[%add3A_1787] : memref<16384xf32, #tpu.memory_space<vmem>>[vector<16xi32>], vector<16xf32>,
      %mul3A_1789 = arith.mulf %get3A_1721, %gather3A_1788 : vector<16xf32>
      %add3A_1790 = arith.addf %add3A_1689, %mul3A_1789 : vector<16xf32>
      %add3A_1791 = arith.constant 11 : i32
      %add3A_1792 = vector.broadcast %add3A_1791 : i32 to vector<16xi32>
      %add3A_1793 = arith.addi %mul3A_1724, %add3A_1792 : vector<16xi32>
      %gather3A_1794 = tpu.vector_load_idx %arg11[%add3A_1793] : memref<16384xf32, #tpu.memory_space<vmem>>[vector<16xi32>], vector<16xf32>,
      %mul3A_1795 = arith.mulf %get3A_1721, %gather3A_1794 : vector<16xf32>
      %add3A_1796 = arith.addf %add3A_1695, %mul3A_1795 : vector<16xf32>
      %add3A_1797 = arith.constant 12 : i32
      %add3A_1798 = vector.broadcast %add3A_1797 : i32 to vector<16xi32>
      %add3A_1799 = arith.addi %mul3A_1724, %add3A_1798 : vector<16xi32>
      %gather3A_1800 = tpu.vector_load_idx %arg11[%add3A_1799] : memref<16384xf32, #tpu.memory_space<vmem>>[vector<16xi32>], vector<16xf32>,
      %mul3A_1801 = arith.mulf %get3A_1721, %gather3A_1800 : vector<16xf32>
      %add3A_1802 = arith.addf %add3A_1701, %mul3A_1801 : vector<16xf32>
      %add3A_1803 = arith.constant 13 : i32
      %add3A_1804 = vector.broadcast %add3A_1803 : i32 to vector<16xi32>
      %add3A_1805 = arith.addi %mul3A_1724, %add3A_1804 : vector<16xi32>
      %gather3A_1806 = tpu.vector_load_idx %arg11[%add3A_1805] : memref<16384xf32, #tpu.memory_space<vmem>>[vector<16xi32>], vector<16xf32>,
      %mul3A_1807 = arith.mulf %get3A_1721, %gather3A_1806 : vector<16xf32>
      %add3A_1808 = arith.addf %add3A_1707, %mul3A_1807 : vector<16xf32>
      %add3A_1809 = arith.constant 14 : i32
      %add3A_1810 = vector.broadcast %add3A_1809 : i32 to vector<16xi32>
      %add3A_1811 = arith.addi %mul3A_1724, %add3A_1810 : vector<16xi32>
      %gather3A_1812 = tpu.vector_load_idx %arg11[%add3A_1811] : memref<16384xf32, #tpu.memory_space<vmem>>[vector<16xi32>], vector<16xf32>,
      %mul3A_1813 = arith.mulf %get3A_1721, %gather3A_1812 : vector<16xf32>
      %add3A_1814 = arith.addf %add3A_1713, %mul3A_1813 : vector<16xf32>
      %add3A_1815 = arith.constant 9408 : i32
      %add3A_1816 = arith.addi %add3A_1815, %mul3A_1178 : i32
      %get3A_1817 = arith.index_cast %add3A_1816 : i32 to index
      %get3A_1818 = tpu.vector_load %arg9[%get3A_1817] {strides = array<i32>} : memref<12544xi32, #tpu.memory_space<vmem>>, vector<16xi32>,
      %add3A_1819 = arith.constant 9408 : i32
      %add3A_1820 = arith.addi %add3A_1819, %mul3A_1178 : i32
      %get3A_1821 = arith.index_cast %add3A_1820 : i32 to index
      %get3A_1822 = tpu.vector_load %arg10[%get3A_1821] {strides = array<i32>} : memref<12544xf32, #tpu.memory_space<vmem>>, vector<16xf32>,
      %mul3A_1823 = arith.constant 16 : i32
      %mul3A_1824 = vector.broadcast %mul3A_1823 : i32 to vector<16xi32>
      %mul3A_1825 = arith.muli %get3A_1818, %mul3A_1824 : vector<16xi32>
      %add3A_1826 = arith.constant 0 : i32
      %add3A_1827 = vector.broadcast %add3A_1826 : i32 to vector<16xi32>
      %add3A_1828 = arith.addi %mul3A_1825, %add3A_1827 : vector<16xi32>
      %gather3A_1829 = tpu.vector_load_idx %arg11[%add3A_1828] : memref<16384xf32, #tpu.memory_space<vmem>>[vector<16xi32>], vector<16xf32>,
      %mul3A_1830 = arith.mulf %get3A_1822, %gather3A_1829 : vector<16xf32>
      %add3A_1831 = arith.addf %add3A_1730, %mul3A_1830 : vector<16xf32>
      %add3A_1832 = arith.constant 1 : i32
      %add3A_1833 = vector.broadcast %add3A_1832 : i32 to vector<16xi32>
      %add3A_1834 = arith.addi %mul3A_1825, %add3A_1833 : vector<16xi32>
      %gather3A_1835 = tpu.vector_load_idx %arg11[%add3A_1834] : memref<16384xf32, #tpu.memory_space<vmem>>[vector<16xi32>], vector<16xf32>,
      %mul3A_1836 = arith.mulf %get3A_1822, %gather3A_1835 : vector<16xf32>
      %add3A_1837 = arith.addf %add3A_1736, %mul3A_1836 : vector<16xf32>
      %add3A_1838 = arith.constant 2 : i32
      %add3A_1839 = vector.broadcast %add3A_1838 : i32 to vector<16xi32>
      %add3A_1840 = arith.addi %mul3A_1825, %add3A_1839 : vector<16xi32>
      %gather3A_1841 = tpu.vector_load_idx %arg11[%add3A_1840] : memref<16384xf32, #tpu.memory_space<vmem>>[vector<16xi32>], vector<16xf32>,
      %mul3A_1842 = arith.mulf %get3A_1822, %gather3A_1841 : vector<16xf32>
      %add3A_1843 = arith.addf %add3A_1742, %mul3A_1842 : vector<16xf32>
      %add3A_1844 = arith.constant 3 : i32
      %add3A_1845 = vector.broadcast %add3A_1844 : i32 to vector<16xi32>
      %add3A_1846 = arith.addi %mul3A_1825, %add3A_1845 : vector<16xi32>
      %gather3A_1847 = tpu.vector_load_idx %arg11[%add3A_1846] : memref<16384xf32, #tpu.memory_space<vmem>>[vector<16xi32>], vector<16xf32>,
      %mul3A_1848 = arith.mulf %get3A_1822, %gather3A_1847 : vector<16xf32>
      %add3A_1849 = arith.addf %add3A_1748, %mul3A_1848 : vector<16xf32>
      %add3A_1850 = arith.constant 4 : i32
      %add3A_1851 = vector.broadcast %add3A_1850 : i32 to vector<16xi32>
      %add3A_1852 = arith.addi %mul3A_1825, %add3A_1851 : vector<16xi32>
      %gather3A_1853 = tpu.vector_load_idx %arg11[%add3A_1852] : memref<16384xf32, #tpu.memory_space<vmem>>[vector<16xi32>], vector<16xf32>,
      %mul3A_1854 = arith.mulf %get3A_1822, %gather3A_1853 : vector<16xf32>
      %add3A_1855 = arith.addf %add3A_1754, %mul3A_1854 : vector<16xf32>
      %add3A_1856 = arith.constant 5 : i32
      %add3A_1857 = vector.broadcast %add3A_1856 : i32 to vector<16xi32>
      %add3A_1858 = arith.addi %mul3A_1825, %add3A_1857 : vector<16xi32>
      %gather3A_1859 = tpu.vector_load_idx %arg11[%add3A_1858] : memref<16384xf32, #tpu.memory_space<vmem>>[vector<16xi32>], vector<16xf32>,
      %mul3A_1860 = arith.mulf %get3A_1822, %gather3A_1859 : vector<16xf32>
      %add3A_1861 = arith.addf %add3A_1760, %mul3A_1860 : vector<16xf32>
      %add3A_1862 = arith.constant 6 : i32
      %add3A_1863 = vector.broadcast %add3A_1862 : i32 to vector<16xi32>
      %add3A_1864 = arith.addi %mul3A_1825, %add3A_1863 : vector<16xi32>
      %gather3A_1865 = tpu.vector_load_idx %arg11[%add3A_1864] : memref<16384xf32, #tpu.memory_space<vmem>>[vector<16xi32>], vector<16xf32>,
      %mul3A_1866 = arith.mulf %get3A_1822, %gather3A_1865 : vector<16xf32>
      %add3A_1867 = arith.addf %add3A_1766, %mul3A_1866 : vector<16xf32>
      %add3A_1868 = arith.constant 7 : i32
      %add3A_1869 = vector.broadcast %add3A_1868 : i32 to vector<16xi32>
      %add3A_1870 = arith.addi %mul3A_1825, %add3A_1869 : vector<16xi32>
      %gather3A_1871 = tpu.vector_load_idx %arg11[%add3A_1870] : memref<16384xf32, #tpu.memory_space<vmem>>[vector<16xi32>], vector<16xf32>,
      %mul3A_1872 = arith.mulf %get3A_1822, %gather3A_1871 : vector<16xf32>
      %add3A_1873 = arith.addf %add3A_1772, %mul3A_1872 : vector<16xf32>
      %add3A_1874 = arith.constant 8 : i32
      %add3A_1875 = vector.broadcast %add3A_1874 : i32 to vector<16xi32>
      %add3A_1876 = arith.addi %mul3A_1825, %add3A_1875 : vector<16xi32>
      %gather3A_1877 = tpu.vector_load_idx %arg11[%add3A_1876] : memref<16384xf32, #tpu.memory_space<vmem>>[vector<16xi32>], vector<16xf32>,
      %mul3A_1878 = arith.mulf %get3A_1822, %gather3A_1877 : vector<16xf32>
      %add3A_1879 = arith.addf %add3A_1778, %mul3A_1878 : vector<16xf32>
      %add3A_1880 = arith.constant 9 : i32
      %add3A_1881 = vector.broadcast %add3A_1880 : i32 to vector<16xi32>
      %add3A_1882 = arith.addi %mul3A_1825, %add3A_1881 : vector<16xi32>
      %gather3A_1883 = tpu.vector_load_idx %arg11[%add3A_1882] : memref<16384xf32, #tpu.memory_space<vmem>>[vector<16xi32>], vector<16xf32>,
      %mul3A_1884 = arith.mulf %get3A_1822, %gather3A_1883 : vector<16xf32>
      %add3A_1885 = arith.addf %add3A_1784, %mul3A_1884 : vector<16xf32>
      %add3A_1886 = arith.constant 10 : i32
      %add3A_1887 = vector.broadcast %add3A_1886 : i32 to vector<16xi32>
      %add3A_1888 = arith.addi %mul3A_1825, %add3A_1887 : vector<16xi32>
      %gather3A_1889 = tpu.vector_load_idx %arg11[%add3A_1888] : memref<16384xf32, #tpu.memory_space<vmem>>[vector<16xi32>], vector<16xf32>,
      %mul3A_1890 = arith.mulf %get3A_1822, %gather3A_1889 : vector<16xf32>
      %add3A_1891 = arith.addf %add3A_1790, %mul3A_1890 : vector<16xf32>
      %add3A_1892 = arith.constant 11 : i32
      %add3A_1893 = vector.broadcast %add3A_1892 : i32 to vector<16xi32>
      %add3A_1894 = arith.addi %mul3A_1825, %add3A_1893 : vector<16xi32>
      %gather3A_1895 = tpu.vector_load_idx %arg11[%add3A_1894] : memref<16384xf32, #tpu.memory_space<vmem>>[vector<16xi32>], vector<16xf32>,
      %mul3A_1896 = arith.mulf %get3A_1822, %gather3A_1895 : vector<16xf32>
      %add3A_1897 = arith.addf %add3A_1796, %mul3A_1896 : vector<16xf32>
      %add3A_1898 = arith.constant 12 : i32
      %add3A_1899 = vector.broadcast %add3A_1898 : i32 to vector<16xi32>
      %add3A_1900 = arith.addi %mul3A_1825, %add3A_1899 : vector<16xi32>
      %gather3A_1901 = tpu.vector_load_idx %arg11[%add3A_1900] : memref<16384xf32, #tpu.memory_space<vmem>>[vector<16xi32>], vector<16xf32>,
      %mul3A_1902 = arith.mulf %get3A_1822, %gather3A_1901 : vector<16xf32>
      %add3A_1903 = arith.addf %add3A_1802, %mul3A_1902 : vector<16xf32>
      %add3A_1904 = arith.constant 13 : i32
      %add3A_1905 = vector.broadcast %add3A_1904 : i32 to vector<16xi32>
      %add3A_1906 = arith.addi %mul3A_1825, %add3A_1905 : vector<16xi32>
      %gather3A_1907 = tpu.vector_load_idx %arg11[%add3A_1906] : memref<16384xf32, #tpu.memory_space<vmem>>[vector<16xi32>], vector<16xf32>,
      %mul3A_1908 = arith.mulf %get3A_1822, %gather3A_1907 : vector<16xf32>
      %add3A_1909 = arith.addf %add3A_1808, %mul3A_1908 : vector<16xf32>
      %add3A_1910 = arith.constant 14 : i32
      %add3A_1911 = vector.broadcast %add3A_1910 : i32 to vector<16xi32>
      %add3A_1912 = arith.addi %mul3A_1825, %add3A_1911 : vector<16xi32>
      %gather3A_1913 = tpu.vector_load_idx %arg11[%add3A_1912] : memref<16384xf32, #tpu.memory_space<vmem>>[vector<16xi32>], vector<16xf32>,
      %mul3A_1914 = arith.mulf %get3A_1822, %gather3A_1913 : vector<16xf32>
      %add3A_1915 = arith.addf %add3A_1814, %mul3A_1914 : vector<16xf32>
      %add3A_1916 = arith.constant 10976 : i32
      %add3A_1917 = arith.addi %add3A_1916, %mul3A_1178 : i32
      %get3A_1918 = arith.index_cast %add3A_1917 : i32 to index
      %get3A_1919 = tpu.vector_load %arg9[%get3A_1918] {strides = array<i32>} : memref<12544xi32, #tpu.memory_space<vmem>>, vector<16xi32>,
      %add3A_1920 = arith.constant 10976 : i32
      %add3A_1921 = arith.addi %add3A_1920, %mul3A_1178 : i32
      %get3A_1922 = arith.index_cast %add3A_1921 : i32 to index
      %get3A_1923 = tpu.vector_load %arg10[%get3A_1922] {strides = array<i32>} : memref<12544xf32, #tpu.memory_space<vmem>>, vector<16xf32>,
      %mul3A_1924 = arith.constant 16 : i32
      %mul3A_1925 = vector.broadcast %mul3A_1924 : i32 to vector<16xi32>
      %mul3A_1926 = arith.muli %get3A_1919, %mul3A_1925 : vector<16xi32>
      %add3A_1927 = arith.constant 0 : i32
      %add3A_1928 = vector.broadcast %add3A_1927 : i32 to vector<16xi32>
      %add3A_1929 = arith.addi %mul3A_1926, %add3A_1928 : vector<16xi32>
      %gather3A_1930 = tpu.vector_load_idx %arg11[%add3A_1929] : memref<16384xf32, #tpu.memory_space<vmem>>[vector<16xi32>], vector<16xf32>,
      %mul3A_1931 = arith.mulf %get3A_1923, %gather3A_1930 : vector<16xf32>
      %add3A_1932 = arith.addf %add3A_1831, %mul3A_1931 : vector<16xf32>
      %add3A_1933 = arith.constant 1 : i32
      %add3A_1934 = vector.broadcast %add3A_1933 : i32 to vector<16xi32>
      %add3A_1935 = arith.addi %mul3A_1926, %add3A_1934 : vector<16xi32>
      %gather3A_1936 = tpu.vector_load_idx %arg11[%add3A_1935] : memref<16384xf32, #tpu.memory_space<vmem>>[vector<16xi32>], vector<16xf32>,
      %mul3A_1937 = arith.mulf %get3A_1923, %gather3A_1936 : vector<16xf32>
      %add3A_1938 = arith.addf %add3A_1837, %mul3A_1937 : vector<16xf32>
      %add3A_1939 = arith.constant 2 : i32
      %add3A_1940 = vector.broadcast %add3A_1939 : i32 to vector<16xi32>
      %add3A_1941 = arith.addi %mul3A_1926, %add3A_1940 : vector<16xi32>
      %gather3A_1942 = tpu.vector_load_idx %arg11[%add3A_1941] : memref<16384xf32, #tpu.memory_space<vmem>>[vector<16xi32>], vector<16xf32>,
      %mul3A_1943 = arith.mulf %get3A_1923, %gather3A_1942 : vector<16xf32>
      %add3A_1944 = arith.addf %add3A_1843, %mul3A_1943 : vector<16xf32>
      %add3A_1945 = arith.constant 3 : i32
      %add3A_1946 = vector.broadcast %add3A_1945 : i32 to vector<16xi32>
      %add3A_1947 = arith.addi %mul3A_1926, %add3A_1946 : vector<16xi32>
      %gather3A_1948 = tpu.vector_load_idx %arg11[%add3A_1947] : memref<16384xf32, #tpu.memory_space<vmem>>[vector<16xi32>], vector<16xf32>,
      %mul3A_1949 = arith.mulf %get3A_1923, %gather3A_1948 : vector<16xf32>
      %add3A_1950 = arith.addf %add3A_1849, %mul3A_1949 : vector<16xf32>
      %add3A_1951 = arith.constant 4 : i32
      %add3A_1952 = vector.broadcast %add3A_1951 : i32 to vector<16xi32>
      %add3A_1953 = arith.addi %mul3A_1926, %add3A_1952 : vector<16xi32>
      %gather3A_1954 = tpu.vector_load_idx %arg11[%add3A_1953] : memref<16384xf32, #tpu.memory_space<vmem>>[vector<16xi32>], vector<16xf32>,
      %mul3A_1955 = arith.mulf %get3A_1923, %gather3A_1954 : vector<16xf32>
      %add3A_1956 = arith.addf %add3A_1855, %mul3A_1955 : vector<16xf32>
      %add3A_1957 = arith.constant 5 : i32
      %add3A_1958 = vector.broadcast %add3A_1957 : i32 to vector<16xi32>
      %add3A_1959 = arith.addi %mul3A_1926, %add3A_1958 : vector<16xi32>
      %gather3A_1960 = tpu.vector_load_idx %arg11[%add3A_1959] : memref<16384xf32, #tpu.memory_space<vmem>>[vector<16xi32>], vector<16xf32>,
      %mul3A_1961 = arith.mulf %get3A_1923, %gather3A_1960 : vector<16xf32>
      %add3A_1962 = arith.addf %add3A_1861, %mul3A_1961 : vector<16xf32>
      %add3A_1963 = arith.constant 6 : i32
      %add3A_1964 = vector.broadcast %add3A_1963 : i32 to vector<16xi32>
      %add3A_1965 = arith.addi %mul3A_1926, %add3A_1964 : vector<16xi32>
      %gather3A_1966 = tpu.vector_load_idx %arg11[%add3A_1965] : memref<16384xf32, #tpu.memory_space<vmem>>[vector<16xi32>], vector<16xf32>,
      %mul3A_1967 = arith.mulf %get3A_1923, %gather3A_1966 : vector<16xf32>
      %add3A_1968 = arith.addf %add3A_1867, %mul3A_1967 : vector<16xf32>
      %add3A_1969 = arith.constant 7 : i32
      %add3A_1970 = vector.broadcast %add3A_1969 : i32 to vector<16xi32>
      %add3A_1971 = arith.addi %mul3A_1926, %add3A_1970 : vector<16xi32>
      %gather3A_1972 = tpu.vector_load_idx %arg11[%add3A_1971] : memref<16384xf32, #tpu.memory_space<vmem>>[vector<16xi32>], vector<16xf32>,
      %mul3A_1973 = arith.mulf %get3A_1923, %gather3A_1972 : vector<16xf32>
      %add3A_1974 = arith.addf %add3A_1873, %mul3A_1973 : vector<16xf32>
      %add3A_1975 = arith.constant 8 : i32
      %add3A_1976 = vector.broadcast %add3A_1975 : i32 to vector<16xi32>
      %add3A_1977 = arith.addi %mul3A_1926, %add3A_1976 : vector<16xi32>
      %gather3A_1978 = tpu.vector_load_idx %arg11[%add3A_1977] : memref<16384xf32, #tpu.memory_space<vmem>>[vector<16xi32>], vector<16xf32>,
      %mul3A_1979 = arith.mulf %get3A_1923, %gather3A_1978 : vector<16xf32>
      %add3A_1980 = arith.addf %add3A_1879, %mul3A_1979 : vector<16xf32>
      %add3A_1981 = arith.constant 9 : i32
      %add3A_1982 = vector.broadcast %add3A_1981 : i32 to vector<16xi32>
      %add3A_1983 = arith.addi %mul3A_1926, %add3A_1982 : vector<16xi32>
      %gather3A_1984 = tpu.vector_load_idx %arg11[%add3A_1983] : memref<16384xf32, #tpu.memory_space<vmem>>[vector<16xi32>], vector<16xf32>,
      %mul3A_1985 = arith.mulf %get3A_1923, %gather3A_1984 : vector<16xf32>
      %add3A_1986 = arith.addf %add3A_1885, %mul3A_1985 : vector<16xf32>
      %add3A_1987 = arith.constant 10 : i32
      %add3A_1988 = vector.broadcast %add3A_1987 : i32 to vector<16xi32>
      %add3A_1989 = arith.addi %mul3A_1926, %add3A_1988 : vector<16xi32>
      %gather3A_1990 = tpu.vector_load_idx %arg11[%add3A_1989] : memref<16384xf32, #tpu.memory_space<vmem>>[vector<16xi32>], vector<16xf32>,
      %mul3A_1991 = arith.mulf %get3A_1923, %gather3A_1990 : vector<16xf32>
      %add3A_1992 = arith.addf %add3A_1891, %mul3A_1991 : vector<16xf32>
      %add3A_1993 = arith.constant 11 : i32
      %add3A_1994 = vector.broadcast %add3A_1993 : i32 to vector<16xi32>
      %add3A_1995 = arith.addi %mul3A_1926, %add3A_1994 : vector<16xi32>
      %gather3A_1996 = tpu.vector_load_idx %arg11[%add3A_1995] : memref<16384xf32, #tpu.memory_space<vmem>>[vector<16xi32>], vector<16xf32>,
      %mul3A_1997 = arith.mulf %get3A_1923, %gather3A_1996 : vector<16xf32>
      %add3A_1998 = arith.addf %add3A_1897, %mul3A_1997 : vector<16xf32>
      %add3A_1999 = arith.constant 12 : i32
      %add3A_2000 = vector.broadcast %add3A_1999 : i32 to vector<16xi32>
      %add3A_2001 = arith.addi %mul3A_1926, %add3A_2000 : vector<16xi32>
      %gather3A_2002 = tpu.vector_load_idx %arg11[%add3A_2001] : memref<16384xf32, #tpu.memory_space<vmem>>[vector<16xi32>], vector<16xf32>,
      %mul3A_2003 = arith.mulf %get3A_1923, %gather3A_2002 : vector<16xf32>
      %add3A_2004 = arith.addf %add3A_1903, %mul3A_2003 : vector<16xf32>
      %add3A_2005 = arith.constant 13 : i32
      %add3A_2006 = vector.broadcast %add3A_2005 : i32 to vector<16xi32>
      %add3A_2007 = arith.addi %mul3A_1926, %add3A_2006 : vector<16xi32>
      %gather3A_2008 = tpu.vector_load_idx %arg11[%add3A_2007] : memref<16384xf32, #tpu.memory_space<vmem>>[vector<16xi32>], vector<16xf32>,
      %mul3A_2009 = arith.mulf %get3A_1923, %gather3A_2008 : vector<16xf32>
      %add3A_2010 = arith.addf %add3A_1909, %mul3A_2009 : vector<16xf32>
      %add3A_2011 = arith.constant 14 : i32
      %add3A_2012 = vector.broadcast %add3A_2011 : i32 to vector<16xi32>
      %add3A_2013 = arith.addi %mul3A_1926, %add3A_2012 : vector<16xi32>
      %gather3A_2014 = tpu.vector_load_idx %arg11[%add3A_2013] : memref<16384xf32, #tpu.memory_space<vmem>>[vector<16xi32>], vector<16xf32>,
      %mul3A_2015 = arith.mulf %get3A_1923, %gather3A_2014 : vector<16xf32>
      %add3A_2016 = arith.addf %add3A_1915, %mul3A_2015 : vector<16xf32>
      %get3A_2017 = arith.index_cast %mul3A_1178 : i32 to index
      %get3A_2018 = tpu.vector_load %arg8[%get3A_2017] {strides = array<i32>} : memref<4704xf32, #tpu.memory_space<vmem>>, vector<16xf32>,
      %add3A_2019 = arith.constant 1568 : i32
      %add3A_2020 = arith.addi %add3A_2019, %mul3A_1178 : i32
      %get3A_2021 = arith.index_cast %add3A_2020 : i32 to index
      %get3A_2022 = tpu.vector_load %arg8[%get3A_2021] {strides = array<i32>} : memref<4704xf32, #tpu.memory_space<vmem>>, vector<16xf32>,
      %add3A_2023 = arith.constant 3136 : i32
      %add3A_2024 = arith.addi %add3A_2023, %mul3A_1178 : i32
      %get3A_2025 = arith.index_cast %add3A_2024 : i32 to index
      %get3A_2026 = tpu.vector_load %arg8[%get3A_2025] {strides = array<i32>} : memref<4704xf32, #tpu.memory_space<vmem>>, vector<16xf32>,
      %mul3A_2027 = arith.mulf %add3A_1932, %get3A_2018 : vector<16xf32>
      %mul3A_2028 = arith.mulf %add3A_1938, %get3A_2022 : vector<16xf32>
      %add3A_2029 = arith.addf %mul3A_2027, %mul3A_2028 : vector<16xf32>
      %mul3A_2030 = arith.mulf %add3A_1944, %get3A_2026 : vector<16xf32>
      %add3A_2031 = arith.addf %add3A_2029, %mul3A_2030 : vector<16xf32>
      %add3A_2032 = arith.addf %add3A_2031, %add3A_1986 : vector<16xf32>
      %swap3A_2033 = arith.index_cast %mul3A_1178 : i32 to index
      %swap3A_2034 = tpu.vector_load %arg12[%swap3A_2033] {strides = array<i32>} : memref<4704xf32, #tpu.memory_space<vmem>>, vector<16xf32>,
      tpu.vector_store %arg12[%swap3A_2033], %add3A_2032 {strides = array<i32>} : memref<4704xf32, #tpu.memory_space<vmem>>, vector<16xf32>,
      %mul3A_2035 = arith.mulf %add3A_1950, %get3A_2018 : vector<16xf32>
      %mul3A_2036 = arith.mulf %add3A_1956, %get3A_2022 : vector<16xf32>
      %add3A_2037 = arith.addf %mul3A_2035, %mul3A_2036 : vector<16xf32>
      %mul3A_2038 = arith.mulf %add3A_1962, %get3A_2026 : vector<16xf32>
      %add3A_2039 = arith.addf %add3A_2037, %mul3A_2038 : vector<16xf32>
      %add3A_2040 = arith.addf %add3A_2039, %add3A_1992 : vector<16xf32>
      %add3A_2041 = arith.constant 1568 : i32
      %add3A_2042 = arith.addi %add3A_2041, %mul3A_1178 : i32
      %swap3A_2043 = arith.index_cast %add3A_2042 : i32 to index
      %swap3A_2044 = tpu.vector_load %arg12[%swap3A_2043] {strides = array<i32>} : memref<4704xf32, #tpu.memory_space<vmem>>, vector<16xf32>,
      tpu.vector_store %arg12[%swap3A_2043], %add3A_2040 {strides = array<i32>} : memref<4704xf32, #tpu.memory_space<vmem>>, vector<16xf32>,
      %mul3A_2045 = arith.mulf %add3A_1968, %get3A_2018 : vector<16xf32>
      %mul3A_2046 = arith.mulf %add3A_1974, %get3A_2022 : vector<16xf32>
      %add3A_2047 = arith.addf %mul3A_2045, %mul3A_2046 : vector<16xf32>
      %mul3A_2048 = arith.mulf %add3A_1980, %get3A_2026 : vector<16xf32>
      %add3A_2049 = arith.addf %add3A_2047, %mul3A_2048 : vector<16xf32>
      %add3A_2050 = arith.addf %add3A_2049, %add3A_1998 : vector<16xf32>
      %add3A_2051 = arith.constant 3136 : i32
      %add3A_2052 = arith.addi %add3A_2051, %mul3A_1178 : i32
      %swap3A_2053 = arith.index_cast %add3A_2052 : i32 to index
      %swap3A_2054 = tpu.vector_load %arg12[%swap3A_2053] {strides = array<i32>} : memref<4704xf32, #tpu.memory_space<vmem>>, vector<16xf32>,
      tpu.vector_store %arg12[%swap3A_2053], %add3A_2050 {strides = array<i32>} : memref<4704xf32, #tpu.memory_space<vmem>>, vector<16xf32>,
      %swap3A_2055 = arith.index_cast %mul3A_1178 : i32 to index
      %swap3A_2056 = tpu.vector_load %arg13[%swap3A_2055] {strides = array<i32>} : memref<4704xf32, #tpu.memory_space<vmem>>, vector<16xf32>,
      tpu.vector_store %arg13[%swap3A_2055], %add3A_2004 {strides = array<i32>} : memref<4704xf32, #tpu.memory_space<vmem>>, vector<16xf32>,
      %add3A_2057 = arith.constant 1568 : i32
      %add3A_2058 = arith.addi %add3A_2057, %mul3A_1178 : i32
      %swap3A_2059 = arith.index_cast %add3A_2058 : i32 to index
      %swap3A_2060 = tpu.vector_load %arg13[%swap3A_2059] {strides = array<i32>} : memref<4704xf32, #tpu.memory_space<vmem>>, vector<16xf32>,
      tpu.vector_store %arg13[%swap3A_2059], %add3A_2010 {strides = array<i32>} : memref<4704xf32, #tpu.memory_space<vmem>>, vector<16xf32>,
      %add3A_2061 = arith.constant 3136 : i32
      %add3A_2062 = arith.addi %add3A_2061, %mul3A_1178 : i32
      %swap3A_2063 = arith.index_cast %add3A_2062 : i32 to index
      %swap3A_2064 = tpu.vector_load %arg13[%swap3A_2063] {strides = array<i32>} : memref<4704xf32, #tpu.memory_space<vmem>>, vector<16xf32>,
      tpu.vector_store %arg13[%swap3A_2063], %add3A_2016 {strides = array<i32>} : memref<4704xf32, #tpu.memory_space<vmem>>, vector<16xf32>,
    }
    %scan3A_271 = arith.constant 49 : i32
    %add3A_272 = arith.constant 0 : i32
    %add3A_273 = arith.addi %add3A_272, %mul3A_2 : i32
    "tpu.region"() ({
      %run_scoped3A = tpu.sem_alloc : memref<!tpu.dma_semaphore, #tpu.memory_space<semaphore_mem>>
      %dma_start3A_284 = arith.constant 0 : i32
      %dma_start3A_285 = tpu.memref_slice %arg12[%dma_start3A_284] : memref<4704xf32, #tpu.memory_space<vmem>> -> memref<1568xf32, #tpu.memory_space<vmem>>
      %dma_start3A_286 = tpu.memref_slice %arg6[%add3A_273] : memref<150528xf32, #tpu.memory_space<hbm>> -> memref<1568xf32, #tpu.memory_space<hbm>>
      %dma_start3A_287 = tpu.memref_slice %arg6[%add3A_273] : memref<150528xf32, #tpu.memory_space<hbm>> -> memref<1568xf32, #tpu.memory_space<hbm>>
      %dma_start3A_288 = arith.constant 0 : i32
      %dma_start3A_289 = tpu.memref_slice %arg12[%dma_start3A_288] : memref<4704xf32, #tpu.memory_space<vmem>> -> memref<1568xf32, #tpu.memory_space<vmem>>
      tpu.enqueue_dma source(%dma_start3A_289 : memref<1568xf32, #tpu.memory_space<vmem>>) target(%dma_start3A_287 : memref<1568xf32, #tpu.memory_space<hbm>>) target_semaphore(%run_scoped3A : memref<!tpu.dma_semaphore, #tpu.memory_space<semaphore_mem>>)
      %dma_wait3A_290 = arith.constant 0 : i32
      %dma_wait3A_291 = tpu.memref_slice %arg12[%dma_wait3A_290] : memref<4704xf32, #tpu.memory_space<vmem>> -> memref<1568xf32, #tpu.memory_space<vmem>>
      %dma_wait3A_292 = tpu.memref_slice %arg6[%add3A_273] : memref<150528xf32, #tpu.memory_space<hbm>> -> memref<1568xf32, #tpu.memory_space<hbm>>
      %dma_wait3A_293 = tpu.memref_slice %arg6[%add3A_273] : memref<150528xf32, #tpu.memory_space<hbm>> -> memref<1568xf32, #tpu.memory_space<hbm>>
      %dma_wait3A_294 = arith.constant 0 : i32
      %dma_wait3A_295 = tpu.memref_slice %arg12[%dma_wait3A_294] : memref<4704xf32, #tpu.memory_space<vmem>> -> memref<1568xf32, #tpu.memory_space<vmem>>
      tpu.wait_dma2 semaphore(%run_scoped3A : memref<!tpu.dma_semaphore, #tpu.memory_space<semaphore_mem>>) src(%dma_wait3A_295 : memref<1568xf32, #tpu.memory_space<vmem>>) dst(%dma_wait3A_293 : memref<1568xf32, #tpu.memory_space<hbm>>)
      tpu.yield
    }) : () -> ()
    %add3A_274 = arith.constant 0 : i32
    %add3A_275 = arith.addi %add3A_274, %mul3A_2 : i32
    "tpu.region"() ({
      %run_scoped3A = tpu.sem_alloc : memref<!tpu.dma_semaphore, #tpu.memory_space<semaphore_mem>>
      %dma_start3A_284 = arith.constant 0 : i32
      %dma_start3A_285 = tpu.memref_slice %arg13[%dma_start3A_284] : memref<4704xf32, #tpu.memory_space<vmem>> -> memref<1568xf32, #tpu.memory_space<vmem>>
      %dma_start3A_286 = tpu.memref_slice %arg7[%add3A_275] : memref<150528xf32, #tpu.memory_space<hbm>> -> memref<1568xf32, #tpu.memory_space<hbm>>
      %dma_start3A_287 = tpu.memref_slice %arg7[%add3A_275] : memref<150528xf32, #tpu.memory_space<hbm>> -> memref<1568xf32, #tpu.memory_space<hbm>>
      %dma_start3A_288 = arith.constant 0 : i32
      %dma_start3A_289 = tpu.memref_slice %arg13[%dma_start3A_288] : memref<4704xf32, #tpu.memory_space<vmem>> -> memref<1568xf32, #tpu.memory_space<vmem>>
      tpu.enqueue_dma source(%dma_start3A_289 : memref<1568xf32, #tpu.memory_space<vmem>>) target(%dma_start3A_287 : memref<1568xf32, #tpu.memory_space<hbm>>) target_semaphore(%run_scoped3A : memref<!tpu.dma_semaphore, #tpu.memory_space<semaphore_mem>>)
      %dma_wait3A_290 = arith.constant 0 : i32
      %dma_wait3A_291 = tpu.memref_slice %arg13[%dma_wait3A_290] : memref<4704xf32, #tpu.memory_space<vmem>> -> memref<1568xf32, #tpu.memory_space<vmem>>
      %dma_wait3A_292 = tpu.memref_slice %arg7[%add3A_275] : memref<150528xf32, #tpu.memory_space<hbm>> -> memref<1568xf32, #tpu.memory_space<hbm>>
      %dma_wait3A_293 = tpu.memref_slice %arg7[%add3A_275] : memref<150528xf32, #tpu.memory_space<hbm>> -> memref<1568xf32, #tpu.memory_space<hbm>>
      %dma_wait3A_294 = arith.constant 0 : i32
      %dma_wait3A_295 = tpu.memref_slice %arg13[%dma_wait3A_294] : memref<4704xf32, #tpu.memory_space<vmem>> -> memref<1568xf32, #tpu.memory_space<vmem>>
      tpu.wait_dma2 semaphore(%run_scoped3A : memref<!tpu.dma_semaphore, #tpu.memory_space<semaphore_mem>>) src(%dma_wait3A_295 : memref<1568xf32, #tpu.memory_space<vmem>>) dst(%dma_wait3A_293 : memref<1568xf32, #tpu.memory_space<hbm>>)
      tpu.yield
    }) : () -> ()
    %add3A_276 = arith.constant 50176 : i32
    %add3A_277 = arith.addi %add3A_276, %mul3A_2 : i32
    "tpu.region"() ({
      %run_scoped3A = tpu.sem_alloc : memref<!tpu.dma_semaphore, #tpu.memory_space<semaphore_mem>>
      %dma_start3A_284 = arith.constant 1568 : i32
      %dma_start3A_285 = tpu.memref_slice %arg12[%dma_start3A_284] : memref<4704xf32, #tpu.memory_space<vmem>> -> memref<1568xf32, #tpu.memory_space<vmem>>
      %dma_start3A_286 = tpu.memref_slice %arg6[%add3A_277] : memref<150528xf32, #tpu.memory_space<hbm>> -> memref<1568xf32, #tpu.memory_space<hbm>>
      %dma_start3A_287 = tpu.memref_slice %arg6[%add3A_277] : memref<150528xf32, #tpu.memory_space<hbm>> -> memref<1568xf32, #tpu.memory_space<hbm>>
      %dma_start3A_288 = arith.constant 1568 : i32
      %dma_start3A_289 = tpu.memref_slice %arg12[%dma_start3A_288] : memref<4704xf32, #tpu.memory_space<vmem>> -> memref<1568xf32, #tpu.memory_space<vmem>>
      tpu.enqueue_dma source(%dma_start3A_289 : memref<1568xf32, #tpu.memory_space<vmem>>) target(%dma_start3A_287 : memref<1568xf32, #tpu.memory_space<hbm>>) target_semaphore(%run_scoped3A : memref<!tpu.dma_semaphore, #tpu.memory_space<semaphore_mem>>)
      %dma_wait3A_290 = arith.constant 1568 : i32
      %dma_wait3A_291 = tpu.memref_slice %arg12[%dma_wait3A_290] : memref<4704xf32, #tpu.memory_space<vmem>> -> memref<1568xf32, #tpu.memory_space<vmem>>
      %dma_wait3A_292 = tpu.memref_slice %arg6[%add3A_277] : memref<150528xf32, #tpu.memory_space<hbm>> -> memref<1568xf32, #tpu.memory_space<hbm>>
      %dma_wait3A_293 = tpu.memref_slice %arg6[%add3A_277] : memref<150528xf32, #tpu.memory_space<hbm>> -> memref<1568xf32, #tpu.memory_space<hbm>>
      %dma_wait3A_294 = arith.constant 1568 : i32
      %dma_wait3A_295 = tpu.memref_slice %arg12[%dma_wait3A_294] : memref<4704xf32, #tpu.memory_space<vmem>> -> memref<1568xf32, #tpu.memory_space<vmem>>
      tpu.wait_dma2 semaphore(%run_scoped3A : memref<!tpu.dma_semaphore, #tpu.memory_space<semaphore_mem>>) src(%dma_wait3A_295 : memref<1568xf32, #tpu.memory_space<vmem>>) dst(%dma_wait3A_293 : memref<1568xf32, #tpu.memory_space<hbm>>)
      tpu.yield
    }) : () -> ()
    %add3A_278 = arith.constant 50176 : i32
    %add3A_279 = arith.addi %add3A_278, %mul3A_2 : i32
    "tpu.region"() ({
      %run_scoped3A = tpu.sem_alloc : memref<!tpu.dma_semaphore, #tpu.memory_space<semaphore_mem>>
      %dma_start3A_284 = arith.constant 1568 : i32
      %dma_start3A_285 = tpu.memref_slice %arg13[%dma_start3A_284] : memref<4704xf32, #tpu.memory_space<vmem>> -> memref<1568xf32, #tpu.memory_space<vmem>>
      %dma_start3A_286 = tpu.memref_slice %arg7[%add3A_279] : memref<150528xf32, #tpu.memory_space<hbm>> -> memref<1568xf32, #tpu.memory_space<hbm>>
      %dma_start3A_287 = tpu.memref_slice %arg7[%add3A_279] : memref<150528xf32, #tpu.memory_space<hbm>> -> memref<1568xf32, #tpu.memory_space<hbm>>
      %dma_start3A_288 = arith.constant 1568 : i32
      %dma_start3A_289 = tpu.memref_slice %arg13[%dma_start3A_288] : memref<4704xf32, #tpu.memory_space<vmem>> -> memref<1568xf32, #tpu.memory_space<vmem>>
      tpu.enqueue_dma source(%dma_start3A_289 : memref<1568xf32, #tpu.memory_space<vmem>>) target(%dma_start3A_287 : memref<1568xf32, #tpu.memory_space<hbm>>) target_semaphore(%run_scoped3A : memref<!tpu.dma_semaphore, #tpu.memory_space<semaphore_mem>>)
      %dma_wait3A_290 = arith.constant 1568 : i32
      %dma_wait3A_291 = tpu.memref_slice %arg13[%dma_wait3A_290] : memref<4704xf32, #tpu.memory_space<vmem>> -> memref<1568xf32, #tpu.memory_space<vmem>>
      %dma_wait3A_292 = tpu.memref_slice %arg7[%add3A_279] : memref<150528xf32, #tpu.memory_space<hbm>> -> memref<1568xf32, #tpu.memory_space<hbm>>
      %dma_wait3A_293 = tpu.memref_slice %arg7[%add3A_279] : memref<150528xf32, #tpu.memory_space<hbm>> -> memref<1568xf32, #tpu.memory_space<hbm>>
      %dma_wait3A_294 = arith.constant 1568 : i32
      %dma_wait3A_295 = tpu.memref_slice %arg13[%dma_wait3A_294] : memref<4704xf32, #tpu.memory_space<vmem>> -> memref<1568xf32, #tpu.memory_space<vmem>>
      tpu.wait_dma2 semaphore(%run_scoped3A : memref<!tpu.dma_semaphore, #tpu.memory_space<semaphore_mem>>) src(%dma_wait3A_295 : memref<1568xf32, #tpu.memory_space<vmem>>) dst(%dma_wait3A_293 : memref<1568xf32, #tpu.memory_space<hbm>>)
      tpu.yield
    }) : () -> ()
    %add3A_280 = arith.constant 100352 : i32
    %add3A_281 = arith.addi %add3A_280, %mul3A_2 : i32
    "tpu.region"() ({
      %run_scoped3A = tpu.sem_alloc : memref<!tpu.dma_semaphore, #tpu.memory_space<semaphore_mem>>
      %dma_start3A_284 = arith.constant 3136 : i32
      %dma_start3A_285 = tpu.memref_slice %arg12[%dma_start3A_284] : memref<4704xf32, #tpu.memory_space<vmem>> -> memref<1568xf32, #tpu.memory_space<vmem>>
      %dma_start3A_286 = tpu.memref_slice %arg6[%add3A_281] : memref<150528xf32, #tpu.memory_space<hbm>> -> memref<1568xf32, #tpu.memory_space<hbm>>
      %dma_start3A_287 = tpu.memref_slice %arg6[%add3A_281] : memref<150528xf32, #tpu.memory_space<hbm>> -> memref<1568xf32, #tpu.memory_space<hbm>>
      %dma_start3A_288 = arith.constant 3136 : i32
      %dma_start3A_289 = tpu.memref_slice %arg12[%dma_start3A_288] : memref<4704xf32, #tpu.memory_space<vmem>> -> memref<1568xf32, #tpu.memory_space<vmem>>
      tpu.enqueue_dma source(%dma_start3A_289 : memref<1568xf32, #tpu.memory_space<vmem>>) target(%dma_start3A_287 : memref<1568xf32, #tpu.memory_space<hbm>>) target_semaphore(%run_scoped3A : memref<!tpu.dma_semaphore, #tpu.memory_space<semaphore_mem>>)
      %dma_wait3A_290 = arith.constant 3136 : i32
      %dma_wait3A_291 = tpu.memref_slice %arg12[%dma_wait3A_290] : memref<4704xf32, #tpu.memory_space<vmem>> -> memref<1568xf32, #tpu.memory_space<vmem>>
      %dma_wait3A_292 = tpu.memref_slice %arg6[%add3A_281] : memref<150528xf32, #tpu.memory_space<hbm>> -> memref<1568xf32, #tpu.memory_space<hbm>>
      %dma_wait3A_293 = tpu.memref_slice %arg6[%add3A_281] : memref<150528xf32, #tpu.memory_space<hbm>> -> memref<1568xf32, #tpu.memory_space<hbm>>
      %dma_wait3A_294 = arith.constant 3136 : i32
      %dma_wait3A_295 = tpu.memref_slice %arg12[%dma_wait3A_294] : memref<4704xf32, #tpu.memory_space<vmem>> -> memref<1568xf32, #tpu.memory_space<vmem>>
      tpu.wait_dma2 semaphore(%run_scoped3A : memref<!tpu.dma_semaphore, #tpu.memory_space<semaphore_mem>>) src(%dma_wait3A_295 : memref<1568xf32, #tpu.memory_space<vmem>>) dst(%dma_wait3A_293 : memref<1568xf32, #tpu.memory_space<hbm>>)
      tpu.yield
    }) : () -> ()
    %add3A_282 = arith.constant 100352 : i32
    %add3A_283 = arith.addi %add3A_282, %mul3A_2 : i32
    "tpu.region"() ({
      %run_scoped3A = tpu.sem_alloc : memref<!tpu.dma_semaphore, #tpu.memory_space<semaphore_mem>>
      %dma_start3A_284 = arith.constant 3136 : i32
      %dma_start3A_285 = tpu.memref_slice %arg13[%dma_start3A_284] : memref<4704xf32, #tpu.memory_space<vmem>> -> memref<1568xf32, #tpu.memory_space<vmem>>
      %dma_start3A_286 = tpu.memref_slice %arg7[%add3A_283] : memref<150528xf32, #tpu.memory_space<hbm>> -> memref<1568xf32, #tpu.memory_space<hbm>>
      %dma_start3A_287 = tpu.memref_slice %arg7[%add3A_283] : memref<150528xf32, #tpu.memory_space<hbm>> -> memref<1568xf32, #tpu.memory_space<hbm>>
      %dma_start3A_288 = arith.constant 3136 : i32
      %dma_start3A_289 = tpu.memref_slice %arg13[%dma_start3A_288] : memref<4704xf32, #tpu.memory_space<vmem>> -> memref<1568xf32, #tpu.memory_space<vmem>>
      tpu.enqueue_dma source(%dma_start3A_289 : memref<1568xf32, #tpu.memory_space<vmem>>) target(%dma_start3A_287 : memref<1568xf32, #tpu.memory_space<hbm>>) target_semaphore(%run_scoped3A : memref<!tpu.dma_semaphore, #tpu.memory_space<semaphore_mem>>)
      %dma_wait3A_290 = arith.constant 3136 : i32
      %dma_wait3A_291 = tpu.memref_slice %arg13[%dma_wait3A_290] : memref<4704xf32, #tpu.memory_space<vmem>> -> memref<1568xf32, #tpu.memory_space<vmem>>
      %dma_wait3A_292 = tpu.memref_slice %arg7[%add3A_283] : memref<150528xf32, #tpu.memory_space<hbm>> -> memref<1568xf32, #tpu.memory_space<hbm>>
      %dma_wait3A_293 = tpu.memref_slice %arg7[%add3A_283] : memref<150528xf32, #tpu.memory_space<hbm>> -> memref<1568xf32, #tpu.memory_space<hbm>>
      %dma_wait3A_294 = arith.constant 3136 : i32
      %dma_wait3A_295 = tpu.memref_slice %arg13[%dma_wait3A_294] : memref<4704xf32, #tpu.memory_space<vmem>> -> memref<1568xf32, #tpu.memory_space<vmem>>
      tpu.wait_dma2 semaphore(%run_scoped3A : memref<!tpu.dma_semaphore, #tpu.memory_space<semaphore_mem>>) src(%dma_wait3A_295 : memref<1568xf32, #tpu.memory_space<vmem>>) dst(%dma_wait3A_293 : memref<1568xf32, #tpu.memory_space<hbm>>)
      tpu.yield
    }) : () -> ()
    return
  }
}

module attributes {stable_mosaic.version = 14 : i64} {
  func.func @_table_body(%arg0: memref<3x1024xf32, #tpu.memory_space<vmem>>, %arg1: memref<3x1024xf32, #tpu.memory_space<vmem>>, %arg2: memref<3x1024xf32, #tpu.memory_space<vmem>>, %arg3: memref<1x1024xf32, #tpu.memory_space<vmem>>, %arg4: memref<24x1024xf32, #tpu.memory_space<vmem>>) attributes {dimension_semantics = [], scalar_prefetch = 0 : i64, scratch_operands = 0 : i64, tpu.core_type = #tpu.core_type<tc>} {
    %get3A = arith.constant 0 : index
    %get3A_0 = arith.constant 0 : index
    %get3A_1 = vector.load %arg0[%get3A, %get3A_0] : memref<3x1024xf32, #tpu.memory_space<vmem>>, vector<1x1024xf32>
    %get3A_2 = arith.constant 1 : index
    %get3A_3 = arith.constant 0 : index
    %get3A_4 = vector.load %arg0[%get3A_2, %get3A_3] : memref<3x1024xf32, #tpu.memory_space<vmem>>, vector<1x1024xf32>
    %get3A_5 = arith.constant 2 : index
    %get3A_6 = arith.constant 0 : index
    %get3A_7 = vector.load %arg0[%get3A_5, %get3A_6] : memref<3x1024xf32, #tpu.memory_space<vmem>>, vector<1x1024xf32>
    %get3A_8 = arith.constant 0 : index
    %get3A_9 = arith.constant 0 : index
    %get3A_10 = vector.load %arg1[%get3A_8, %get3A_9] : memref<3x1024xf32, #tpu.memory_space<vmem>>, vector<1x1024xf32>
    %get3A_11 = arith.constant 1 : index
    %get3A_12 = arith.constant 0 : index
    %get3A_13 = vector.load %arg1[%get3A_11, %get3A_12] : memref<3x1024xf32, #tpu.memory_space<vmem>>, vector<1x1024xf32>
    %get3A_14 = arith.constant 2 : index
    %get3A_15 = arith.constant 0 : index
    %get3A_16 = vector.load %arg1[%get3A_14, %get3A_15] : memref<3x1024xf32, #tpu.memory_space<vmem>>, vector<1x1024xf32>
    %get3A_17 = arith.constant 0 : index
    %get3A_18 = arith.constant 0 : index
    %get3A_19 = vector.load %arg2[%get3A_17, %get3A_18] : memref<3x1024xf32, #tpu.memory_space<vmem>>, vector<1x1024xf32>
    %get3A_20 = arith.constant 1 : index
    %get3A_21 = arith.constant 0 : index
    %get3A_22 = vector.load %arg2[%get3A_20, %get3A_21] : memref<3x1024xf32, #tpu.memory_space<vmem>>, vector<1x1024xf32>
    %get3A_23 = arith.constant 2 : index
    %get3A_24 = arith.constant 0 : index
    %get3A_25 = vector.load %arg2[%get3A_23, %get3A_24] : memref<3x1024xf32, #tpu.memory_space<vmem>>, vector<1x1024xf32>
    %get3A_26 = arith.constant 0 : index
    %get3A_27 = arith.constant 0 : index
    %get3A_28 = vector.load %arg3[%get3A_26, %get3A_27] : memref<1x1024xf32, #tpu.memory_space<vmem>>, vector<1x1024xf32>
    %mul3A = arith.mulf %get3A_10, %get3A_10 : vector<1x1024xf32>
    %mul3A_29 = arith.mulf %get3A_13, %get3A_13 : vector<1x1024xf32>
    %add3A = arith.addf %mul3A, %mul3A_29 : vector<1x1024xf32>
    %mul3A_30 = arith.mulf %get3A_16, %get3A_16 : vector<1x1024xf32>
    %add3A_31 = arith.addf %add3A, %mul3A_30 : vector<1x1024xf32>
    %sqrt3A = math.sqrt %add3A_31 : vector<1x1024xf32>
    %lt3A = arith.constant 9.99999997E-7 : f32
    %lt3A_32 = vector.broadcast %lt3A : f32 to vector<1x1024xf32>
    %lt3A_33 = arith.cmpf olt, %sqrt3A, %lt3A_32 : vector<1x1024xf32>
    %jit3A = arith.constant 1.000000e+00 : f32
    %broadcast_in_dim3A = vector.broadcast %jit3A : f32 to vector<1x1024xf32>
    %select_n3A = arith.select %lt3A_33, %broadcast_in_dim3A, %sqrt3A : vector<1x1024xi1>, vector<1x1024xf32>
    %div3A = arith.constant 1.000000e+00 : f32
    %div3A_34 = vector.broadcast %div3A : f32 to vector<1x1024xf32>
    %div3A_35 = arith.divf %div3A_34, %select_n3A : vector<1x1024xf32>
    %mul3A_36 = arith.mulf %get3A_10, %div3A_35 : vector<1x1024xf32>
    %mul3A_37 = arith.mulf %get3A_13, %div3A_35 : vector<1x1024xf32>
    %mul3A_38 = arith.mulf %get3A_16, %div3A_35 : vector<1x1024xf32>
    %cos3A = math.cos %sqrt3A : vector<1x1024xf32>
    %sin3A = math.sin %sqrt3A : vector<1x1024xf32>
    %sub3A = arith.constant 1.000000e+00 : f32
    %sub3A_39 = vector.broadcast %sub3A : f32 to vector<1x1024xf32>
    %sub3A_40 = arith.subf %sub3A_39, %cos3A : vector<1x1024xf32>
    %mul3A_41 = arith.mulf %sub3A_40, %mul3A_36 : vector<1x1024xf32>
    %mul3A_42 = arith.mulf %mul3A_41, %mul3A_36 : vector<1x1024xf32>
    %add3A_43 = arith.addf %cos3A, %mul3A_42 : vector<1x1024xf32>
    %jit3A_44 = arith.constant 1.000000e+00 : f32
    %broadcast_in_dim3A_45 = vector.broadcast %jit3A_44 : f32 to vector<1x1024xf32>
    %select_n3A_46 = arith.select %lt3A_33, %broadcast_in_dim3A_45, %add3A_43 : vector<1x1024xi1>, vector<1x1024xf32>
    %neg3A = arith.constant 0.000000e+00 : f32
    %neg3A_47 = vector.broadcast %neg3A : f32 to vector<1x1024xf32>
    %neg3A_48 = arith.subf %neg3A_47, %get3A_16 : vector<1x1024xf32>
    %mul3A_49 = arith.mulf %sub3A_40, %mul3A_36 : vector<1x1024xf32>
    %mul3A_50 = arith.mulf %mul3A_49, %mul3A_37 : vector<1x1024xf32>
    %mul3A_51 = arith.mulf %sin3A, %mul3A_38 : vector<1x1024xf32>
    %sub3A_52 = arith.subf %mul3A_50, %mul3A_51 : vector<1x1024xf32>
    %select_n3A_53 = arith.select %lt3A_33, %neg3A_48, %sub3A_52 : vector<1x1024xi1>, vector<1x1024xf32>
    %mul3A_54 = arith.mulf %sub3A_40, %mul3A_36 : vector<1x1024xf32>
    %mul3A_55 = arith.mulf %mul3A_54, %mul3A_38 : vector<1x1024xf32>
    %mul3A_56 = arith.mulf %sin3A, %mul3A_37 : vector<1x1024xf32>
    %add3A_57 = arith.addf %mul3A_55, %mul3A_56 : vector<1x1024xf32>
    %select_n3A_58 = arith.select %lt3A_33, %get3A_13, %add3A_57 : vector<1x1024xi1>, vector<1x1024xf32>
    %mul3A_59 = arith.mulf %sub3A_40, %mul3A_37 : vector<1x1024xf32>
    %mul3A_60 = arith.mulf %mul3A_59, %mul3A_36 : vector<1x1024xf32>
    %mul3A_61 = arith.mulf %sin3A, %mul3A_38 : vector<1x1024xf32>
    %add3A_62 = arith.addf %mul3A_60, %mul3A_61 : vector<1x1024xf32>
    %select_n3A_63 = arith.select %lt3A_33, %get3A_16, %add3A_62 : vector<1x1024xi1>, vector<1x1024xf32>
    %mul3A_64 = arith.mulf %sub3A_40, %mul3A_37 : vector<1x1024xf32>
    %mul3A_65 = arith.mulf %mul3A_64, %mul3A_37 : vector<1x1024xf32>
    %add3A_66 = arith.addf %cos3A, %mul3A_65 : vector<1x1024xf32>
    %jit3A_67 = arith.constant 1.000000e+00 : f32
    %broadcast_in_dim3A_68 = vector.broadcast %jit3A_67 : f32 to vector<1x1024xf32>
    %select_n3A_69 = arith.select %lt3A_33, %broadcast_in_dim3A_68, %add3A_66 : vector<1x1024xi1>, vector<1x1024xf32>
    %neg3A_70 = arith.constant 0.000000e+00 : f32
    %neg3A_71 = vector.broadcast %neg3A_70 : f32 to vector<1x1024xf32>
    %neg3A_72 = arith.subf %neg3A_71, %get3A_10 : vector<1x1024xf32>
    %mul3A_73 = arith.mulf %sub3A_40, %mul3A_37 : vector<1x1024xf32>
    %mul3A_74 = arith.mulf %mul3A_73, %mul3A_38 : vector<1x1024xf32>
    %mul3A_75 = arith.mulf %sin3A, %mul3A_36 : vector<1x1024xf32>
    %sub3A_76 = arith.subf %mul3A_74, %mul3A_75 : vector<1x1024xf32>
    %select_n3A_77 = arith.select %lt3A_33, %neg3A_72, %sub3A_76 : vector<1x1024xi1>, vector<1x1024xf32>
    %neg3A_78 = arith.constant 0.000000e+00 : f32
    %neg3A_79 = vector.broadcast %neg3A_78 : f32 to vector<1x1024xf32>
    %neg3A_80 = arith.subf %neg3A_79, %get3A_13 : vector<1x1024xf32>
    %mul3A_81 = arith.mulf %sub3A_40, %mul3A_38 : vector<1x1024xf32>
    %mul3A_82 = arith.mulf %mul3A_81, %mul3A_36 : vector<1x1024xf32>
    %mul3A_83 = arith.mulf %sin3A, %mul3A_37 : vector<1x1024xf32>
    %sub3A_84 = arith.subf %mul3A_82, %mul3A_83 : vector<1x1024xf32>
    %select_n3A_85 = arith.select %lt3A_33, %neg3A_80, %sub3A_84 : vector<1x1024xi1>, vector<1x1024xf32>
    %mul3A_86 = arith.mulf %sub3A_40, %mul3A_38 : vector<1x1024xf32>
    %mul3A_87 = arith.mulf %mul3A_86, %mul3A_37 : vector<1x1024xf32>
    %mul3A_88 = arith.mulf %sin3A, %mul3A_36 : vector<1x1024xf32>
    %add3A_89 = arith.addf %mul3A_87, %mul3A_88 : vector<1x1024xf32>
    %select_n3A_90 = arith.select %lt3A_33, %get3A_10, %add3A_89 : vector<1x1024xi1>, vector<1x1024xf32>
    %mul3A_91 = arith.mulf %sub3A_40, %mul3A_38 : vector<1x1024xf32>
    %mul3A_92 = arith.mulf %mul3A_91, %mul3A_38 : vector<1x1024xf32>
    %add3A_93 = arith.addf %cos3A, %mul3A_92 : vector<1x1024xf32>
    %jit3A_94 = arith.constant 1.000000e+00 : f32
    %broadcast_in_dim3A_95 = vector.broadcast %jit3A_94 : f32 to vector<1x1024xf32>
    %select_n3A_96 = arith.select %lt3A_33, %broadcast_in_dim3A_95, %add3A_93 : vector<1x1024xi1>, vector<1x1024xf32>
    %mul3A_97 = arith.mulf %select_n3A_46, %get3A_1 : vector<1x1024xf32>
    %mul3A_98 = arith.mulf %select_n3A_53, %get3A_4 : vector<1x1024xf32>
    %add3A_99 = arith.addf %mul3A_97, %mul3A_98 : vector<1x1024xf32>
    %mul3A_100 = arith.mulf %select_n3A_58, %get3A_7 : vector<1x1024xf32>
    %add3A_101 = arith.addf %add3A_99, %mul3A_100 : vector<1x1024xf32>
    %sub3A_102 = arith.subf %get3A_1, %add3A_101 : vector<1x1024xf32>
    %add3A_103 = arith.addf %sub3A_102, %get3A_19 : vector<1x1024xf32>
    %mul3A_104 = arith.mulf %select_n3A_63, %get3A_1 : vector<1x1024xf32>
    %mul3A_105 = arith.mulf %select_n3A_69, %get3A_4 : vector<1x1024xf32>
    %add3A_106 = arith.addf %mul3A_104, %mul3A_105 : vector<1x1024xf32>
    %mul3A_107 = arith.mulf %select_n3A_77, %get3A_7 : vector<1x1024xf32>
    %add3A_108 = arith.addf %add3A_106, %mul3A_107 : vector<1x1024xf32>
    %sub3A_109 = arith.subf %get3A_4, %add3A_108 : vector<1x1024xf32>
    %add3A_110 = arith.addf %sub3A_109, %get3A_22 : vector<1x1024xf32>
    %mul3A_111 = arith.mulf %select_n3A_85, %get3A_1 : vector<1x1024xf32>
    %mul3A_112 = arith.mulf %select_n3A_90, %get3A_4 : vector<1x1024xf32>
    %add3A_113 = arith.addf %mul3A_111, %mul3A_112 : vector<1x1024xf32>
    %mul3A_114 = arith.mulf %select_n3A_96, %get3A_7 : vector<1x1024xf32>
    %add3A_115 = arith.addf %add3A_113, %mul3A_114 : vector<1x1024xf32>
    %sub3A_116 = arith.subf %get3A_7, %add3A_115 : vector<1x1024xf32>
    %add3A_117 = arith.addf %sub3A_116, %get3A_25 : vector<1x1024xf32>
    %mul3A_118 = arith.mulf %get3A_1, %get3A_1 : vector<1x1024xf32>
    %mul3A_119 = arith.mulf %get3A_4, %get3A_4 : vector<1x1024xf32>
    %add3A_120 = arith.addf %mul3A_118, %mul3A_119 : vector<1x1024xf32>
    %mul3A_121 = arith.mulf %get3A_7, %get3A_7 : vector<1x1024xf32>
    %add3A_122 = arith.addf %add3A_120, %mul3A_121 : vector<1x1024xf32>
    %mul3A_123 = arith.mulf %get3A_28, %get3A_28 : vector<1x1024xf32>
    %div3A_124 = arith.constant 1.000000e+00 : f32
    %div3A_125 = vector.broadcast %div3A_124 : f32 to vector<1x1024xf32>
    %div3A_126 = arith.divf %div3A_125, %mul3A_123 : vector<1x1024xf32>
    %broadcast_in_dim3A_127 = arith.constant 0.000000e+00 : f32
    %broadcast_in_dim3A_128 = vector.broadcast %broadcast_in_dim3A_127 : f32 to vector<1x1024xf32>
    %swap3A = arith.constant 0 : index
    %swap3A_129 = arith.constant 0 : index
    %swap3A_130 = vector.load %arg4[%swap3A, %swap3A_129] : memref<24x1024xf32, #tpu.memory_space<vmem>>, vector<1x1024xf32>
    tpu.vector_store %arg4[%swap3A, %swap3A_129], %select_n3A_46 {strides = array<i32>} : memref<24x1024xf32, #tpu.memory_space<vmem>>, vector<1x1024xf32>,
    %swap3A_131 = arith.constant 1 : index
    %swap3A_132 = arith.constant 0 : index
    %swap3A_133 = vector.load %arg4[%swap3A_131, %swap3A_132] : memref<24x1024xf32, #tpu.memory_space<vmem>>, vector<1x1024xf32>
    tpu.vector_store %arg4[%swap3A_131, %swap3A_132], %select_n3A_53 {strides = array<i32>} : memref<24x1024xf32, #tpu.memory_space<vmem>>, vector<1x1024xf32>,
    %swap3A_134 = arith.constant 2 : index
    %swap3A_135 = arith.constant 0 : index
    %swap3A_136 = vector.load %arg4[%swap3A_134, %swap3A_135] : memref<24x1024xf32, #tpu.memory_space<vmem>>, vector<1x1024xf32>
    tpu.vector_store %arg4[%swap3A_134, %swap3A_135], %select_n3A_58 {strides = array<i32>} : memref<24x1024xf32, #tpu.memory_space<vmem>>, vector<1x1024xf32>,
    %swap3A_137 = arith.constant 3 : index
    %swap3A_138 = arith.constant 0 : index
    %swap3A_139 = vector.load %arg4[%swap3A_137, %swap3A_138] : memref<24x1024xf32, #tpu.memory_space<vmem>>, vector<1x1024xf32>
    tpu.vector_store %arg4[%swap3A_137, %swap3A_138], %select_n3A_63 {strides = array<i32>} : memref<24x1024xf32, #tpu.memory_space<vmem>>, vector<1x1024xf32>,
    %swap3A_140 = arith.constant 4 : index
    %swap3A_141 = arith.constant 0 : index
    %swap3A_142 = vector.load %arg4[%swap3A_140, %swap3A_141] : memref<24x1024xf32, #tpu.memory_space<vmem>>, vector<1x1024xf32>
    tpu.vector_store %arg4[%swap3A_140, %swap3A_141], %select_n3A_69 {strides = array<i32>} : memref<24x1024xf32, #tpu.memory_space<vmem>>, vector<1x1024xf32>,
    %swap3A_143 = arith.constant 5 : index
    %swap3A_144 = arith.constant 0 : index
    %swap3A_145 = vector.load %arg4[%swap3A_143, %swap3A_144] : memref<24x1024xf32, #tpu.memory_space<vmem>>, vector<1x1024xf32>
    tpu.vector_store %arg4[%swap3A_143, %swap3A_144], %select_n3A_77 {strides = array<i32>} : memref<24x1024xf32, #tpu.memory_space<vmem>>, vector<1x1024xf32>,
    %swap3A_146 = arith.constant 6 : index
    %swap3A_147 = arith.constant 0 : index
    %swap3A_148 = vector.load %arg4[%swap3A_146, %swap3A_147] : memref<24x1024xf32, #tpu.memory_space<vmem>>, vector<1x1024xf32>
    tpu.vector_store %arg4[%swap3A_146, %swap3A_147], %select_n3A_85 {strides = array<i32>} : memref<24x1024xf32, #tpu.memory_space<vmem>>, vector<1x1024xf32>,
    %swap3A_149 = arith.constant 7 : index
    %swap3A_150 = arith.constant 0 : index
    %swap3A_151 = vector.load %arg4[%swap3A_149, %swap3A_150] : memref<24x1024xf32, #tpu.memory_space<vmem>>, vector<1x1024xf32>
    tpu.vector_store %arg4[%swap3A_149, %swap3A_150], %select_n3A_90 {strides = array<i32>} : memref<24x1024xf32, #tpu.memory_space<vmem>>, vector<1x1024xf32>,
    %swap3A_152 = arith.constant 8 : index
    %swap3A_153 = arith.constant 0 : index
    %swap3A_154 = vector.load %arg4[%swap3A_152, %swap3A_153] : memref<24x1024xf32, #tpu.memory_space<vmem>>, vector<1x1024xf32>
    tpu.vector_store %arg4[%swap3A_152, %swap3A_153], %select_n3A_96 {strides = array<i32>} : memref<24x1024xf32, #tpu.memory_space<vmem>>, vector<1x1024xf32>,
    %swap3A_155 = arith.constant 9 : index
    %swap3A_156 = arith.constant 0 : index
    %swap3A_157 = vector.load %arg4[%swap3A_155, %swap3A_156] : memref<24x1024xf32, #tpu.memory_space<vmem>>, vector<1x1024xf32>
    tpu.vector_store %arg4[%swap3A_155, %swap3A_156], %add3A_103 {strides = array<i32>} : memref<24x1024xf32, #tpu.memory_space<vmem>>, vector<1x1024xf32>,
    %swap3A_158 = arith.constant 10 : index
    %swap3A_159 = arith.constant 0 : index
    %swap3A_160 = vector.load %arg4[%swap3A_158, %swap3A_159] : memref<24x1024xf32, #tpu.memory_space<vmem>>, vector<1x1024xf32>
    tpu.vector_store %arg4[%swap3A_158, %swap3A_159], %add3A_110 {strides = array<i32>} : memref<24x1024xf32, #tpu.memory_space<vmem>>, vector<1x1024xf32>,
    %swap3A_161 = arith.constant 11 : index
    %swap3A_162 = arith.constant 0 : index
    %swap3A_163 = vector.load %arg4[%swap3A_161, %swap3A_162] : memref<24x1024xf32, #tpu.memory_space<vmem>>, vector<1x1024xf32>
    tpu.vector_store %arg4[%swap3A_161, %swap3A_162], %add3A_117 {strides = array<i32>} : memref<24x1024xf32, #tpu.memory_space<vmem>>, vector<1x1024xf32>,
    %swap3A_164 = arith.constant 12 : index
    %swap3A_165 = arith.constant 0 : index
    %swap3A_166 = vector.load %arg4[%swap3A_164, %swap3A_165] : memref<24x1024xf32, #tpu.memory_space<vmem>>, vector<1x1024xf32>
    tpu.vector_store %arg4[%swap3A_164, %swap3A_165], %get3A_10 {strides = array<i32>} : memref<24x1024xf32, #tpu.memory_space<vmem>>, vector<1x1024xf32>,
    %swap3A_167 = arith.constant 13 : index
    %swap3A_168 = arith.constant 0 : index
    %swap3A_169 = vector.load %arg4[%swap3A_167, %swap3A_168] : memref<24x1024xf32, #tpu.memory_space<vmem>>, vector<1x1024xf32>
    tpu.vector_store %arg4[%swap3A_167, %swap3A_168], %get3A_13 {strides = array<i32>} : memref<24x1024xf32, #tpu.memory_space<vmem>>, vector<1x1024xf32>,
    %swap3A_170 = arith.constant 14 : index
    %swap3A_171 = arith.constant 0 : index
    %swap3A_172 = vector.load %arg4[%swap3A_170, %swap3A_171] : memref<24x1024xf32, #tpu.memory_space<vmem>>, vector<1x1024xf32>
    tpu.vector_store %arg4[%swap3A_170, %swap3A_171], %get3A_16 {strides = array<i32>} : memref<24x1024xf32, #tpu.memory_space<vmem>>, vector<1x1024xf32>,
    %swap3A_173 = arith.constant 15 : index
    %swap3A_174 = arith.constant 0 : index
    %swap3A_175 = vector.load %arg4[%swap3A_173, %swap3A_174] : memref<24x1024xf32, #tpu.memory_space<vmem>>, vector<1x1024xf32>
    tpu.vector_store %arg4[%swap3A_173, %swap3A_174], %broadcast_in_dim3A_128 {strides = array<i32>} : memref<24x1024xf32, #tpu.memory_space<vmem>>, vector<1x1024xf32>,
    %swap3A_176 = arith.constant 16 : index
    %swap3A_177 = arith.constant 0 : index
    %swap3A_178 = vector.load %arg4[%swap3A_176, %swap3A_177] : memref<24x1024xf32, #tpu.memory_space<vmem>>, vector<1x1024xf32>
    tpu.vector_store %arg4[%swap3A_176, %swap3A_177], %add3A_122 {strides = array<i32>} : memref<24x1024xf32, #tpu.memory_space<vmem>>, vector<1x1024xf32>,
    %swap3A_179 = arith.constant 17 : index
    %swap3A_180 = arith.constant 0 : index
    %swap3A_181 = vector.load %arg4[%swap3A_179, %swap3A_180] : memref<24x1024xf32, #tpu.memory_space<vmem>>, vector<1x1024xf32>
    tpu.vector_store %arg4[%swap3A_179, %swap3A_180], %div3A_126 {strides = array<i32>} : memref<24x1024xf32, #tpu.memory_space<vmem>>, vector<1x1024xf32>,
    %swap3A_182 = arith.constant 18 : index
    %swap3A_183 = arith.constant 0 : index
    %swap3A_184 = vector.load %arg4[%swap3A_182, %swap3A_183] : memref<24x1024xf32, #tpu.memory_space<vmem>>, vector<1x1024xf32>
    tpu.vector_store %arg4[%swap3A_182, %swap3A_183], %broadcast_in_dim3A_128 {strides = array<i32>} : memref<24x1024xf32, #tpu.memory_space<vmem>>, vector<1x1024xf32>,
    %swap3A_185 = arith.constant 19 : index
    %swap3A_186 = arith.constant 0 : index
    %swap3A_187 = vector.load %arg4[%swap3A_185, %swap3A_186] : memref<24x1024xf32, #tpu.memory_space<vmem>>, vector<1x1024xf32>
    tpu.vector_store %arg4[%swap3A_185, %swap3A_186], %broadcast_in_dim3A_128 {strides = array<i32>} : memref<24x1024xf32, #tpu.memory_space<vmem>>, vector<1x1024xf32>,
    %swap3A_188 = arith.constant 20 : index
    %swap3A_189 = arith.constant 0 : index
    %swap3A_190 = vector.load %arg4[%swap3A_188, %swap3A_189] : memref<24x1024xf32, #tpu.memory_space<vmem>>, vector<1x1024xf32>
    tpu.vector_store %arg4[%swap3A_188, %swap3A_189], %broadcast_in_dim3A_128 {strides = array<i32>} : memref<24x1024xf32, #tpu.memory_space<vmem>>, vector<1x1024xf32>,
    %swap3A_191 = arith.constant 21 : index
    %swap3A_192 = arith.constant 0 : index
    %swap3A_193 = vector.load %arg4[%swap3A_191, %swap3A_192] : memref<24x1024xf32, #tpu.memory_space<vmem>>, vector<1x1024xf32>
    tpu.vector_store %arg4[%swap3A_191, %swap3A_192], %broadcast_in_dim3A_128 {strides = array<i32>} : memref<24x1024xf32, #tpu.memory_space<vmem>>, vector<1x1024xf32>,
    %swap3A_194 = arith.constant 22 : index
    %swap3A_195 = arith.constant 0 : index
    %swap3A_196 = vector.load %arg4[%swap3A_194, %swap3A_195] : memref<24x1024xf32, #tpu.memory_space<vmem>>, vector<1x1024xf32>
    tpu.vector_store %arg4[%swap3A_194, %swap3A_195], %broadcast_in_dim3A_128 {strides = array<i32>} : memref<24x1024xf32, #tpu.memory_space<vmem>>, vector<1x1024xf32>,
    %swap3A_197 = arith.constant 23 : index
    %swap3A_198 = arith.constant 0 : index
    %swap3A_199 = vector.load %arg4[%swap3A_197, %swap3A_198] : memref<24x1024xf32, #tpu.memory_space<vmem>>, vector<1x1024xf32>
    tpu.vector_store %arg4[%swap3A_197, %swap3A_198], %broadcast_in_dim3A_128 {strides = array<i32>} : memref<24x1024xf32, #tpu.memory_space<vmem>>, vector<1x1024xf32>,
    return
  }
}

module attributes {stable_mosaic.version = 14 : i64} {
  func.func @_main_body(%arg0: i32, %arg1: memref<3x1024xf32, #tpu.memory_space<vmem>>, %arg2: memref<1024x3xf32, #tpu.memory_space<vmem>>, %arg3: memref<1024x2xf32, #tpu.memory_space<vmem>>, %arg4: memref<8x1024xf32, #tpu.memory_space<vmem>>, %arg5: memref<8x1024xi32, #tpu.memory_space<vmem>>) attributes {dimension_semantics = [#tpu.dimension_semantics<arbitrary>], iteration_bounds = array<i64: 49>, scalar_prefetch = 0 : i64, scratch_operands = 0 : i64, tpu.core_type = #tpu.core_type<tc>, window_params = [{transform_indices = @transform_0, window_bounds = array<i64: 3, 1024>}, {pipeline_mode = #tpu.pipeline_mode<synchronous>, transform_indices = @transform_1, window_bounds = array<i64: 1024, 3>}, {pipeline_mode = #tpu.pipeline_mode<synchronous>, transform_indices = @transform_2, window_bounds = array<i64: 1024, 2>}, {transform_indices = @transform_3, window_bounds = array<i64: 8, 1024>}, {transform_indices = @transform_4, window_bounds = array<i64: 8, 1024>}]} {
    %get3A = arith.constant 0 : index
    %get3A_0 = arith.constant 0 : index
    %get3A_1 = vector.load %arg1[%get3A, %get3A_0] : memref<3x1024xf32, #tpu.memory_space<vmem>>, vector<3x1024xf32>
    %get3A_2 = arith.constant 0 : index
    %get3A_3 = arith.constant 0 : index
    %get3A_4 = vector.load %arg2[%get3A_2, %get3A_3] : memref<1024x3xf32, #tpu.memory_space<vmem>>, vector<1024x3xf32>
    %get3A_5 = arith.constant 0 : index
    %get3A_6 = arith.constant 0 : index
    %get3A_7 = vector.load %arg3[%get3A_5, %get3A_6] : memref<1024x2xf32, #tpu.memory_space<vmem>>, vector<1024x1xf32>
    %get3A_8 = arith.constant 0 : index
    %get3A_9 = arith.constant 1 : index
    %get3A_10 = vector.load %arg3[%get3A_8, %get3A_9] : memref<1024x2xf32, #tpu.memory_space<vmem>>, vector<1024x1xf32>
    %mul3A = arith.mulf %get3A_1, %get3A_1 : vector<3x1024xf32>
    %reduce_sum3A = arith.constant dense<0.000000e+00> : vector<1024xf32>
    %reduce_sum3A_11 = vector.multi_reduction <add>, %mul3A, %reduce_sum3A [0] : vector<3x1024xf32> to vector<1024xf32>
    %broadcast_in_dim3A = vector.shape_cast %reduce_sum3A_11 : vector<1024xf32> to vector<1x1024xf32>
    %dot_general3A = arith.constant dense<0.000000e+00> : vector<1024x1024xf32>
    %dot_general3A_12 = tpu.matmul %get3A_4, %get3A_1, %dot_general3A {dimension_numbers = #tpu.dot_dimension_numbers<[1], [0], [0], [1], [0, 0, 1, 1], [], []>, transpose_lhs_hint = false} : vector<1024x3xf32>, vector<3x1024xf32>, vector<1024x1024xf32> -> vector<1024x1024xf32>
    %add3A = vector.broadcast %get3A_7 : vector<1024x1xf32> to vector<1024x1024xf32>
    %add3A_13 = vector.broadcast %broadcast_in_dim3A : vector<1x1024xf32> to vector<1024x1024xf32>
    %add3A_14 = arith.addf %add3A, %add3A_13 : vector<1024x1024xf32>
    %mul3A_15 = arith.constant 2.000000e+00 : f32
    %mul3A_16 = vector.broadcast %mul3A_15 : f32 to vector<1024x1024xf32>
    %mul3A_17 = arith.mulf %mul3A_16, %dot_general3A_12 : vector<1024x1024xf32>
    %sub3A = arith.subf %add3A_14, %mul3A_17 : vector<1024x1024xf32>
    %max3A = arith.constant 0.000000e+00 : f32
    %max3A_18 = vector.broadcast %max3A : f32 to vector<1024x1024xf32>
    %max3A_19 = arith.maximumf %sub3A, %max3A_18 : vector<1024x1024xf32>
    %add3A_20 = arith.constant 9.99999996E-13 : f32
    %add3A_21 = vector.broadcast %add3A_20 : f32 to vector<1024x1024xf32>
    %add3A_22 = arith.addf %max3A_19, %add3A_21 : vector<1024x1024xf32>
    %mul3A_23 = vector.broadcast %get3A_10 : vector<1024x1xf32> to vector<1024x1024xf32>
    %mul3A_24 = arith.mulf %add3A_22, %mul3A_23 : vector<1024x1024xf32>
    %iota3A = tpu.iota {dimensions = array<i32: 0>} : vector<1024x1024xi32>
    %convert_element_type3A = arith.sitofp %iota3A : vector<1024x1024xi32> to vector<1024x1024xf32>
    %reduce_min3A = arith.constant dense<0x7F800000> : vector<1024xf32>
    %reduce_min3A_25 = vector.multi_reduction <minimumf>, %mul3A_24, %reduce_min3A [0] : vector<1024x1024xf32> to vector<1024xf32>
    %broadcast_in_dim3A_26 = vector.shape_cast %reduce_min3A_25 : vector<1024xf32> to vector<1x1024xf32>
    %eq3A = vector.broadcast %broadcast_in_dim3A_26 : vector<1x1024xf32> to vector<1024x1024xf32>
    %eq3A_27 = arith.cmpf oeq, %mul3A_24, %eq3A : vector<1024x1024xf32>
    %jit3A = arith.constant 1.000000e+09 : f32
    %broadcast_in_dim3A_28 = vector.broadcast %jit3A : f32 to vector<1024x1024xf32>
    %select_n3A = arith.select %eq3A_27, %convert_element_type3A, %broadcast_in_dim3A_28 : vector<1024x1024xi1>, vector<1024x1024xf32>
    %reduce_min3A_29 = arith.constant dense<0x7F800000> : vector<1024xf32>
    %reduce_min3A_30 = vector.multi_reduction <minimumf>, %select_n3A, %reduce_min3A_29 [0] : vector<1024x1024xf32> to vector<1024xf32>
    %broadcast_in_dim3A_31 = vector.shape_cast %reduce_min3A_30 : vector<1024xf32> to vector<1x1024xf32>
    %broadcast_in_dim3A_32 = arith.constant 1.000000e+00 : f32
    %broadcast_in_dim3A_33 = vector.broadcast %broadcast_in_dim3A_32 : f32 to vector<1x1024xf32>
    %eq3A_34 = vector.broadcast %broadcast_in_dim3A_31 : vector<1x1024xf32> to vector<1024x1024xf32>
    %eq3A_35 = arith.cmpf oeq, %convert_element_type3A, %eq3A_34 : vector<1024x1024xf32>
    %jit3A_36 = arith.constant 3.000000e+38 : f32
    %broadcast_in_dim3A_37 = vector.broadcast %jit3A_36 : f32 to vector<1024x1024xf32>
    %select_n3A_38 = arith.select %eq3A_35, %broadcast_in_dim3A_37, %mul3A_24 : vector<1024x1024xi1>, vector<1024x1024xf32>
    %convert_element_type3A_39 = arith.fptosi %broadcast_in_dim3A_31 : vector<1x1024xf32> to vector<1x1024xi32>
    %swap3A = arith.constant 0 : index
    %swap3A_40 = arith.constant 0 : index
    %swap3A_41 = vector.load %arg5[%swap3A, %swap3A_40] : memref<8x1024xi32, #tpu.memory_space<vmem>>, vector<1x1024xi32>
    tpu.vector_store %arg5[%swap3A, %swap3A_40], %convert_element_type3A_39 {strides = array<i32>} : memref<8x1024xi32, #tpu.memory_space<vmem>>, vector<1x1024xi32>,
    %reduce_min3A_42 = arith.constant dense<0x7F800000> : vector<1024xf32>
    %reduce_min3A_43 = vector.multi_reduction <minimumf>, %select_n3A_38, %reduce_min3A_42 [0] : vector<1024x1024xf32> to vector<1024xf32>
    %broadcast_in_dim3A_44 = vector.shape_cast %reduce_min3A_43 : vector<1024xf32> to vector<1x1024xf32>
    %eq3A_45 = vector.broadcast %broadcast_in_dim3A_44 : vector<1x1024xf32> to vector<1024x1024xf32>
    %eq3A_46 = arith.cmpf oeq, %select_n3A_38, %eq3A_45 : vector<1024x1024xf32>
    %jit3A_47 = arith.constant 1.000000e+09 : f32
    %broadcast_in_dim3A_48 = vector.broadcast %jit3A_47 : f32 to vector<1024x1024xf32>
    %select_n3A_49 = arith.select %eq3A_46, %convert_element_type3A, %broadcast_in_dim3A_48 : vector<1024x1024xi1>, vector<1024x1024xf32>
    %reduce_min3A_50 = arith.constant dense<0x7F800000> : vector<1024xf32>
    %reduce_min3A_51 = vector.multi_reduction <minimumf>, %select_n3A_49, %reduce_min3A_50 [0] : vector<1024x1024xf32> to vector<1024xf32>
    %broadcast_in_dim3A_52 = vector.shape_cast %reduce_min3A_51 : vector<1024xf32> to vector<1x1024xf32>
    %sub3A_53 = arith.subf %broadcast_in_dim3A_26, %broadcast_in_dim3A_44 : vector<1x1024xf32>
    %mul3A_54 = arith.constant 2.000000e+00 : f32
    %mul3A_55 = vector.broadcast %mul3A_54 : f32 to vector<1x1024xf32>
    %mul3A_56 = arith.mulf %mul3A_55, %sub3A_53 : vector<1x1024xf32>
    %exp3A = math.exp %mul3A_56 : vector<1x1024xf32>
    %add3A_57 = arith.addf %broadcast_in_dim3A_33, %exp3A : vector<1x1024xf32>
    %eq3A_58 = vector.broadcast %broadcast_in_dim3A_52 : vector<1x1024xf32> to vector<1024x1024xf32>
    %eq3A_59 = arith.cmpf oeq, %convert_element_type3A, %eq3A_58 : vector<1024x1024xf32>
    %jit3A_60 = arith.constant 3.000000e+38 : f32
    %broadcast_in_dim3A_61 = vector.broadcast %jit3A_60 : f32 to vector<1024x1024xf32>
    %select_n3A_62 = arith.select %eq3A_59, %broadcast_in_dim3A_61, %select_n3A_38 : vector<1024x1024xi1>, vector<1024x1024xf32>
    %convert_element_type3A_63 = arith.fptosi %broadcast_in_dim3A_52 : vector<1x1024xf32> to vector<1x1024xi32>
    %swap3A_64 = arith.constant 1 : index
    %swap3A_65 = arith.constant 0 : index
    %swap3A_66 = vector.load %arg5[%swap3A_64, %swap3A_65] : memref<8x1024xi32, #tpu.memory_space<vmem>>, vector<1x1024xi32>
    tpu.vector_store %arg5[%swap3A_64, %swap3A_65], %convert_element_type3A_63 {strides = array<i32>} : memref<8x1024xi32, #tpu.memory_space<vmem>>, vector<1x1024xi32>,
    %reduce_min3A_67 = arith.constant dense<0x7F800000> : vector<1024xf32>
    %reduce_min3A_68 = vector.multi_reduction <minimumf>, %select_n3A_62, %reduce_min3A_67 [0] : vector<1024x1024xf32> to vector<1024xf32>
    %broadcast_in_dim3A_69 = vector.shape_cast %reduce_min3A_68 : vector<1024xf32> to vector<1x1024xf32>
    %eq3A_70 = vector.broadcast %broadcast_in_dim3A_69 : vector<1x1024xf32> to vector<1024x1024xf32>
    %eq3A_71 = arith.cmpf oeq, %select_n3A_62, %eq3A_70 : vector<1024x1024xf32>
    %jit3A_72 = arith.constant 1.000000e+09 : f32
    %broadcast_in_dim3A_73 = vector.broadcast %jit3A_72 : f32 to vector<1024x1024xf32>
    %select_n3A_74 = arith.select %eq3A_71, %convert_element_type3A, %broadcast_in_dim3A_73 : vector<1024x1024xi1>, vector<1024x1024xf32>
    %reduce_min3A_75 = arith.constant dense<0x7F800000> : vector<1024xf32>
    %reduce_min3A_76 = vector.multi_reduction <minimumf>, %select_n3A_74, %reduce_min3A_75 [0] : vector<1024x1024xf32> to vector<1024xf32>
    %broadcast_in_dim3A_77 = vector.shape_cast %reduce_min3A_76 : vector<1024xf32> to vector<1x1024xf32>
    %sub3A_78 = arith.subf %broadcast_in_dim3A_26, %broadcast_in_dim3A_69 : vector<1x1024xf32>
    %mul3A_79 = arith.constant 2.000000e+00 : f32
    %mul3A_80 = vector.broadcast %mul3A_79 : f32 to vector<1x1024xf32>
    %mul3A_81 = arith.mulf %mul3A_80, %sub3A_78 : vector<1x1024xf32>
    %exp3A_82 = math.exp %mul3A_81 : vector<1x1024xf32>
    %add3A_83 = arith.addf %add3A_57, %exp3A_82 : vector<1x1024xf32>
    %eq3A_84 = vector.broadcast %broadcast_in_dim3A_77 : vector<1x1024xf32> to vector<1024x1024xf32>
    %eq3A_85 = arith.cmpf oeq, %convert_element_type3A, %eq3A_84 : vector<1024x1024xf32>
    %jit3A_86 = arith.constant 3.000000e+38 : f32
    %broadcast_in_dim3A_87 = vector.broadcast %jit3A_86 : f32 to vector<1024x1024xf32>
    %select_n3A_88 = arith.select %eq3A_85, %broadcast_in_dim3A_87, %select_n3A_62 : vector<1024x1024xi1>, vector<1024x1024xf32>
    %convert_element_type3A_89 = arith.fptosi %broadcast_in_dim3A_77 : vector<1x1024xf32> to vector<1x1024xi32>
    %swap3A_90 = arith.constant 2 : index
    %swap3A_91 = arith.constant 0 : index
    %swap3A_92 = vector.load %arg5[%swap3A_90, %swap3A_91] : memref<8x1024xi32, #tpu.memory_space<vmem>>, vector<1x1024xi32>
    tpu.vector_store %arg5[%swap3A_90, %swap3A_91], %convert_element_type3A_89 {strides = array<i32>} : memref<8x1024xi32, #tpu.memory_space<vmem>>, vector<1x1024xi32>,
    %reduce_min3A_93 = arith.constant dense<0x7F800000> : vector<1024xf32>
    %reduce_min3A_94 = vector.multi_reduction <minimumf>, %select_n3A_88, %reduce_min3A_93 [0] : vector<1024x1024xf32> to vector<1024xf32>
    %broadcast_in_dim3A_95 = vector.shape_cast %reduce_min3A_94 : vector<1024xf32> to vector<1x1024xf32>
    %eq3A_96 = vector.broadcast %broadcast_in_dim3A_95 : vector<1x1024xf32> to vector<1024x1024xf32>
    %eq3A_97 = arith.cmpf oeq, %select_n3A_88, %eq3A_96 : vector<1024x1024xf32>
    %jit3A_98 = arith.constant 1.000000e+09 : f32
    %broadcast_in_dim3A_99 = vector.broadcast %jit3A_98 : f32 to vector<1024x1024xf32>
    %select_n3A_100 = arith.select %eq3A_97, %convert_element_type3A, %broadcast_in_dim3A_99 : vector<1024x1024xi1>, vector<1024x1024xf32>
    %reduce_min3A_101 = arith.constant dense<0x7F800000> : vector<1024xf32>
    %reduce_min3A_102 = vector.multi_reduction <minimumf>, %select_n3A_100, %reduce_min3A_101 [0] : vector<1024x1024xf32> to vector<1024xf32>
    %broadcast_in_dim3A_103 = vector.shape_cast %reduce_min3A_102 : vector<1024xf32> to vector<1x1024xf32>
    %sub3A_104 = arith.subf %broadcast_in_dim3A_26, %broadcast_in_dim3A_95 : vector<1x1024xf32>
    %mul3A_105 = arith.constant 2.000000e+00 : f32
    %mul3A_106 = vector.broadcast %mul3A_105 : f32 to vector<1x1024xf32>
    %mul3A_107 = arith.mulf %mul3A_106, %sub3A_104 : vector<1x1024xf32>
    %exp3A_108 = math.exp %mul3A_107 : vector<1x1024xf32>
    %add3A_109 = arith.addf %add3A_83, %exp3A_108 : vector<1x1024xf32>
    %eq3A_110 = vector.broadcast %broadcast_in_dim3A_103 : vector<1x1024xf32> to vector<1024x1024xf32>
    %eq3A_111 = arith.cmpf oeq, %convert_element_type3A, %eq3A_110 : vector<1024x1024xf32>
    %jit3A_112 = arith.constant 3.000000e+38 : f32
    %broadcast_in_dim3A_113 = vector.broadcast %jit3A_112 : f32 to vector<1024x1024xf32>
    %select_n3A_114 = arith.select %eq3A_111, %broadcast_in_dim3A_113, %select_n3A_88 : vector<1024x1024xi1>, vector<1024x1024xf32>
    %convert_element_type3A_115 = arith.fptosi %broadcast_in_dim3A_103 : vector<1x1024xf32> to vector<1x1024xi32>
    %swap3A_116 = arith.constant 3 : index
    %swap3A_117 = arith.constant 0 : index
    %swap3A_118 = vector.load %arg5[%swap3A_116, %swap3A_117] : memref<8x1024xi32, #tpu.memory_space<vmem>>, vector<1x1024xi32>
    tpu.vector_store %arg5[%swap3A_116, %swap3A_117], %convert_element_type3A_115 {strides = array<i32>} : memref<8x1024xi32, #tpu.memory_space<vmem>>, vector<1x1024xi32>,
    %reduce_min3A_119 = arith.constant dense<0x7F800000> : vector<1024xf32>
    %reduce_min3A_120 = vector.multi_reduction <minimumf>, %select_n3A_114, %reduce_min3A_119 [0] : vector<1024x1024xf32> to vector<1024xf32>
    %broadcast_in_dim3A_121 = vector.shape_cast %reduce_min3A_120 : vector<1024xf32> to vector<1x1024xf32>
    %eq3A_122 = vector.broadcast %broadcast_in_dim3A_121 : vector<1x1024xf32> to vector<1024x1024xf32>
    %eq3A_123 = arith.cmpf oeq, %select_n3A_114, %eq3A_122 : vector<1024x1024xf32>
    %jit3A_124 = arith.constant 1.000000e+09 : f32
    %broadcast_in_dim3A_125 = vector.broadcast %jit3A_124 : f32 to vector<1024x1024xf32>
    %select_n3A_126 = arith.select %eq3A_123, %convert_element_type3A, %broadcast_in_dim3A_125 : vector<1024x1024xi1>, vector<1024x1024xf32>
    %reduce_min3A_127 = arith.constant dense<0x7F800000> : vector<1024xf32>
    %reduce_min3A_128 = vector.multi_reduction <minimumf>, %select_n3A_126, %reduce_min3A_127 [0] : vector<1024x1024xf32> to vector<1024xf32>
    %broadcast_in_dim3A_129 = vector.shape_cast %reduce_min3A_128 : vector<1024xf32> to vector<1x1024xf32>
    %sub3A_130 = arith.subf %broadcast_in_dim3A_26, %broadcast_in_dim3A_121 : vector<1x1024xf32>
    %mul3A_131 = arith.constant 2.000000e+00 : f32
    %mul3A_132 = vector.broadcast %mul3A_131 : f32 to vector<1x1024xf32>
    %mul3A_133 = arith.mulf %mul3A_132, %sub3A_130 : vector<1x1024xf32>
    %exp3A_134 = math.exp %mul3A_133 : vector<1x1024xf32>
    %add3A_135 = arith.addf %add3A_109, %exp3A_134 : vector<1x1024xf32>
    %eq3A_136 = vector.broadcast %broadcast_in_dim3A_129 : vector<1x1024xf32> to vector<1024x1024xf32>
    %eq3A_137 = arith.cmpf oeq, %convert_element_type3A, %eq3A_136 : vector<1024x1024xf32>
    %jit3A_138 = arith.constant 3.000000e+38 : f32
    %broadcast_in_dim3A_139 = vector.broadcast %jit3A_138 : f32 to vector<1024x1024xf32>
    %select_n3A_140 = arith.select %eq3A_137, %broadcast_in_dim3A_139, %select_n3A_114 : vector<1024x1024xi1>, vector<1024x1024xf32>
    %convert_element_type3A_141 = arith.fptosi %broadcast_in_dim3A_129 : vector<1x1024xf32> to vector<1x1024xi32>
    %swap3A_142 = arith.constant 4 : index
    %swap3A_143 = arith.constant 0 : index
    %swap3A_144 = vector.load %arg5[%swap3A_142, %swap3A_143] : memref<8x1024xi32, #tpu.memory_space<vmem>>, vector<1x1024xi32>
    tpu.vector_store %arg5[%swap3A_142, %swap3A_143], %convert_element_type3A_141 {strides = array<i32>} : memref<8x1024xi32, #tpu.memory_space<vmem>>, vector<1x1024xi32>,
    %reduce_min3A_145 = arith.constant dense<0x7F800000> : vector<1024xf32>
    %reduce_min3A_146 = vector.multi_reduction <minimumf>, %select_n3A_140, %reduce_min3A_145 [0] : vector<1024x1024xf32> to vector<1024xf32>
    %broadcast_in_dim3A_147 = vector.shape_cast %reduce_min3A_146 : vector<1024xf32> to vector<1x1024xf32>
    %eq3A_148 = vector.broadcast %broadcast_in_dim3A_147 : vector<1x1024xf32> to vector<1024x1024xf32>
    %eq3A_149 = arith.cmpf oeq, %select_n3A_140, %eq3A_148 : vector<1024x1024xf32>
    %jit3A_150 = arith.constant 1.000000e+09 : f32
    %broadcast_in_dim3A_151 = vector.broadcast %jit3A_150 : f32 to vector<1024x1024xf32>
    %select_n3A_152 = arith.select %eq3A_149, %convert_element_type3A, %broadcast_in_dim3A_151 : vector<1024x1024xi1>, vector<1024x1024xf32>
    %reduce_min3A_153 = arith.constant dense<0x7F800000> : vector<1024xf32>
    %reduce_min3A_154 = vector.multi_reduction <minimumf>, %select_n3A_152, %reduce_min3A_153 [0] : vector<1024x1024xf32> to vector<1024xf32>
    %broadcast_in_dim3A_155 = vector.shape_cast %reduce_min3A_154 : vector<1024xf32> to vector<1x1024xf32>
    %sub3A_156 = arith.subf %broadcast_in_dim3A_26, %broadcast_in_dim3A_147 : vector<1x1024xf32>
    %mul3A_157 = arith.constant 2.000000e+00 : f32
    %mul3A_158 = vector.broadcast %mul3A_157 : f32 to vector<1x1024xf32>
    %mul3A_159 = arith.mulf %mul3A_158, %sub3A_156 : vector<1x1024xf32>
    %exp3A_160 = math.exp %mul3A_159 : vector<1x1024xf32>
    %add3A_161 = arith.addf %add3A_135, %exp3A_160 : vector<1x1024xf32>
    %eq3A_162 = vector.broadcast %broadcast_in_dim3A_155 : vector<1x1024xf32> to vector<1024x1024xf32>
    %eq3A_163 = arith.cmpf oeq, %convert_element_type3A, %eq3A_162 : vector<1024x1024xf32>
    %jit3A_164 = arith.constant 3.000000e+38 : f32
    %broadcast_in_dim3A_165 = vector.broadcast %jit3A_164 : f32 to vector<1024x1024xf32>
    %select_n3A_166 = arith.select %eq3A_163, %broadcast_in_dim3A_165, %select_n3A_140 : vector<1024x1024xi1>, vector<1024x1024xf32>
    %convert_element_type3A_167 = arith.fptosi %broadcast_in_dim3A_155 : vector<1x1024xf32> to vector<1x1024xi32>
    %swap3A_168 = arith.constant 5 : index
    %swap3A_169 = arith.constant 0 : index
    %swap3A_170 = vector.load %arg5[%swap3A_168, %swap3A_169] : memref<8x1024xi32, #tpu.memory_space<vmem>>, vector<1x1024xi32>
    tpu.vector_store %arg5[%swap3A_168, %swap3A_169], %convert_element_type3A_167 {strides = array<i32>} : memref<8x1024xi32, #tpu.memory_space<vmem>>, vector<1x1024xi32>,
    %reduce_min3A_171 = arith.constant dense<0x7F800000> : vector<1024xf32>
    %reduce_min3A_172 = vector.multi_reduction <minimumf>, %select_n3A_166, %reduce_min3A_171 [0] : vector<1024x1024xf32> to vector<1024xf32>
    %broadcast_in_dim3A_173 = vector.shape_cast %reduce_min3A_172 : vector<1024xf32> to vector<1x1024xf32>
    %eq3A_174 = vector.broadcast %broadcast_in_dim3A_173 : vector<1x1024xf32> to vector<1024x1024xf32>
    %eq3A_175 = arith.cmpf oeq, %select_n3A_166, %eq3A_174 : vector<1024x1024xf32>
    %jit3A_176 = arith.constant 1.000000e+09 : f32
    %broadcast_in_dim3A_177 = vector.broadcast %jit3A_176 : f32 to vector<1024x1024xf32>
    %select_n3A_178 = arith.select %eq3A_175, %convert_element_type3A, %broadcast_in_dim3A_177 : vector<1024x1024xi1>, vector<1024x1024xf32>
    %reduce_min3A_179 = arith.constant dense<0x7F800000> : vector<1024xf32>
    %reduce_min3A_180 = vector.multi_reduction <minimumf>, %select_n3A_178, %reduce_min3A_179 [0] : vector<1024x1024xf32> to vector<1024xf32>
    %broadcast_in_dim3A_181 = vector.shape_cast %reduce_min3A_180 : vector<1024xf32> to vector<1x1024xf32>
    %sub3A_182 = arith.subf %broadcast_in_dim3A_26, %broadcast_in_dim3A_173 : vector<1x1024xf32>
    %mul3A_183 = arith.constant 2.000000e+00 : f32
    %mul3A_184 = vector.broadcast %mul3A_183 : f32 to vector<1x1024xf32>
    %mul3A_185 = arith.mulf %mul3A_184, %sub3A_182 : vector<1x1024xf32>
    %exp3A_186 = math.exp %mul3A_185 : vector<1x1024xf32>
    %add3A_187 = arith.addf %add3A_161, %exp3A_186 : vector<1x1024xf32>
    %eq3A_188 = vector.broadcast %broadcast_in_dim3A_181 : vector<1x1024xf32> to vector<1024x1024xf32>
    %eq3A_189 = arith.cmpf oeq, %convert_element_type3A, %eq3A_188 : vector<1024x1024xf32>
    %jit3A_190 = arith.constant 3.000000e+38 : f32
    %broadcast_in_dim3A_191 = vector.broadcast %jit3A_190 : f32 to vector<1024x1024xf32>
    %select_n3A_192 = arith.select %eq3A_189, %broadcast_in_dim3A_191, %select_n3A_166 : vector<1024x1024xi1>, vector<1024x1024xf32>
    %convert_element_type3A_193 = arith.fptosi %broadcast_in_dim3A_181 : vector<1x1024xf32> to vector<1x1024xi32>
    %swap3A_194 = arith.constant 6 : index
    %swap3A_195 = arith.constant 0 : index
    %swap3A_196 = vector.load %arg5[%swap3A_194, %swap3A_195] : memref<8x1024xi32, #tpu.memory_space<vmem>>, vector<1x1024xi32>
    tpu.vector_store %arg5[%swap3A_194, %swap3A_195], %convert_element_type3A_193 {strides = array<i32>} : memref<8x1024xi32, #tpu.memory_space<vmem>>, vector<1x1024xi32>,
    %reduce_min3A_197 = arith.constant dense<0x7F800000> : vector<1024xf32>
    %reduce_min3A_198 = vector.multi_reduction <minimumf>, %select_n3A_192, %reduce_min3A_197 [0] : vector<1024x1024xf32> to vector<1024xf32>
    %broadcast_in_dim3A_199 = vector.shape_cast %reduce_min3A_198 : vector<1024xf32> to vector<1x1024xf32>
    %eq3A_200 = vector.broadcast %broadcast_in_dim3A_199 : vector<1x1024xf32> to vector<1024x1024xf32>
    %eq3A_201 = arith.cmpf oeq, %select_n3A_192, %eq3A_200 : vector<1024x1024xf32>
    %jit3A_202 = arith.constant 1.000000e+09 : f32
    %broadcast_in_dim3A_203 = vector.broadcast %jit3A_202 : f32 to vector<1024x1024xf32>
    %select_n3A_204 = arith.select %eq3A_201, %convert_element_type3A, %broadcast_in_dim3A_203 : vector<1024x1024xi1>, vector<1024x1024xf32>
    %reduce_min3A_205 = arith.constant dense<0x7F800000> : vector<1024xf32>
    %reduce_min3A_206 = vector.multi_reduction <minimumf>, %select_n3A_204, %reduce_min3A_205 [0] : vector<1024x1024xf32> to vector<1024xf32>
    %broadcast_in_dim3A_207 = vector.shape_cast %reduce_min3A_206 : vector<1024xf32> to vector<1x1024xf32>
    %sub3A_208 = arith.subf %broadcast_in_dim3A_26, %broadcast_in_dim3A_199 : vector<1x1024xf32>
    %mul3A_209 = arith.constant 2.000000e+00 : f32
    %mul3A_210 = vector.broadcast %mul3A_209 : f32 to vector<1x1024xf32>
    %mul3A_211 = arith.mulf %mul3A_210, %sub3A_208 : vector<1x1024xf32>
    %exp3A_212 = math.exp %mul3A_211 : vector<1x1024xf32>
    %add3A_213 = arith.addf %add3A_187, %exp3A_212 : vector<1x1024xf32>
    %convert_element_type3A_214 = arith.fptosi %broadcast_in_dim3A_207 : vector<1x1024xf32> to vector<1x1024xi32>
    %swap3A_215 = arith.constant 7 : index
    %swap3A_216 = arith.constant 0 : index
    %swap3A_217 = vector.load %arg5[%swap3A_215, %swap3A_216] : memref<8x1024xi32, #tpu.memory_space<vmem>>, vector<1x1024xi32>
    tpu.vector_store %arg5[%swap3A_215, %swap3A_216], %convert_element_type3A_214 {strides = array<i32>} : memref<8x1024xi32, #tpu.memory_space<vmem>>, vector<1x1024xi32>,
    %div3A = arith.constant 1.000000e+00 : f32
    %div3A_218 = vector.broadcast %div3A : f32 to vector<1x1024xf32>
    %div3A_219 = arith.divf %div3A_218, %add3A_213 : vector<1x1024xf32>
    %mul3A_220 = arith.mulf %broadcast_in_dim3A_33, %div3A_219 : vector<1x1024xf32>
    %swap3A_221 = arith.constant 0 : index
    %swap3A_222 = arith.constant 0 : index
    %swap3A_223 = vector.load %arg4[%swap3A_221, %swap3A_222] : memref<8x1024xf32, #tpu.memory_space<vmem>>, vector<1x1024xf32>
    tpu.vector_store %arg4[%swap3A_221, %swap3A_222], %mul3A_220 {strides = array<i32>} : memref<8x1024xf32, #tpu.memory_space<vmem>>, vector<1x1024xf32>,
    %mul3A_224 = arith.mulf %exp3A, %div3A_219 : vector<1x1024xf32>
    %swap3A_225 = arith.constant 1 : index
    %swap3A_226 = arith.constant 0 : index
    %swap3A_227 = vector.load %arg4[%swap3A_225, %swap3A_226] : memref<8x1024xf32, #tpu.memory_space<vmem>>, vector<1x1024xf32>
    tpu.vector_store %arg4[%swap3A_225, %swap3A_226], %mul3A_224 {strides = array<i32>} : memref<8x1024xf32, #tpu.memory_space<vmem>>, vector<1x1024xf32>,
    %mul3A_228 = arith.mulf %exp3A_82, %div3A_219 : vector<1x1024xf32>
    %swap3A_229 = arith.constant 2 : index
    %swap3A_230 = arith.constant 0 : index
    %swap3A_231 = vector.load %arg4[%swap3A_229, %swap3A_230] : memref<8x1024xf32, #tpu.memory_space<vmem>>, vector<1x1024xf32>
    tpu.vector_store %arg4[%swap3A_229, %swap3A_230], %mul3A_228 {strides = array<i32>} : memref<8x1024xf32, #tpu.memory_space<vmem>>, vector<1x1024xf32>,
    %mul3A_232 = arith.mulf %exp3A_108, %div3A_219 : vector<1x1024xf32>
    %swap3A_233 = arith.constant 3 : index
    %swap3A_234 = arith.constant 0 : index
    %swap3A_235 = vector.load %arg4[%swap3A_233, %swap3A_234] : memref<8x1024xf32, #tpu.memory_space<vmem>>, vector<1x1024xf32>
    tpu.vector_store %arg4[%swap3A_233, %swap3A_234], %mul3A_232 {strides = array<i32>} : memref<8x1024xf32, #tpu.memory_space<vmem>>, vector<1x1024xf32>,
    %mul3A_236 = arith.mulf %exp3A_134, %div3A_219 : vector<1x1024xf32>
    %swap3A_237 = arith.constant 4 : index
    %swap3A_238 = arith.constant 0 : index
    %swap3A_239 = vector.load %arg4[%swap3A_237, %swap3A_238] : memref<8x1024xf32, #tpu.memory_space<vmem>>, vector<1x1024xf32>
    tpu.vector_store %arg4[%swap3A_237, %swap3A_238], %mul3A_236 {strides = array<i32>} : memref<8x1024xf32, #tpu.memory_space<vmem>>, vector<1x1024xf32>,
    %mul3A_240 = arith.mulf %exp3A_160, %div3A_219 : vector<1x1024xf32>
    %swap3A_241 = arith.constant 5 : index
    %swap3A_242 = arith.constant 0 : index
    %swap3A_243 = vector.load %arg4[%swap3A_241, %swap3A_242] : memref<8x1024xf32, #tpu.memory_space<vmem>>, vector<1x1024xf32>
    tpu.vector_store %arg4[%swap3A_241, %swap3A_242], %mul3A_240 {strides = array<i32>} : memref<8x1024xf32, #tpu.memory_space<vmem>>, vector<1x1024xf32>,
    %mul3A_244 = arith.mulf %exp3A_186, %div3A_219 : vector<1x1024xf32>
    %swap3A_245 = arith.constant 6 : index
    %swap3A_246 = arith.constant 0 : index
    %swap3A_247 = vector.load %arg4[%swap3A_245, %swap3A_246] : memref<8x1024xf32, #tpu.memory_space<vmem>>, vector<1x1024xf32>
    tpu.vector_store %arg4[%swap3A_245, %swap3A_246], %mul3A_244 {strides = array<i32>} : memref<8x1024xf32, #tpu.memory_space<vmem>>, vector<1x1024xf32>,
    %mul3A_248 = arith.mulf %exp3A_212, %div3A_219 : vector<1x1024xf32>
    %swap3A_249 = arith.constant 7 : index
    %swap3A_250 = arith.constant 0 : index
    %swap3A_251 = vector.load %arg4[%swap3A_249, %swap3A_250] : memref<8x1024xf32, #tpu.memory_space<vmem>>, vector<1x1024xf32>
    tpu.vector_store %arg4[%swap3A_249, %swap3A_250], %mul3A_248 {strides = array<i32>} : memref<8x1024xf32, #tpu.memory_space<vmem>>, vector<1x1024xf32>,
    return
  }
  func.func @transform_0(%arg0: i32) -> (i32, i32) {
    %c0_i32 = arith.constant 0 : i32
    %c0_i32_0 = arith.constant 0 : i32
    return %c0_i32, %arg0 : i32, i32
  }
  func.func @transform_1(%arg0: i32) -> (i32, i32) {
    %c0_i32 = arith.constant 0 : i32
    %c0_i32_0 = arith.constant 0 : i32
    %c0_i32_1 = arith.constant 0 : i32
    return %c0_i32, %c0_i32_0 : i32, i32
  }
  func.func @transform_2(%arg0: i32) -> (i32, i32) {
    %c0_i32 = arith.constant 0 : i32
    %c0_i32_0 = arith.constant 0 : i32
    %c0_i32_1 = arith.constant 0 : i32
    return %c0_i32, %c0_i32_0 : i32, i32
  }
  func.func @transform_3(%arg0: i32) -> (i32, i32) {
    %c0_i32 = arith.constant 0 : i32
    %c0_i32_0 = arith.constant 0 : i32
    return %c0_i32, %arg0 : i32, i32
  }
  func.func @transform_4(%arg0: i32) -> (i32, i32) {
    %c0_i32 = arith.constant 0 : i32
    %c0_i32_0 = arith.constant 0 : i32
    return %c0_i32, %arg0 : i32, i32
  }
}

</mosaic_0001>

<sc_bundles>
// kernel: kernel.5.cloned.1.call-start
scs
__scs_entry_jumppad:
0x0: {  	(pc) =	sbr.rel $0x88, $3  }
0x1: {  	(tag) =	ssettag $0x0;
	lr =	simm.s32 $0x1  }
0x2: {  	[smem:$0x3F9C] =	sst lr;
	_ =	strace $0xD0000000  }
0x3: {  	_ = 	snop  }
0x4: {  	_ = 	snop  }
0x5: {  	_ = 	snop  }
0x6: {  	_ = 	snop  }
0x7: {  	_ = 	snop  }
__scs_overlays_trampoline_lowered:
0x8: {  	[smem:$0x3FAB] =	sst s0  }
0x9: {  	[smem:$0x3FAC] =	sst s1  }
0xa: {  	[smem:$0x3FAD] =	sst s2  }
0xb: {  	[smem:$0x3FAE] =	sst s3  }
0xc: {  	[smem:$0x3FAF] =	sst s4  }
0xd: {  	[smem:$0x3FB0] =	sst s5  }
0xe: {  	[smem:$0x3FB1] =	sst s6  }
0xf: {  	[smem:$0x3FB2] =	sst s7  }
0x10: {  	[smem:$0x3FB3] =	sst s8  }
0x11: {  	[smem:$0x3FB4] =	sst s9;
	s0 =	simm.s32 @!p0 $0x0  }
0x12: {  	s1 =	sld [smem:$0x3F9A];
	s0 =	simm.s32 @p0 $0x1  }
0x13: {  	[smem:$0x3FB5] =	sst s0;
	s0 =	simm.s32 @!p1 $0x0  }
0x14: {  	s2 =	sld [smem:$0x3F99];
	s0 =	simm.s32 @p1 $0x1  }
0x15: {  	[smem:$0x3FB6] =	sst s0;
	s0 =	simm.s32 @!p2 $0x0  }
0x16: {  	s3 =	sld [smem:$0x3FDB];
	s0 =	simm.s32 @p2 $0x1  }
0x17: {  	s4 =	simm.s32 $0x1BF5;
	[smem:$0x3FB8] =	sst s0  }
0x18: {  	s0 =	sld [smem:$0x3F9B];
	_ =	swait.ge [sflag:s4], $0x0  }
0x19: {  	s7 =	sld [smem:$0x3F9C]  }
0x1a: {  	s8 =	sadd.s32 $0xFFFFE003, lr  }
0x1b: {  	s9 =	sadd.s32 $0xFFFFFEF7, lr;
	s5 =	simm.s32 $0xFFFFFFFF;
	p2 =	slt.u32 s8, $0xFFFFF086  }
0x1c: {  	p1 =	slt.u32 s9, $0xF7A;
	s5 =	simm.s32 @!p2 $0x0  }
0x1d: {  	s5 =	simm.s32 @p1 $0x1;
	p0 =	seq.s32 s7, s2  }
0x1e: {  	s7 =	smul.u32 @!p0 $0xF7A, s2;
	p2 =	seq.s32 @!p0 s5, $0x0  }
0x1f: {  	s9 =	smul.u32 $0xF7A, s1;
	s8 =	simm.s32 @!p0 $0x1BF5;
	p2 =	por !p2, p0  }
0x20: {  	[sflag:s8] =	ssyncset.s32 @!p0 $0xFFFFF086;
	s6 =	sadd.s32 @!p0 s3, s7;
	s7 =	simm.s32 @!p0 $0x108  }
0x21: {  	s3 =	sadd.s32 s3, s9;
	s6 =	sadd.s32 @!p0 $0x88, s6;
	s7 =	simm.s32 @p2 $0x1082  }
0x22: {  	[simem:s7], [sflag:s8] =	dma.local @!p0 [hbm:s6], $0xF7A  }
0x23: {  	s9 =	sor.u32 $0xD0000000, s2;
	s6 =	simm.s32 $0x108;
	_ =	swait.ge @!p0 [sflag:s8], $0x0  }
0x24: {  	s3 =	sadd.s32 $0x88, s3;
	s6 =	simm.s32 @!p1 $0x1082;
	[sflag:s4] =	ssyncset.s32 $0xFFFFF086  }
0x25: {  	[simem:s6], [sflag:s4] =	dma.local [hbm:s3], $0xF7A  }
0x26: {  	[smem:$0x3F9C] =	sst s1;
	(tag) =	ssettag s2;
	_ =	strace s9  }
0x27: {  	s1 =	sld [smem:$0x3FAC]  }
0x28: {  	s2 =	sld [smem:$0x3FAD]  }
0x29: {  	s4 =	sld [smem:$0x3FAF]  }
0x2a: {  	p0 =	seq.s32 s5, $0x0;
	s5 =	sld [smem:$0x3FB0]  }
0x2b: {  	s6 =	sld [smem:$0x3FB1]  }
0x2c: {  	s7 =	sld [smem:$0x3FB2]  }
0x2d: {  	s3 =	simm.s32 $0x108;
	s8 =	sld [smem:$0x3FB3]  }
0x2e: {  	s3 =	simm.s32 @!p0 $0x1082;
	s9 =	sld [smem:$0x3FB4]  }
0x2f: {  	lr =	sadd.s32 s0, s3;
	s0 =	sld [smem:$0x3FAB]  }
0x30: {  	s3 =	sld [smem:$0x3FAE]  }
0x31: {  	[smem:$0x3FB7] =	sst s10  }
0x32: {  	s10 =	sld [smem:$0x3FB5];
	_ =	sdelay $0x3  }
0x33: {  	p0 =	seq.s32 s10, $0x1;
	s10 =	sld [smem:$0x3FB7];
	_ =	sdelay $0x3  }
0x34: {  	[smem:$0x3FB7] =	sst s10  }
0x35: {  	s10 =	sld [smem:$0x3FB6];
	_ =	sdelay $0x3  }
0x36: {  	p1 =	seq.s32 s10, $0x1;
	s10 =	sld [smem:$0x3FB7];
	_ =	sdelay $0x3  }
0x37: {  	[smem:$0x3FB7] =	sst s10  }
0x38: {  	s10 =	sld [smem:$0x3FB8]  }
0x39: {  	_ = 	snop;
	(pc) =	sbr.ind lr, $3  }
0x3a: {  	_ = 	snop  }
0x3b: {  	_ = 	snop  }
0x3c: {  	p2 =	seq.s32 s10, $0x1;
	s10 =	sld [smem:$0x3FB7]  }
0x3d: {  	_ =	shalt  }
0x3e: {  	_ =	shalt  }
0x3f: {  	_ =	shalt  }
0x40: {  	_ =	shalt  }
0x41: {  	_ =	shalt  }
0x42: {  	_ =	shalt  }
0x43: {  	_ =	shalt  }
0x44: {  	_ =	shalt  }
0x45: {  	_ =	shalt  }
0x46: {  	_ =	shalt  }
0x47: {  	_ =	shalt  }
0x48: {  	_ =	shalt  }
0x49: {  	_ =	shalt  }
0x4a: {  	_ =	shalt  }
0x4b: {  	_ =	shalt  }
0x4c: {  	_ =	shalt  }
0x4d: {  	_ =	shalt  }
0x4e: {  	_ =	shalt  }
0x4f: {  	_ =	shalt  }
0x50: {  	_ =	shalt  }
0x51: {  	_ =	shalt  }
0x52: {  	_ =	shalt  }
0x53: {  	_ =	shalt  }
0x54: {  	_ =	shalt  }
0x55: {  	_ =	shalt  }
0x56: {  	_ =	shalt  }
0x57: {  	_ =	shalt  }
0x58: {  	_ =	shalt  }
0x59: {  	_ =	shalt  }
0x5a: {  	_ =	shalt  }
0x5b: {  	_ =	shalt  }
0x5c: {  	_ =	shalt  }
0x5d: {  	_ =	shalt  }
0x5e: {  	_ =	shalt  }
0x5f: {  	_ =	shalt  }
0x60: {  	_ =	shalt  }
0x61: {  	_ =	shalt  }
0x62: {  	_ =	shalt  }
0x63: {  	_ =	shalt  }
0x64: {  	_ =	shalt  }
0x65: {  	_ =	shalt  }
0x66: {  	_ =	shalt  }
0x67: {  	_ =	shalt  }
0x68: {  	_ =	shalt  }
0x69: {  	_ =	shalt  }
0x6a: {  	_ =	shalt  }
0x6b: {  	_ =	shalt  }
0x6c: {  	_ =	shalt  }
0x6d: {  	_ =	shalt  }
0x6e: {  	_ =	shalt  }
0x6f: {  	_ =	shalt  }
0x70: {  	_ =	shalt  }
0x71: {  	_ =	shalt  }
0x72: {  	_ =	shalt  }
0x73: {  	_ =	shalt  }
0x74: {  	_ =	shalt  }
0x75: {  	_ =	shalt  }
0x76: {  	_ =	shalt  }
0x77: {  	_ =	shalt  }
0x78: {  	_ =	shalt  }
0x79: {  	_ =	shalt  }
0x7a: {  	_ =	shalt  }
0x7b: {  	_ =	shalt  }
0x7c: {  	_ =	shalt  }
0x7d: {  	_ =	shalt  }
0x7e: {  	_ =	shalt  }
0x7f: {  	_ =	shalt  }
0x80: {  	_ =	shalt  }
0x81: {  	_ =	shalt  }
0x82: {  	_ =	shalt  }
0x83: {  	_ =	shalt  }
0x84: {  	_ =	shalt  }
0x85: {  	_ =	shalt  }
0x86: {  	_ =	shalt  }
0x87: {  	_ =	shalt  }
.Lfunc_end0:
.L_simem_size_0:
called_computation_lowered:
.L_overlay_start_0:
0x88: {  	s2 =	sld [smem:$0x3FD9]  }
0x89: {  	s3 =	sld [smem:$0x3FFE];
	_ =	sdelay $0x1  }
0x8a: {  	s1 =	srdreg.scid  }
0x8b: {  	s0 =	sand.u32 $0x1, s1  }
0x8c: {  	s14 =	sshll.u32 s0, $0xA;
	s2 =	sadd.s32 s3, s2  }
0x8d: {  	s2 =	sadd.s32 s2, s14  }
0x8e: {  	[smem:$0x3FC3] =	sst s2  }
0x8f: {  	_ = 	snop  }
0x90: {  	s2 =	sld [smem:$0x3FD0];
	_ =	sdelay $0x2  }
0x91: {  	s15 =	simm.s32 $0xA;
	s4 =	simm.s32 $0x10  }
0x92: {  	[smem:s4], [sflag:s15] =	dma.local [hbm:s2], $0x1  }
0x93: {  	_ =	swait.eq [sflag:s15], $0x1  }
0x94: {  	[sflag:s15] =	ssyncset.done $0x0  }
0x95: {  	s16 =	sld [smem:$0x10];
	[sflag:s15] =	ssyncadd.s32 $0xFFFFFFFF  }
0x96: {  	s17 =	sld [smem:$0x11];
	(tm) =	ssettm $0x1  }
0x97: {  	s18 =	sld [smem:$0x3FFB];
	_ =	sdelay $0x3  }
0x98: {  	_ =	strace s18  }
0x99: {  	s4 =	sld [smem:$0x3FFC];
	_ =	sdelay $0x3  }
0x9a: {  	_ =	strace s4  }
0x9b: {  	s4 =	sld [smem:$0x3FFD];
	_ =	sdelay $0x3  }
0x9c: {  	_ =	strace s4  }
0x9d: {  	_ =	strace $0x8FFFFFFF  }
0x9e: {  	s19 =	sld [smem:$0x3FDB];
	_ =	sdelay $0x1  }
0x9f: {  	s5 =	simm.s32 $_scs_section_size  }
0xa0: {  	s6 =	simm.s32 $_size__tile_overlayer_lowered;
	s7 =	simm.s32 $_tile_overlayer_lowered  }
0xa1: {  	s22 =	simm.s32 $0x1BFF;
	s21 =	sshll.u32 s7, $0x1;
	s4 =	sadd.s32 s5, s19  }
0xa2: {  	s8 =	simm.s32 $0x0;
	s20 =	sshll.u32 s6, $0x1;
	s6 =	sadd.s32 s21, s4  }
0xa3: {  	[timem:s8], [sflag:s22] =	dma.local [hbm:s6], s20  }
0xa4: {  	_ =	swait.ge [sflag:s22], s20  }
0xa5: {  	s5 =	ssub.s32 $0x0, s20;
	[sflag:s22] =	ssyncset.done $0x0  }
0xa6: {  	[sflag:s22] =	ssyncadd.s32 s5;
	_ =	sdelay $0x1  }
0xa7: {  	s23 =	simm.s32 $0x1B8B  }
0xa8: {  	_ =	swait.ge [sflag:s23], $0x1  }
0xa9: {  	[sflag:s23] =	ssyncset.done $0x0  }
0xaa: {  	s25 =	simm.s32 $0x1B8E;
	s24 =	sld [smem:$0x3FFE];
	[sflag:s23] =	ssyncadd.s32 $0xFFFFFFFF  }
0xab: {  	s26 =	simm.s32 $execute0_lowered;
	[smem:$0x3FD2] =	sst s25  }
0xac: {  	s6 =	sshll.u32 s26, $0x1;
	_ =	strace $0x80000046;
	[dreg:$0x1] =	wrdreg $0xFFFFFFFF  }
0xad: {  	s28 =	simm.s32 $_size_execute0_lowered;
	s4 =	sadd.s32 s4, s6;
	[dreg:$0x0] =	wrdreg $0x0  }
0xae: {  	s6 =	sshll.u32 s28, $0x1;
	[dreg:$0x2] =	wrdreg s4  }
0xaf: {  	[dreg:$0x3] =	wrdreg s6  }
0xb0: {  	[dreg:$0x4] =	wrdreg $0xC0  }
0xb1: {  	_ =	task [dreg:s8], $0x5FFFF  }
0xb2: {  	[dreg:$0x1] =	wrdreg $0xFFFFFFFF  }
0xb3: {  	[dreg:$0x0] =	wrdreg $0x60  }
0xb4: {  	[dreg:$0x2] =	wrdreg s16  }
0xb5: {  	[dreg:$0x3] =	wrdreg s24  }
0xb6: {  	[dreg:$0x4] =	wrdreg s17  }
0xb7: {  	[dreg:$0x5] =	wrdreg $0x9  }
0xb8: {  	_ =	task.clear_ibuf [dreg:s8], $0x6FFFF;
	_ =	strace $0x90000046  }
0xb9: {  	s29 =	simm.s32 $0x9;
	_ =	strace $0x80000048  }
0xba: {  	_ =	swait.ge [sflag:s29], $0x1  }
0xbb: {  	[sflag:s29] =	ssyncadd.s32 $0xFFFFFFFF  }
0xbc: {  	_ =	strace $0x90000048  }
0xbd: {  	_ =	sfence  }
0xbe: {  	s30 =	sld [smem:$0x0];
	_ =	sdelay $0x2  }
0xbf: {  	s31 =	sshll.u32 s1, $0xD;
	s1 =	sshrl.u32 s1, $0x2  }
0xc0: {  	s3 =	sand.u32 $0x4000, s31;
	s1 =	sadd.s32 s1, s30  }
0xc1: {  	s0 =	sor.u32 s3, s0;
	s1 =	sshll.u32 s1, $0x11  }
0xc2: {  	s0 =	sor.u32 s1, s0  }
0xc3: {  	s0 =	sadd.s32 $0x8F2B, s0  }
0xc4: {  	[sflag:s0] =	ssyncadd.remote.s32 $0x1  }
0xc5: {  	_ =	sfence.sel $0xFFFF  }
0xc6: {  	[dreg:$0x0] =	wrdreg $0xFFFFFFFF;
	(pc) =	sbr.abs _section_cstart, $3  }
0xc7: {  	[dreg:$0x1] =	wrdreg $0xFFFFFFFF  }
0xc8: {  	_ =	task.clear_ibuf [dreg:s8], $0x2FFFF;
	_ =	strace $0x9FFFFFFF  }
0xc9: {  	(tm) =	ssettm $0x7FFFFFFF  }
tec
execute0_lowered:
.L_overlay_start_1:
0x0: {  	(tag) =	ssettag $0x1  }
0x1: {  	s2 =	rddreg [dreg:$0x0]  }
0x2: {  	s0 =	srdreg.scid;
	s3 =	rddreg [dreg:$0x1]  }
0x3: {  	s1 =	stileid.u32;
	s5 =	rddreg [dreg:$0x2]  }
0x4: {  	s31 =	simm.s32 $0x7480;
	s0 =	sand.u32 $0x1, s0;
	s1 =	sshll.u32 s1, $0x1  }
0x5: {  	s16 =	sadd.s32 $0x1A00, s3;
	s4 =	sor.u32 s0, s1;
	s0 =	ssub.s32 $0x2, s0  }
0x6: {  	s19 =	sadd.s32 $0xDE00, s3;
	s4 =	smul.u32 $0x620, s4;
	s6 =	sshrl.u32 s0, $0x1  }
0x7: {  	s28 =	sadd.s32 $0x1AA00, s3;
	s1 =	simm.s32 $0x0;
	s0 =	ssub.s32 s0, s6  }
0x8: {  	[smem:$0x7FF] =	sst s1;
	s4 =	sshrl.u32 s4, $0x3;
	s30 =	smax.u32 s0, $0x1  }
0x9: {  	s0 =	simm.s32 $0x2;
	s25 =	sadd.s32 $0x1880, s4;
	s18 =	sadd.s32 s2, s4  }
0xa: {  	s29 =	sadd.s32 $0x3100, s4;
	s21 =	sadd.s32 s16, s4;
	s22 =	sadd.s32 $0x4980, s4  }
0xb: {  	s24 =	sadd.s32 $0x6200, s4;
	s13 =	sadd.s32 $0x7A80, s4;
	s26 =	sadd.s32 $0x9300, s4  }
0xc: {  	s17 =	sadd.s32 $0xAB80, s4;
	[dreg:$0x4] =	wrdreg s18;
	s20 =	sadd.s32 s2, s25  }
0xd: {  	s2 =	sadd.s32 s2, s29;
	[dreg:$0x7] =	wrdreg s21;
	s23 =	sadd.s32 s16, s25  }
0xe: {  	s7 =	sadd.s32 s16, s29;
	s8 =	sadd.s32 s16, s22;
	s9 =	sadd.s32 s19, s22  }
0xf: {  	s10 =	sadd.s32 s16, s24;
	s11 =	sadd.s32 s19, s24;
	s12 =	sadd.s32 s16, s13  }
0x10: {  	s13 =	sadd.s32 s19, s13;
	s14 =	sadd.s32 s16, s26;
	s15 =	sadd.s32 s19, s26  }
0x11: {  	s16 =	sadd.s32 s16, s17;
	s17 =	sadd.s32 s19, s17;
	s18 =	sadd.s32 s19, s4  }
0x12: {  	s21 =	sadd.s32 s19, s29;
	s22 =	sadd.s32 s5, s4;
	[dreg:$0x5] =	wrdreg s20  }
0x13: {  	s24 =	sadd.s32 s5, s25;
	s26 =	sadd.s32 s5, s29;
	[dreg:$0x6] =	wrdreg s2  }
0x14: {  	[dreg:$0x8] =	wrdreg s23;
	s20 =	sadd.s32 s19, s25;
	s23 =	sadd.s32 s28, s4  }
0x15: {  	s25 =	sadd.s32 s28, s25;
	s28 =	sadd.s32 s28, s29;
	s29 =	sadd.s32 $0x1A200, s3  }
0x16: {  	s19 =	simm.s32 $0x1;
	s2 =	simm.s32 $0x0;
	_ =	strace $0x80000047  }
.LBB2_1:
0x17: {  	s3 =	rddreg [dreg:$0x4]  }
0x18: {  	[tilespmem:s1], [sflag:$0x1] =	stream.linear.gather [hbm4b:s3+s1], $0x620, $0x38;
	[tilespmem:$0xD980] =	vst v63  }
0x19: {  	s6 =	rddreg [dreg:$0x5];
	s4 =	simm.s32 $0x620  }
0x1a: {  	[tilespmem:s4], [sflag:$0x1] =	stream.linear.gather [hbm4b:s6+s1], $0x620, $0x38;
	[tilespmem:$0xD980] =	vst v63  }
0x1b: {  	s5 =	rddreg [dreg:$0x6];
	s6 =	simm.s32 $0xC40  }
0x1c: {  	[tilespmem:s6], [sflag:$0x1] =	stream.linear.gather [hbm4b:s5+s1], $0x620, $0x38;
	[tilespmem:$0xD980] =	vst v63  }
0x1d: {  	s4 =	rddreg [dreg:$0x7];
	s5 =	simm.s32 $0x1280  }
0x1e: {  	[tilespmem:s5], [sflag:$0x1] =	stream.linear.gather [hbm4b:s4+s1], $0x620, $0x38;
	[tilespmem:$0xD980] =	vst v63  }
0x1f: {  	s6 =	simm.s32 $0x4380  }
0x20: {  	[tilespmem:s6], [sflag:$0x1] =	stream.linear.gather [hbm4b:s18+s1], $0x620, $0x38;
	[tilespmem:$0xD980] =	vst v63  }
0x21: {  	s4 =	rddreg [dreg:$0x8];
	s5 =	simm.s32 $0x18A0  }
0x22: {  	[tilespmem:s5], [sflag:$0x1] =	stream.linear.gather [hbm4b:s4+s1], $0x620, $0x38;
	[tilespmem:$0xD980] =	vst v63  }
0x23: {  	s6 =	simm.s32 $0x49A0  }
0x24: {  	[tilespmem:s6], [sflag:$0x1] =	stream.linear.gather [hbm4b:s20+s1], $0x620, $0x38;
	[tilespmem:$0xD980] =	vst v63  }
0x25: {  	s4 =	simm.s32 $0x1EC0  }
0x26: {  	[tilespmem:s4], [sflag:$0x1] =	stream.linear.gather [hbm4b:s7+s1], $0x620, $0x38;
	[tilespmem:$0xD980] =	vst v63  }
0x27: {  	s5 =	simm.s32 $0x4FC0  }
0x28: {  	[tilespmem:s5], [sflag:$0x1] =	stream.linear.gather [hbm4b:s21+s1], $0x620, $0x38;
	[tilespmem:$0xD980] =	vst v63  }
0x29: {  	s6 =	simm.s32 $0x24E0  }
0x2a: {  	[tilespmem:s6], [sflag:$0x1] =	stream.linear.gather [hbm4b:s8+s1], $0x620, $0x38;
	[tilespmem:$0xD980] =	vst v63  }
0x2b: {  	s4 =	simm.s32 $0x55E0  }
0x2c: {  	[tilespmem:s4], [sflag:$0x1] =	stream.linear.gather [hbm4b:s9+s1], $0x620, $0x38;
	[tilespmem:$0xD980] =	vst v63  }
0x2d: {  	s5 =	simm.s32 $0x2B00  }
0x2e: {  	[tilespmem:s5], [sflag:$0x1] =	stream.linear.gather [hbm4b:s10+s1], $0x620, $0x38;
	[tilespmem:$0xD980] =	vst v63  }
0x2f: {  	s6 =	simm.s32 $0x5C00  }
0x30: {  	[tilespmem:s6], [sflag:$0x1] =	stream.linear.gather [hbm4b:s11+s1], $0x620, $0x38;
	[tilespmem:$0xD980] =	vst v63  }
0x31: {  	s4 =	simm.s32 $0x3120  }
0x32: {  	[tilespmem:s4], [sflag:$0x1] =	stream.linear.gather [hbm4b:s12+s1], $0x620, $0x38;
	[tilespmem:$0xD980] =	vst v63  }
0x33: {  	s5 =	simm.s32 $0x6220  }
0x34: {  	[tilespmem:s5], [sflag:$0x1] =	stream.linear.gather [hbm4b:s13+s1], $0x620, $0x38;
	[tilespmem:$0xD980] =	vst v63  }
0x35: {  	s6 =	simm.s32 $0x3740  }
0x36: {  	[tilespmem:s6], [sflag:$0x1] =	stream.linear.gather [hbm4b:s14+s1], $0x620, $0x38;
	[tilespmem:$0xD980] =	vst v63  }
0x37: {  	s4 =	simm.s32 $0x6840  }
0x38: {  	[tilespmem:s4], [sflag:$0x1] =	stream.linear.gather [hbm4b:s15+s1], $0x620, $0x38;
	[tilespmem:$0xD980] =	vst v63  }
0x39: {  	s5 =	simm.s32 $0x3D60  }
0x3a: {  	[tilespmem:s5], [sflag:$0x1] =	stream.linear.gather [hbm4b:s16+s1], $0x620, $0x38;
	[tilespmem:$0xD980] =	vst v63  }
0x3b: {  	s6 =	simm.s32 $0x6E60  }
0x3c: {  	[tilespmem:s6], [sflag:$0x1] =	stream.linear.gather [hbm4b:s17+s1], $0x620, $0x38;
	[tilespmem:$0xD980] =	vst v63  }
0x3d: {  	_ = 	snop  }
0x3e: {  	[tilespmem:s31], [sflag:$0x1] =	stream.linear.gather [hbm4b:s29+s1], $0x4000, $0x38;
	[tilespmem:$0xD980] =	vst v63  }
0x3f: {  	_ =	swait.ge [sflag:s19], $0x620  }
0x40: {  	[sflag:s19] =	ssyncset.done $0x0  }
0x41: {  	[sflag:s19] =	ssyncadd.s32 $0xFFFFF9E0  }
0x42: {  	_ =	swait.ge [sflag:s19], $0x620  }
0x43: {  	[sflag:s19] =	ssyncset.done $0x0  }
0x44: {  	[sflag:s19] =	ssyncadd.s32 $0xFFFFF9E0  }
0x45: {  	_ =	swait.ge [sflag:s19], $0x620  }
0x46: {  	[sflag:s19] =	ssyncset.done $0x0  }
0x47: {  	[sflag:s19] =	ssyncadd.s32 $0xFFFFF9E0  }
0x48: {  	_ =	swait.ge [sflag:s19], $0x620  }
0x49: {  	[sflag:s19] =	ssyncset.done $0x0  }
0x4a: {  	[sflag:s19] =	ssyncadd.s32 $0xFFFFF9E0  }
0x4b: {  	_ =	swait.ge [sflag:s19], $0x620  }
0x4c: {  	[sflag:s19] =	ssyncset.done $0x0  }
0x4d: {  	[sflag:s19] =	ssyncadd.s32 $0xFFFFF9E0  }
0x4e: {  	_ =	swait.ge [sflag:s19], $0x620  }
0x4f: {  	[sflag:s19] =	ssyncset.done $0x0  }
0x50: {  	[sflag:s19] =	ssyncadd.s32 $0xFFFFF9E0  }
0x51: {  	_ =	swait.ge [sflag:s19], $0x620  }
0x52: {  	[sflag:s19] =	ssyncset.done $0x0  }
0x53: {  	[sflag:s19] =	ssyncadd.s32 $0xFFFFF9E0  }
0x54: {  	_ =	swait.ge [sflag:s19], $0x620  }
0x55: {  	[sflag:s19] =	ssyncset.done $0x0  }
0x56: {  	[sflag:s19] =	ssyncadd.s32 $0xFFFFF9E0  }
0x57: {  	_ =	swait.ge [sflag:s19], $0x620  }
0x58: {  	[sflag:s19] =	ssyncset.done $0x0  }
0x59: {  	[sflag:s19] =	ssyncadd.s32 $0xFFFFF9E0  }
0x5a: {  	_ =	swait.ge [sflag:s19], $0x620  }
0x5b: {  	[sflag:s19] =	ssyncset.done $0x0  }
0x5c: {  	[sflag:s19] =	ssyncadd.s32 $0xFFFFF9E0  }
0x5d: {  	_ =	swait.ge [sflag:s19], $0x620  }
0x5e: {  	[sflag:s19] =	ssyncset.done $0x0  }
0x5f: {  	[sflag:s19] =	ssyncadd.s32 $0xFFFFF9E0  }
0x60: {  	_ =	swait.ge [sflag:s19], $0x620  }
0x61: {  	[sflag:s19] =	ssyncset.done $0x0  }
0x62: {  	[sflag:s19] =	ssyncadd.s32 $0xFFFFF9E0  }
0x63: {  	_ =	swait.ge [sflag:s19], $0x620  }
0x64: {  	[sflag:s19] =	ssyncset.done $0x0  }
0x65: {  	[sflag:s19] =	ssyncadd.s32 $0xFFFFF9E0  }
0x66: {  	_ =	swait.ge [sflag:s19], $0x620  }
0x67: {  	[sflag:s19] =	ssyncset.done $0x0  }
0x68: {  	[sflag:s19] =	ssyncadd.s32 $0xFFFFF9E0  }
0x69: {  	_ =	swait.ge [sflag:s19], $0x620  }
0x6a: {  	[sflag:s19] =	ssyncset.done $0x0  }
0x6b: {  	[sflag:s19] =	ssyncadd.s32 $0xFFFFF9E0  }
0x6c: {  	_ =	swait.ge [sflag:s19], $0x620  }
0x6d: {  	[sflag:s19] =	ssyncset.done $0x0  }
0x6e: {  	[sflag:s19] =	ssyncadd.s32 $0xFFFFF9E0  }
0x6f: {  	_ =	swait.ge [sflag:s19], $0x620  }
0x70: {  	[sflag:s19] =	ssyncset.done $0x0  }
0x71: {  	[sflag:s19] =	ssyncadd.s32 $0xFFFFF9E0  }
0x72: {  	_ =	swait.ge [sflag:s19], $0x620  }
0x73: {  	[sflag:s19] =	ssyncset.done $0x0  }
0x74: {  	[sflag:s19] =	ssyncadd.s32 $0xFFFFF9E0  }
0x75: {  	_ =	swait.ge [sflag:s19], $0x620  }
0x76: {  	[sflag:s19] =	ssyncset.done $0x0  }
0x77: {  	[sflag:s19] =	ssyncadd.s32 $0xFFFFF9E0  }
0x78: {  	_ =	swait.ge [sflag:s19], $0x4000  }
0x79: {  	[sflag:s19] =	ssyncset.done $0x0  }
0x7a: {  	s3 =	simm.s32 $0x0;
	s4 =	simm.s32 $0x0;
	[sflag:s19] =	ssyncadd.s32 $0xFFFFC000  }
.LBB2_2:
0x7b: {  	s5 =	sshra.s32 s4, $0x2  }
0x7c: {  	v0 =	vld [tilespmem:s5+$0x1280]  }
0x7d: {  	v14 =	vld [tilespmem:s5+$0x18A0]  }
0x7e: {  	v30 =	vld [tilespmem:s5+$0x1EC0];
	_ =	sdelay $0x2  }
0x7f: {  	v0 =	vshll.u32 v0, $0x4  }
0x80: {  	v14 =	vshll.u32 v14, $0x4  }
0x81: {  	v4 =	vld [tilespmem:s5+$0x4380];
	v30 =	vshll.u32 v30, $0x4  }
0x82: {  	v48 =	vld [tilespmem:s5+$0x49A0];
	v1 =	vor.u32 $0x1, v0  }
0x83: {  	v44 =	vld [tilespmem:s5+$0x24E0];
	v2 =	vor.u32 $0x2, v0  }
0x84: {  	v3 =	vor.u32 $0x3, v0;
	v6 =	vld.idx.msk [tilespmem:v0+s31+$0x0], $0xffff  }
0x85: {  	v5 =	vor.u32 $0x4, v0;
	v22 =	vld.idx.msk [tilespmem:v14+s31+$0x0], $0xffff  }
0x86: {  	v7 =	vor.u32 $0x5, v0;
	v38 =	vld.idx.msk [tilespmem:v30+s31+$0x0], $0xffff  }
0x87: {  	v8 =	vor.u32 $0x6, v0;
	v1 =	vld.idx.msk [tilespmem:v1+s31+$0x0], $0xffff  }
0x88: {  	v45 =	vor.u32 $0x7, v0;
	v9 =	vld.idx.msk [tilespmem:v2+s31+$0x0], $0xffff  }
0x89: {  	v10 =	vor.u32 $0x8, v0;
	v3 =	vld.idx.msk [tilespmem:v3+s31+$0x0], $0xffff  }
0x8a: {  	v11 =	vor.u32 $0x9, v0;
	v5 =	vld.idx.msk [tilespmem:v5+s31+$0x0], $0xffff  }
0x8b: {  	v12 =	vor.u32 $0xA, v0;
	v7 =	vld.idx.msk [tilespmem:v7+s31+$0x0], $0xffff  }
0x8c: {  	v13 =	vor.u32 $0xB, v0;
	v8 =	vld.idx.msk [tilespmem:v8+s31+$0x0], $0xffff  }
0x8d: {  	v46 =	vor.u32 $0xC, v0;
	v15 =	vld.idx.msk [tilespmem:v45+s31+$0x0], $0xffff  }
0x8e: {  	v16 =	vor.u32 $0xD, v0;
	v10 =	vld.idx.msk [tilespmem:v10+s31+$0x0], $0xffff  }
0x8f: {  	v18 =	vor.u32 $0x1, v14;
	v11 =	vld.idx.msk [tilespmem:v11+s31+$0x0], $0xffff  }
0x90: {  	v19 =	vor.u32 $0x2, v14;
	v12 =	vld.idx.msk [tilespmem:v12+s31+$0x0], $0xffff  }
0x91: {  	v47 =	vor.u32 $0x3, v14;
	v13 =	vld.idx.msk [tilespmem:v13+s31+$0x0], $0xffff  }
0x92: {  	v21 =	vor.u32 $0x4, v14;
	v17 =	vld.idx.msk [tilespmem:v46+s31+$0x0], $0xffff  }
0x93: {  	v23 =	vor.u32 $0x5, v14;
	v16 =	vld.idx.msk [tilespmem:v16+s31+$0x0], $0xffff  }
0x94: {  	v24 =	vor.u32 $0x6, v14;
	v18 =	vld.idx.msk [tilespmem:v18+s31+$0x0], $0xffff  }
0x95: {  	v49 =	vor.u32 $0x7, v14;
	v19 =	vld.idx.msk [tilespmem:v19+s31+$0x0], $0xffff  }
0x96: {  	v26 =	vor.u32 $0x8, v14;
	v25 =	vld.idx.msk [tilespmem:v47+s31+$0x0], $0xffff  }
0x97: {  	v27 =	vor.u32 $0x9, v14;
	v21 =	vld.idx.msk [tilespmem:v21+s31+$0x0], $0xffff  }
0x98: {  	v28 =	vor.u32 $0xA, v14;
	v23 =	vld.idx.msk [tilespmem:v23+s31+$0x0], $0xffff  }
0x99: {  	v29 =	vor.u32 $0xB, v14;
	v24 =	vld.idx.msk [tilespmem:v24+s31+$0x0], $0xffff  }
0x9a: {  	v50 =	vor.u32 $0xC, v14;
	v31 =	vld.idx.msk [tilespmem:v49+s31+$0x0], $0xffff  }
0x9b: {  	v32 =	vor.u32 $0xD, v14;
	v26 =	vld.idx.msk [tilespmem:v26+s31+$0x0], $0xffff  }
0x9c: {  	v34 =	vor.u32 $0x1, v30;
	v27 =	vld.idx.msk [tilespmem:v27+s31+$0x0], $0xffff  }
0x9d: {  	v35 =	vor.u32 $0x2, v30;
	v28 =	vld.idx.msk [tilespmem:v28+s31+$0x0], $0xffff  }
0x9e: {  	v36 =	vor.u32 $0x3, v30;
	v37 =	vor.u32 $0x4, v30;
	v29 =	vld.idx.msk [tilespmem:v29+s31+$0x0], $0xffff  }
0x9f: {  	v39 =	vor.u32 $0x5, v30;
	v40 =	vor.u32 $0x6, v30;
	v41 =	vor.u32 $0x7, v30;
	v33 =	vld.idx.msk [tilespmem:v50+s31+$0x0], $0xffff  }
0xa0: {  	v42 =	vor.u32 $0x8, v30;
	v43 =	vor.u32 $0x9, v30;
	v51 =	vor.u32 $0xA, v30;
	v32 =	vld.idx.msk [tilespmem:v32+s31+$0x0], $0xffff  }
0xa1: {  	v52 =	vor.u32 $0xB, v30;
	v34 =	vld.idx.msk [tilespmem:v34+s31+$0x0], $0xffff;
	v6 =	vmul.f32 v6, v4;
	v22 =	vmul.f32 v22, v48  }
0xa2: {  	v53 =	vor.u32 $0xC, v30;
	v35 =	vld.idx.msk [tilespmem:v35+s31+$0x0], $0xffff;
	v1 =	vmul.f32 v1, v4;
	v9 =	vmul.f32 v9, v4  }
0xa3: {  	v0 =	vor.u32 $0xE, v0;
	v36 =	vld.idx.msk [tilespmem:v36+s31+$0x0], $0xffff;
	v3 =	vmul.f32 v3, v4;
	v5 =	vmul.f32 v5, v4  }
0xa4: {  	v14 =	vor.u32 $0xE, v14;
	v37 =	vld.idx.msk [tilespmem:v37+s31+$0x0], $0xffff;
	v7 =	vmul.f32 v7, v4;
	v8 =	vmul.f32 v8, v4  }
0xa5: {  	v54 =	vor.u32 $0xD, v30;
	v39 =	vld.idx.msk [tilespmem:v39+s31+$0x0], $0xffff;
	v15 =	vmul.f32 v15, v4;
	v10 =	vmul.f32 v10, v4  }
0xa6: {  	v30 =	vor.u32 $0xE, v30;
	v41 =	vld.idx.msk [tilespmem:v41+s31+$0x0], $0xffff;
	v11 =	vmul.f32 v11, v4;
	v12 =	vmul.f32 v12, v4  }
0xa7: {  	v43 =	vld.idx.msk [tilespmem:v43+s31+$0x0], $0xffff;
	v13 =	vmul.f32 v13, v4;
	v17 =	vmul.f32 v17, v4  }
0xa8: {  	v20 =	vld.idx.msk [tilespmem:v0+s31+$0x0], $0xffff;
	v16 =	vmul.f32 v16, v4;
	v18 =	vmul.f32 v18, v48  }
0xa9: {  	v14 =	vld.idx.msk [tilespmem:v14+s31+$0x0], $0xffff;
	v19 =	vmul.f32 v19, v48;
	v25 =	vmul.f32 v25, v48  }
0xaa: {  	v0 =	vld [tilespmem:s5+$0x4FC0];
	v21 =	vmul.f32 v21, v48;
	v23 =	vmul.f32 v23, v48;
	v6 =	vadd.f32 $0.0e+00, v6  }
0xab: {  	v30 =	vld.idx.msk [tilespmem:v30+s31+$0x0], $0xffff;
	v24 =	vmul.f32 v24, v48;
	v56 =	vmul.f32 v31, v48  }
0xac: {  	v26 =	vmul.f32 v26, v48;
	v9 =	vadd.f32 $0.0e+00, v9;
	v6 =	vadd.f32 v22, v6;
	v22 =	vld.idx.msk [tilespmem:v52+s31+$0x0], $0xffff  }
0xad: {  	v27 =	vmul.f32 v27, v48;
	v1 =	vadd.f32 $0.0e+00, v1;
	v4 =	vmul.f32 v20, v4;
	v20 =	vld.idx.msk [tilespmem:v40+s31+$0x0], $0xffff  }
0xae: {  	v28 =	vmul.f32 v28, v48;
	v5 =	vadd.f32 $0.0e+00, v5;
	v9 =	vadd.f32 v19, v9;
	v19 =	vld.idx.msk [tilespmem:v42+s31+$0x0], $0xffff  }
0xaf: {  	v60 =	vmul.f32 v29, v48;
	v3 =	vadd.f32 $0.0e+00, v3;
	v8 =	vadd.f32 $0.0e+00, v8;
	v40 =	vld.idx.msk [tilespmem:v51+s31+$0x0], $0xffff  }
0xb0: {  	v33 =	vmul.f32 v33, v48;
	v15 =	vadd.f32 $0.0e+00, v15;
	v5 =	vadd.f32 v21, v5;
	v21 =	vld.idx.msk [tilespmem:v53+s31+$0x0], $0xffff  }
0xb1: {  	v3 =	vadd.f32 v25, v3;
	v25 =	vshll.u32 v44, $0x4;
	v8 =	vadd.f32 v24, v8;
	v24 =	vld.idx.msk [tilespmem:v54+s31+$0x0], $0xffff  }
0xb2: {  	s6 =	sand.u32 $0x7E0, s3;
	v18 =	vadd.f32 v18, v1;
	v1 =	vld [tilespmem:s5+$0x55E0];
	v36 =	vmul.f32 v36, v0;
	v55 =	vor.u32 $0x1, v25  }
0xb3: {  	v15 =	vadd.f32 v56, v15;
	v53 =	vld [tilespmem:s6+$0x2B00];
	v56 =	vmul.f32 v41, v0;
	v57 =	vor.u32 $0x2, v25  }
0xb4: {  	v10 =	vadd.f32 $0.0e+00, v10;
	v58 =	vor.u32 $0x3, v25;
	v3 =	vadd.f32 v36, v3;
	v36 =	vld [tilespmem:s6+$0x5C00]  }
0xb5: {  	v7 =	vadd.f32 $0.0e+00, v7;
	v44 =	vor.u32 $0x4, v25;
	v15 =	vadd.f32 v56, v15;
	v56 =	vld [tilespmem:s5+$0x3120]  }
0xb6: {  	v32 =	vmul.f32 v32, v48;
	v10 =	vadd.f32 v26, v10;
	v59 =	vor.u32 $0x5, v25;
	v26 =	vld.idx.msk [tilespmem:v25+s31+$0x0], $0xffff  }
0xb7: {  	v12 =	vadd.f32 $0.0e+00, v12;
	v7 =	vadd.f32 v23, v7;
	v61 =	vor.u32 $0x6, v25;
	v23 =	vld.idx.msk [tilespmem:v55+s31+$0x0], $0xffff  }
0xb8: {  	v11 =	vadd.f32 $0.0e+00, v11;
	v16 =	vadd.f32 $0.0e+00, v16;
	v62 =	vor.u32 $0x7, v25;
	v31 =	vld.idx.msk [tilespmem:v57+s31+$0x0], $0xffff  }
0xb9: {  	v13 =	vadd.f32 $0.0e+00, v13;
	v12 =	vadd.f32 v28, v12;
	v63 =	vor.u32 $0x8, v25;
	v28 =	vld.idx.msk [tilespmem:v58+s31+$0x0], $0xffff  }
0xba: {  	v17 =	vadd.f32 $0.0e+00, v17;
	v16 =	vadd.f32 v32, v16;
	v49 =	vor.u32 $0x9, v25;
	v32 =	vld.idx.msk [tilespmem:v44+s31+$0x0], $0xffff  }
0xbb: {  	v11 =	vadd.f32 v27, v11;
	v34 =	vmul.f32 v34, v0;
	v50 =	vor.u32 $0xA, v25;
	v27 =	vld.idx.msk [tilespmem:v59+s31+$0x0], $0xffff  }
0xbc: {  	v13 =	vadd.f32 v60, v13;
	v52 =	vor.u32 $0xB, v25;
	v29 =	vld.idx.msk [tilespmem:v61+s31+$0x0], $0xffff  }
0xbd: {  	v17 =	vadd.f32 v33, v17;
	v54 =	vor.u32 $0xC, v25;
	v18 =	vadd.f32 v34, v18;
	v34 =	vld.idx.msk [tilespmem:v62+s31+$0x0], $0xffff  }
0xbe: {  	v2 =	vmul.f32 v14, v48;
	v37 =	vmul.f32 v37, v0;
	v14 =	vshll.u32 v53, $0x4;
	v33 =	vld.idx.msk [tilespmem:v63+s31+$0x0], $0xffff  }
0xbf: {  	v48 =	vmul.f32 v38, v0;
	v35 =	vmul.f32 v35, v0;
	v55 =	vor.u32 $0xD, v25;
	v38 =	vld.idx.msk [tilespmem:v49+s31+$0x0], $0xffff  }
0xc0: {  	v5 =	vadd.f32 v37, v5;
	v20 =	vmul.f32 v20, v0;
	v25 =	vor.u32 $0xE, v25;
	v37 =	vld.idx.msk [tilespmem:v50+s31+$0x0], $0xffff  }
0xc1: {  	v4 =	vadd.f32 $0.0e+00, v4;
	v51 =	vadd.f32 v48, v6;
	v6 =	vld.idx.msk [tilespmem:v52+s31+$0x0], $0xffff;
	v57 =	vor.u32 $0x1, v14  }
0xc2: {  	v39 =	vmul.f32 v39, v0;
	v60 =	vor.u32 $0x2, v14;
	v8 =	vadd.f32 v20, v8;
	v20 =	vld.idx.msk [tilespmem:v54+s31+$0x0], $0xffff  }
0xc3: {  	v2 =	vadd.f32 v2, v4;
	v45 =	vmul.f32 v21, v0;
	v62 =	vor.u32 $0x3, v14;
	v21 =	vld.idx.msk [tilespmem:v14+s31+$0x0], $0xffff  }
0xc4: {  	v19 =	vmul.f32 v19, v0;
	v59 =	vmul.f32 v40, v0;
	v63 =	vor.u32 $0x4, v14;
	v40 =	vld.idx.msk [tilespmem:v55+s31+$0x0], $0xffff  }
0xc5: {  	v24 =	vmul.f32 v24, v0;
	v61 =	vmul.f32 v22, v0;
	v46 =	vor.u32 $0x5, v14;
	v22 =	vld.idx.msk [tilespmem:v25+s31+$0x0], $0xffff  }
0xc6: {  	v58 =	vmul.f32 v43, v0;
	v0 =	vmul.f32 v30, v0;
	v47 =	vor.u32 $0x6, v14;
	v30 =	vld.idx.msk [tilespmem:v57+s31+$0x0], $0xffff  }
0xc7: {  	v9 =	vadd.f32 v35, v9;
	v7 =	vadd.f32 v39, v7;
	v50 =	vor.u32 $0x7, v14;
	v49 =	vld.idx.msk [tilespmem:v60+s31+$0x0], $0xffff  }
0xc8: {  	v53 =	vor.u32 $0x9, v14;
	v10 =	vadd.f32 v19, v10;
	v0 =	vadd.f32 v0, v2;
	v2 =	vld.idx.msk [tilespmem:v62+s31+$0x0], $0xffff  }
0xc9: {  	v17 =	vadd.f32 v45, v17;
	v16 =	vadd.f32 v24, v16;
	v54 =	vor.u32 $0xA, v14;
	v19 =	vld.idx.msk [tilespmem:v63+s31+$0x0], $0xffff  }
0xca: {  	v12 =	vadd.f32 v59, v12;
	v59 =	vor.u32 $0xD, v14;
	v52 =	vmul.f32 v31, v1;
	v31 =	vld.idx.msk [tilespmem:v46+s31+$0x0], $0xffff  }
0xcb: {  	v11 =	vadd.f32 v58, v11;
	v13 =	vadd.f32 v61, v13;
	v48 =	vmul.f32 v26, v1;
	v35 =	vld.idx.msk [tilespmem:v47+s31+$0x0], $0xffff  }
0xcc: {  	v23 =	vmul.f32 v23, v1;
	v55 =	vor.u32 $0xB, v14;
	v24 =	vld.idx.msk [tilespmem:v50+s31+$0x0], $0xffff;
	v29 =	vmul.f32 v29, v1  }
0xcd: {  	v28 =	vmul.f32 v28, v1;
	v57 =	vor.u32 $0xC, v14;
	v39 =	vld.idx.msk [tilespmem:v53+s31+$0x0], $0xffff;
	v4 =	vadd.f32 v48, v51  }
0xce: {  	v51 =	vor.u32 $0x8, v14;
	v20 =	vmul.f32 v20, v1;
	v8 =	vadd.f32 v29, v8;
	v29 =	vld.idx.msk [tilespmem:v54+s31+$0x0], $0xffff  }
0xcf: {  	v27 =	vmul.f32 v27, v1;
	v58 =	vmul.f32 v34, v1;
	v14 =	vor.u32 $0xE, v14;
	v34 =	vld.idx.msk [tilespmem:v59+s31+$0x0], $0xffff  }
0xd0: {  	v3 =	vadd.f32 v28, v3;
	v28 =	vshll.u32 v56, $0x4;
	v17 =	vadd.f32 v20, v17;
	v20 =	vld [tilespmem:s5+$0x6220]  }
0xd1: {  	v32 =	vmul.f32 v32, v1;
	v33 =	vmul.f32 v33, v1;
	v61 =	vor.u32 $0x1, v28;
	v25 =	vld.idx.msk [tilespmem:v55+s31+$0x0], $0xffff  }
0xd2: {  	v38 =	vmul.f32 v38, v1;
	v7 =	vadd.f32 v27, v7;
	v63 =	vor.u32 $0x2, v28;
	v27 =	vld.idx.msk [tilespmem:v57+s31+$0x0], $0xffff  }
0xd3: {  	v60 =	vmul.f32 v37, v1;
	v18 =	vadd.f32 v23, v18;
	v45 =	vor.u32 $0x3, v28;
	v23 =	vld.idx.msk [tilespmem:v51+s31+$0x0], $0xffff  }
0xd4: {  	v6 =	vmul.f32 v6, v1;
	v9 =	vadd.f32 v52, v9;
	v46 =	vor.u32 $0x4, v28;
	v44 =	vld.idx.msk [tilespmem:v14+s31+$0x0], $0xffff  }
0xd5: {  	v47 =	vor.u32 $0x5, v28;
	v62 =	vmul.f32 v40, v1;
	v1 =	vmul.f32 v22, v1;
	v22 =	vld.idx.msk [tilespmem:v28+s31+$0x0], $0xffff  }
0xd6: {  	v5 =	vadd.f32 v32, v5;
	v10 =	vadd.f32 v33, v10;
	v48 =	vor.u32 $0x6, v28;
	v33 =	vld.idx.msk [tilespmem:v61+s31+$0x0], $0xffff  }
0xd7: {  	v15 =	vadd.f32 v58, v15;
	v11 =	vadd.f32 v38, v11;
	v50 =	vld.idx.msk [tilespmem:v63+s31+$0x0], $0xffff  }
0xd8: {  	v12 =	vadd.f32 v60, v12;
	v6 =	vadd.f32 v6, v13;
	v53 =	vor.u32 $0x8, v28;
	v14 =	vld.idx.msk [tilespmem:v45+s31+$0x0], $0xffff  }
0xd9: {  	v56 =	vor.u32 $0x9, v28;
	v59 =	vor.u32 $0xA, v28;
	v21 =	vmul.f32 v21, v36;
	v52 =	vld.idx.msk [tilespmem:v46+s31+$0x0], $0xffff  }
0xda: {  	v60 =	vor.u32 $0xB, v28;
	v30 =	vmul.f32 v30, v36;
	v26 =	vmul.f32 v49, v36;
	v55 =	vld.idx.msk [tilespmem:v47+s31+$0x0], $0xffff  }
0xdb: {  	v41 =	vor.u32 $0xE, v28;
	v2 =	vmul.f32 v2, v36;
	v19 =	vmul.f32 v19, v36;
	v58 =	vld.idx.msk [tilespmem:v48+s31+$0x0], $0xffff  }
0xdc: {  	v31 =	vmul.f32 v31, v36;
	v54 =	vmul.f32 v35, v36;
	v51 =	vor.u32 $0x7, v28;
	v61 =	vld [tilespmem:s5+$0x3740]  }
0xdd: {  	v16 =	vadd.f32 v62, v16;
	v18 =	vadd.f32 v30, v18;
	v62 =	vor.u32 $0xC, v28;
	v30 =	vld.idx.msk [tilespmem:v53+s31+$0x0], $0xffff  }
0xde: {  	v24 =	vmul.f32 v24, v36;
	v49 =	vadd.f32 v21, v4;
	v57 =	vadd.f32 v19, v5;
	v19 =	vld.idx.msk [tilespmem:v59+s31+$0x0], $0xffff  }
0xdf: {  	v0 =	vadd.f32 v1, v0;
	v9 =	vadd.f32 v26, v9;
	v63 =	vor.u32 $0xD, v28;
	v43 =	vld.idx.msk [tilespmem:v60+s31+$0x0], $0xffff  }
0xe0: {  	v39 =	vmul.f32 v39, v36;
	v2 =	vadd.f32 v2, v3;
	v15 =	vadd.f32 v24, v15;
	v24 =	vld.idx.msk [tilespmem:v41+s31+$0x0], $0xffff  }
0xe1: {  	v7 =	vadd.f32 v31, v7;
	v8 =	vadd.f32 v54, v8;
	v23 =	vmul.f32 v23, v36;
	v21 =	vld.idx.msk [tilespmem:v51+s31+$0x0], $0xffff  }
0xe2: {  	v29 =	vmul.f32 v29, v36;
	v13 =	vmul.f32 v44, v36;
	v44 =	vld.idx.msk [tilespmem:v62+s31+$0x0], $0xffff;
	v31 =	vshll.u32 v61, $0x4  }
0xe3: {  	v11 =	vadd.f32 v39, v11;
	v10 =	vadd.f32 v23, v10;
	v23 =	vld.idx.msk [tilespmem:v56+s31+$0x0], $0xffff;
	v32 =	vor.u32 $0x1, v31  }
0xe4: {  	v42 =	vmul.f32 v34, v36;
	v25 =	vmul.f32 v25, v36;
	v45 =	vld.idx.msk [tilespmem:v63+s31+$0x0], $0xffff;
	v46 =	vor.u32 $0x2, v31  }
0xe5: {  	v22 =	vmul.f32 v22, v20;
	v13 =	vadd.f32 v13, v0;
	v0 =	vld [tilespmem:s5+$0x6840];
	v47 =	vor.u32 $0x3, v31  }
0xe6: {  	v27 =	vmul.f32 v27, v36;
	v4 =	vmul.f32 v50, v20;
	v61 =	vld [tilespmem:s5+$0x3D60];
	v48 =	vor.u32 $0x4, v31  }
0xe7: {  	v1 =	vadd.f32 v22, v49;
	v49 =	vmul.f32 v52, v20;
	v52 =	vor.u32 $0x5, v31;
	v50 =	vld.idx.msk [tilespmem:v31+s31+$0x0], $0xffff  }
0xe8: {  	v12 =	vadd.f32 v29, v12;
	v16 =	vadd.f32 v42, v16;
	v54 =	vor.u32 $0x6, v31;
	v51 =	vld.idx.msk [tilespmem:v32+s31+$0x0], $0xffff  }
0xe9: {  	v6 =	vadd.f32 v25, v6;
	v17 =	vadd.f32 v27, v17;
	v59 =	vor.u32 $0x8, v31;
	v53 =	vld.idx.msk [tilespmem:v46+s31+$0x0], $0xffff  }
0xea: {  	v33 =	vmul.f32 v33, v20;
	v14 =	vmul.f32 v14, v20;
	v60 =	vor.u32 $0x9, v31;
	v56 =	vld.idx.msk [tilespmem:v47+s31+$0x0], $0xffff  }
0xeb: {  	v55 =	vmul.f32 v55, v20;
	v5 =	vmul.f32 v58, v20;
	v63 =	vor.u32 $0xA, v31;
	v58 =	vld.idx.msk [tilespmem:v48+s31+$0x0], $0xffff  }
0xec: {  	v30 =	vmul.f32 v30, v20;
	v19 =	vmul.f32 v19, v20;
	v40 =	vor.u32 $0xB, v31;
	v62 =	vld.idx.msk [tilespmem:v52+s31+$0x0], $0xffff  }
0xed: {  	v29 =	vmul.f32 v43, v20;
	v41 =	vor.u32 $0xC, v31;
	v25 =	vmul.f32 v44, v20;
	v22 =	vld.idx.msk [tilespmem:v54+s31+$0x0], $0xffff  }
0xee: {  	v18 =	vadd.f32 v33, v18;
	v3 =	vadd.f32 v49, v57;
	v57 =	vor.u32 $0x7, v31;
	v43 =	vld.idx.msk [tilespmem:v59+s31+$0x0], $0xffff  }
0xef: {  	v5 =	vadd.f32 v5, v8;
	v17 =	vadd.f32 v25, v17;
	v8 =	vld.idx.msk [tilespmem:v60+s31+$0x0], $0xffff;
	v25 =	vshll.u32 v61, $0x4  }
0xf0: {  	v4 =	vadd.f32 v4, v9;
	v42 =	vmul.f32 v45, v20;
	v45 =	vld.idx.msk [tilespmem:v63+s31+$0x0], $0xffff;
	v46 =	vor.u32 $0x1, v25  }
0xf1: {  	v2 =	vadd.f32 v14, v2;
	v7 =	vadd.f32 v55, v7;
	v47 =	vld.idx.msk [tilespmem:v40+s31+$0x0], $0xffff;
	v28 =	vor.u32 $0x2, v25  }
0xf2: {  	v10 =	vadd.f32 v30, v10;
	v12 =	vadd.f32 v19, v12;
	v48 =	vld.idx.msk [tilespmem:v41+s31+$0x0], $0xffff;
	v49 =	vor.u32 $0x3, v25  }
0xf3: {  	v21 =	vmul.f32 v21, v20;
	v44 =	vmul.f32 v24, v20;
	v55 =	vor.u32 $0x6, v25;
	v34 =	vld.idx.msk [tilespmem:v57+s31+$0x0], $0xffff  }
0xf4: {  	v6 =	vadd.f32 v29, v6;
	v23 =	vmul.f32 v23, v20;
	v60 =	vor.u32 $0x8, v25;
	v52 =	vld.idx.msk [tilespmem:v25+s31+$0x0], $0xffff  }
0xf5: {  	v15 =	vadd.f32 v21, v15;
	v13 =	vadd.f32 v44, v13;
	v63 =	vor.u32 $0xA, v25;
	v24 =	vld.idx.msk [tilespmem:v46+s31+$0x0], $0xffff  }
0xf6: {  	v44 =	vor.u32 $0xE, v31;
	v11 =	vadd.f32 v23, v11;
	v26 =	vmul.f32 v50, v0;
	v57 =	vld.idx.msk [tilespmem:v28+s31+$0x0], $0xffff  }
0xf7: {  	v16 =	vadd.f32 v42, v16;
	v9 =	vmul.f32 v51, v0;
	v14 =	vmul.f32 v53, v0;
	v59 =	vld.idx.msk [tilespmem:v49+s31+$0x0], $0xffff  }
0xf8: {  	v50 =	vor.u32 $0x4, v25;
	v51 =	vmul.f32 v56, v0;
	v54 =	vmul.f32 v58, v0;
	v38 =	vld.idx.msk [tilespmem:v55+s31+$0x0], $0xffff  }
0xf9: {  	v53 =	vor.u32 $0x5, v25;
	v21 =	vmul.f32 v62, v0;
	v56 =	vmul.f32 v22, v0;
	v42 =	vld.idx.msk [tilespmem:v60+s31+$0x0], $0xffff  }
0xfa: {  	v58 =	vor.u32 $0x7, v25;
	v23 =	vmul.f32 v43, v0;
	v37 =	vmul.f32 v47, v0;
	v47 =	vld.idx.msk [tilespmem:v63+s31+$0x0], $0xffff  }
0xfb: {  	v62 =	vor.u32 $0x9, v25;
	v8 =	vmul.f32 v8, v0;
	v36 =	vmul.f32 v45, v0;
	v49 =	vld [tilespmem:s5+$0x0]  }
0xfc: {  	v39 =	vmul.f32 v48, v0;
	v1 =	vadd.f32 v26, v1;
	v9 =	vadd.f32 v9, v18;
	v18 =	vld [tilespmem:s5+$0x6E60]  }
0xfd: {  	v48 =	vor.u32 $0xB, v25;
	v4 =	vadd.f32 v14, v4;
	v2 =	vadd.f32 v51, v2;
	v51 =	vld [tilespmem:s5+$0x620]  }
0xfe: {  	v43 =	vor.u32 $0xD, v31;
	v3 =	vadd.f32 v54, v3;
	v7 =	vadd.f32 v21, v7;
	v26 =	vld.idx.msk [tilespmem:v50+s31+$0x0], $0xffff  }
0xff: {  	v55 =	vor.u32 $0xC, v25;
	v5 =	vadd.f32 v56, v5;
	v10 =	vadd.f32 v23, v10;
	v32 =	vld.idx.msk [tilespmem:v53+s31+$0x0], $0xffff  }
0x100: {  	v61 =	vmul.f32 v34, v0;
	v8 =	vadd.f32 v8, v11;
	v12 =	vadd.f32 v36, v12;
	v40 =	vld.idx.msk [tilespmem:v58+s31+$0x0], $0xffff  }
0x101: {  	v6 =	vadd.f32 v37, v6;
	v11 =	vadd.f32 v39, v17;
	v45 =	vld.idx.msk [tilespmem:v62+s31+$0x0], $0xffff;
	v41 =	vmul.f32 v52, v18  }
0x102: {  	v56 =	vor.u32 $0xD, v25;
	v58 =	vld.idx.msk [tilespmem:v48+s31+$0x0], $0xffff;
	v46 =	vmul.f32 v24, v18;
	v22 =	vmul.f32 v57, v18  }
0x103: {  	v25 =	vor.u32 $0xE, v25;
	v17 =	vld.idx.msk [tilespmem:v43+s31+$0x0], $0xffff;
	v21 =	vmul.f32 v59, v18;
	v52 =	vmul.f32 v38, v18  }
0x104: {  	v23 =	vld.idx.msk [tilespmem:v44+s31+$0x0], $0xffff;
	v14 =	vadd.f32 v61, v15;
	v20 =	vmul.f32 v42, v18;
	v59 =	vmul.f32 v47, v18  }
0x105: {  	v53 =	vld [tilespmem:s5+$0xC40];
	v1 =	vadd.f32 v41, v1;
	v26 =	vmul.f32 v26, v18;
	v9 =	vadd.f32 v46, v9  }
0x106: {  	v4 =	vadd.f32 v22, v4;
	v2 =	vadd.f32 v21, v2;
	v50 =	vmul.f32 v32, v18  }
0x107: {  	v60 =	vld.idx.msk [tilespmem:v55+s31+$0x0], $0xffff;
	v5 =	vadd.f32 v52, v5;
	v54 =	vmul.f32 v40, v18;
	v57 =	vmul.f32 v45, v18  }
0x108: {  	v61 =	vld.idx.msk [tilespmem:v56+s31+$0x0], $0xffff;
	v10 =	vadd.f32 v20, v10;
	v63 =	vmul.f32 v58, v18;
	v30 =	vmul.f32 v17, v0  }
0x109: {  	v24 =	vld.idx.msk [tilespmem:v25+s31+$0x0], $0xffff;
	v12 =	vadd.f32 v59, v12;
	v0 =	vmul.f32 v23, v0;
	v1 =	vmul.f32 v49, v1  }
0x10a: {  	v3 =	vadd.f32 v26, v3;
	v9 =	vmul.f32 v51, v9;
	v4 =	vmul.f32 v53, v4  }
0x10b: {  	v2 =	vmul.f32 v49, v2;
	v5 =	vmul.f32 v49, v5;
	v7 =	vadd.f32 v50, v7  }
0x10c: {  	v33 =	vmul.f32 v60, v18;
	v14 =	vadd.f32 v54, v14;
	v8 =	vadd.f32 v57, v8  }
0x10d: {  	v6 =	vadd.f32 v63, v6;
	v32 =	vadd.f32 v30, v16;
	v34 =	vmul.f32 v61, v18  }
0x10e: {  	v29 =	vld [tilespmem:s5+$0x1290];
	v0 =	vadd.f32 v0, v13;
	v37 =	vmul.f32 v24, v18;
	v3 =	vmul.f32 v51, v3  }
0x10f: {  	v1 =	vadd.f32 v9, v1;
	v36 =	vadd.f32 v33, v11;
	v62 =	vmul.f32 v51, v14  }
0x110: {  	v25 =	vmul.f32 v53, v7;
	v0 =	vadd.f32 v37, v0;
	v2 =	vadd.f32 v3, v2  }
0x111: {  	v28 =	vmul.f32 v53, v10;
	v1 =	vadd.f32 v4, v1;
	v27 =	vadd.f32 v62, v5  }
0x112: {  	v4 =	vadd.f32 v34, v32;
	[tilespmem:s5+$0xC700] =	vst v36;
	v2 =	vadd.f32 v25, v2  }
0x113: {  	v38 =	vshll.u32 v29, $0x4;
	[tilespmem:s5+$0xD340] =	vst v0;
	v1 =	vadd.f32 v1, v8;
	v31 =	vadd.f32 v28, v27  }
0x114: {  	v39 =	vor.u32 $0x1, v38;
	[tilespmem:s5+$0xCD20] =	vst v4;
	v2 =	vadd.f32 v2, v12  }
0x115: {  	v56 =	vld [tilespmem:s5+$0x18B0];
	v40 =	vor.u32 $0x2, v38;
	[tilespmem:s5+$0xB480] =	vst v1;
	v35 =	vadd.f32 v31, v6  }
0x116: {  	v41 =	vor.u32 $0x3, v38;
	v20 =	vld [tilespmem:s5+$0x49B0];
	[tilespmem:s5+$0xBAA0] =	vst v2  }
0x117: {  	v42 =	vor.u32 $0x4, v38;
	v5 =	vld [tilespmem:s5+$0x4390];
	[tilespmem:s5+$0xC0C0] =	vst v35  }
0x118: {  	v7 =	vor.u32 $0x5, v38;
	v43 =	vld.idx.msk [tilespmem:v38+s31+$0x0], $0xffff  }
0x119: {  	v50 =	vor.u32 $0x6, v38;
	v1 =	vld.idx.msk [tilespmem:v39+s31+$0x0], $0xffff  }
0x11a: {  	v51 =	vor.u32 $0x7, v38;
	v3 =	vld.idx.msk [tilespmem:v40+s31+$0x0], $0xffff  }
0x11b: {  	v52 =	vor.u32 $0x8, v38;
	v4 =	vld.idx.msk [tilespmem:v41+s31+$0x0], $0xffff  }
0x11c: {  	v53 =	vor.u32 $0x9, v38;
	v0 =	vld.idx.msk [tilespmem:v42+s31+$0x0], $0xffff  }
0x11d: {  	v54 =	vor.u32 $0xA, v38;
	v7 =	vld.idx.msk [tilespmem:v7+s31+$0x0], $0xffff  }
0x11e: {  	v55 =	vor.u32 $0xB, v38;
	v8 =	vld.idx.msk [tilespmem:v50+s31+$0x0], $0xffff  }
0x11f: {  	v57 =	vor.u32 $0xC, v38;
	v9 =	vld.idx.msk [tilespmem:v51+s31+$0x0], $0xffff  }
0x120: {  	v58 =	vor.u32 $0xD, v38;
	v10 =	vld.idx.msk [tilespmem:v52+s31+$0x0], $0xffff  }
0x121: {  	v14 =	vshll.u32 v56, $0x4;
	v11 =	vld.idx.msk [tilespmem:v53+s31+$0x0], $0xffff  }
0x122: {  	v59 =	vor.u32 $0x1, v14;
	v12 =	vld.idx.msk [tilespmem:v54+s31+$0x0], $0xffff  }
0x123: {  	v60 =	vor.u32 $0x2, v14;
	v13 =	vld.idx.msk [tilespmem:v55+s31+$0x0], $0xffff  }
0x124: {  	v61 =	vor.u32 $0x3, v14;
	v15 =	vld.idx.msk [tilespmem:v57+s31+$0x0], $0xffff  }
0x125: {  	v62 =	vor.u32 $0x4, v14;
	v16 =	vld.idx.msk [tilespmem:v58+s31+$0x0], $0xffff  }
0x126: {  	v44 =	vor.u32 $0x5, v14;
	v63 =	vld.idx.msk [tilespmem:v14+s31+$0x0], $0xffff  }
0x127: {  	v45 =	vor.u32 $0x6, v14;
	v17 =	vld.idx.msk [tilespmem:v59+s31+$0x0], $0xffff  }
0x128: {  	v18 =	vld.idx.msk [tilespmem:v60+s31+$0x0], $0xffff  }
0x129: {  	v46 =	vor.u32 $0x7, v14;
	v19 =	vld.idx.msk [tilespmem:v61+s31+$0x0], $0xffff  }
0x12a: {  	v47 =	vor.u32 $0x8, v14;
	v21 =	vld.idx.msk [tilespmem:v62+s31+$0x0], $0xffff  }
0x12b: {  	v48 =	vor.u32 $0x9, v14;
	v23 =	vld.idx.msk [tilespmem:v44+s31+$0x0], $0xffff  }
0x12c: {  	v49 =	vor.u32 $0xA, v14;
	v24 =	vld.idx.msk [tilespmem:v45+s31+$0x0], $0xffff  }
0x12d: {  	v2 =	vor.u32 $0xE, v38;
	v51 =	vld [tilespmem:s5+$0x1ED0]  }
0x12e: {  	v50 =	vor.u32 $0xB, v14;
	v25 =	vld.idx.msk [tilespmem:v46+s31+$0x0], $0xffff  }
0x12f: {  	v52 =	vor.u32 $0xC, v14;
	v26 =	vld.idx.msk [tilespmem:v47+s31+$0x0], $0xffff  }
0x130: {  	v53 =	vor.u32 $0xD, v14;
	v27 =	vld.idx.msk [tilespmem:v48+s31+$0x0], $0xffff  }
0x131: {  	v14 =	vor.u32 $0xE, v14;
	v28 =	vld.idx.msk [tilespmem:v49+s31+$0x0], $0xffff  }
0x132: {  	v2 =	vld.idx.msk [tilespmem:v2+s31+$0x0], $0xffff;
	v6 =	vmul.f32 v43, v5  }
0x133: {  	v1 =	vmul.f32 v1, v5;
	v3 =	vmul.f32 v3, v5;
	v29 =	vld.idx.msk [tilespmem:v50+s31+$0x0], $0xffff  }
0x134: {  	v4 =	vmul.f32 v4, v5;
	v0 =	vmul.f32 v0, v5;
	v31 =	vld.idx.msk [tilespmem:v52+s31+$0x0], $0xffff  }
0x135: {  	v30 =	vshll.u32 v51, $0x4;
	v7 =	vmul.f32 v7, v5;
	v32 =	vld.idx.msk [tilespmem:v53+s31+$0x0], $0xffff;
	v10 =	vmul.f32 v10, v5  }
0x136: {  	v8 =	vmul.f32 v8, v5;
	v14 =	vld.idx.msk [tilespmem:v14+s31+$0x0], $0xffff;
	v9 =	vmul.f32 v9, v5;
	v54 =	vor.u32 $0x1, v30  }
0x137: {  	v50 =	vld [tilespmem:s5+$0x24F0];
	v26 =	vmul.f32 v26, v20;
	v56 =	vor.u32 $0x2, v30;
	v10 =	vadd.f32 $0.0e+00, v10  }
0x138: {  	v11 =	vmul.f32 v11, v5;
	v57 =	vor.u32 $0x3, v30;
	v55 =	vadd.f32 $0.0e+00, v0;
	v0 =	vld [tilespmem:s5+$0x4FD0]  }
0x139: {  	v12 =	vmul.f32 v12, v5;
	v58 =	vor.u32 $0x4, v30;
	v10 =	vadd.f32 v26, v10;
	v26 =	vld [tilespmem:s5+$0x55F0]  }
0x13a: {  	v13 =	vmul.f32 v13, v5;
	v15 =	vmul.f32 v15, v5;
	v60 =	vor.u32 $0x5, v30;
	v59 =	vld.idx.msk [tilespmem:v30+s31+$0x0], $0xffff  }
0x13b: {  	v16 =	vmul.f32 v16, v5;
	v22 =	vmul.f32 v63, v20;
	v61 =	vor.u32 $0x6, v30;
	v33 =	vld.idx.msk [tilespmem:v54+s31+$0x0], $0xffff  }
0x13c: {  	v45 =	vmul.f32 v17, v20;
	v18 =	vmul.f32 v18, v20;
	v62 =	vor.u32 $0x7, v30;
	v35 =	vld.idx.msk [tilespmem:v56+s31+$0x0], $0xffff  }
0x13d: {  	v48 =	vmul.f32 v19, v20;
	v21 =	vmul.f32 v21, v20;
	v63 =	vor.u32 $0x8, v30;
	v36 =	vld.idx.msk [tilespmem:v57+s31+$0x0], $0xffff  }
0x13e: {  	v23 =	vmul.f32 v23, v20;
	v46 =	vor.u32 $0x9, v30;
	v6 =	vadd.f32 $0.0e+00, v6;
	v37 =	vld.idx.msk [tilespmem:v58+s31+$0x0], $0xffff  }
0x13f: {  	v24 =	vmul.f32 v24, v20;
	v47 =	vor.u32 $0xA, v30;
	v3 =	vadd.f32 $0.0e+00, v3;
	v17 =	vld.idx.msk [tilespmem:v60+s31+$0x0], $0xffff  }
0x140: {  	v25 =	vmul.f32 v25, v20;
	v49 =	vor.u32 $0xB, v30;
	v6 =	vadd.f32 v22, v6;
	v22 =	vld.idx.msk [tilespmem:v61+s31+$0x0], $0xffff  }
0x141: {  	v27 =	vmul.f32 v27, v20;
	v51 =	vor.u32 $0xC, v30;
	v3 =	vadd.f32 v18, v3;
	v18 =	vld.idx.msk [tilespmem:v62+s31+$0x0], $0xffff  }
0x142: {  	v52 =	vor.u32 $0xD, v30;
	v1 =	vadd.f32 $0.0e+00, v1;
	v2 =	vmul.f32 v2, v5;
	v5 =	vld.idx.msk [tilespmem:v63+s31+$0x0], $0xffff  }
0x143: {  	v28 =	vmul.f32 v28, v20;
	v4 =	vadd.f32 $0.0e+00, v4;
	v7 =	vadd.f32 $0.0e+00, v7;
	v39 =	vld.idx.msk [tilespmem:v46+s31+$0x0], $0xffff  }
0x144: {  	v8 =	vadd.f32 $0.0e+00, v8;
	v9 =	vadd.f32 $0.0e+00, v9;
	v30 =	vor.u32 $0xE, v30;
	v40 =	vld.idx.msk [tilespmem:v47+s31+$0x0], $0xffff  }
0x145: {  	v11 =	vadd.f32 $0.0e+00, v11;
	v12 =	vadd.f32 $0.0e+00, v12;
	v53 =	vshll.u32 v50, $0x4;
	v19 =	vld.idx.msk [tilespmem:v49+s31+$0x0], $0xffff  }
0x146: {  	v13 =	vadd.f32 $0.0e+00, v13;
	v8 =	vadd.f32 v24, v8;
	v24 =	vld.idx.msk [tilespmem:v51+s31+$0x0], $0xffff;
	v54 =	vor.u32 $0x1, v53  }
0x147: {  	v15 =	vadd.f32 $0.0e+00, v15;
	v21 =	vadd.f32 v21, v55;
	v34 =	vld.idx.msk [tilespmem:v52+s31+$0x0], $0xffff;
	v55 =	vor.u32 $0x2, v53  }
0x148: {  	v16 =	vadd.f32 $0.0e+00, v16;
	v1 =	vadd.f32 v45, v1;
	v56 =	vor.u32 $0x3, v53;
	v49 =	vld [tilespmem:s5+$0x2B10]  }
0x149: {  	v4 =	vadd.f32 v48, v4;
	v7 =	vadd.f32 v23, v7;
	v57 =	vor.u32 $0x4, v53;
	v30 =	vld.idx.msk [tilespmem:v30+s31+$0x0], $0xffff  }
0x14a: {  	v9 =	vadd.f32 v25, v9;
	v12 =	vadd.f32 v28, v12;
	v58 =	vor.u32 $0x5, v53;
	v28 =	vld.idx.msk [tilespmem:v53+s31+$0x0], $0xffff  }
0x14b: {  	v29 =	vmul.f32 v29, v20;
	v31 =	vmul.f32 v31, v20;
	v43 =	vor.u32 $0x6, v53;
	v25 =	vld.idx.msk [tilespmem:v54+s31+$0x0], $0xffff  }
0x14c: {  	v14 =	vmul.f32 v14, v20;
	v2 =	vadd.f32 $0.0e+00, v2;
	v60 =	vor.u32 $0x7, v53;
	v38 =	vld.idx.msk [tilespmem:v55+s31+$0x0], $0xffff  }
0x14d: {  	v32 =	vmul.f32 v32, v20;
	v61 =	vor.u32 $0x8, v53;
	v15 =	vadd.f32 v31, v15;
	v31 =	vld.idx.msk [tilespmem:v56+s31+$0x0], $0xffff  }
0x14e: {  	v45 =	vor.u32 $0x9, v53;
	v47 =	vor.u32 $0xA, v53;
	v2 =	vadd.f32 v14, v2;
	v14 =	vld.idx.msk [tilespmem:v57+s31+$0x0], $0xffff  }
0x14f: {  	v50 =	vor.u32 $0xC, v53;
	v13 =	vadd.f32 v29, v13;
	v59 =	vmul.f32 v59, v0;
	v29 =	vld.idx.msk [tilespmem:v58+s31+$0x0], $0xffff  }
0x150: {  	v48 =	vor.u32 $0xB, v53;
	v62 =	vmul.f32 v33, v0;
	v63 =	vmul.f32 v35, v0;
	v46 =	vld.idx.msk [tilespmem:v43+s31+$0x0], $0xffff  }
0x151: {  	v16 =	vadd.f32 v32, v16;
	v36 =	vmul.f32 v36, v0;
	v37 =	vmul.f32 v37, v0;
	v32 =	vld.idx.msk [tilespmem:v60+s31+$0x0], $0xffff  }
0x152: {  	v51 =	vor.u32 $0xD, v53;
	v17 =	vmul.f32 v17, v0;
	v22 =	vmul.f32 v22, v0;
	v20 =	vld.idx.msk [tilespmem:v61+s31+$0x0], $0xffff  }
0x153: {  	v23 =	vor.u32 $0xE, v53;
	v18 =	vmul.f32 v18, v0;
	v5 =	vmul.f32 v5, v0;
	v35 =	vld.idx.msk [tilespmem:v45+s31+$0x0], $0xffff  }
0x154: {  	v11 =	vadd.f32 v27, v11;
	v52 =	vmul.f32 v39, v0;
	v53 =	vmul.f32 v40, v0;
	v54 =	vld.idx.msk [tilespmem:v50+s31+$0x0], $0xffff  }
0x155: {  	v19 =	vmul.f32 v19, v0;
	v24 =	vmul.f32 v24, v0;
	v7 =	vadd.f32 v17, v7;
	v17 =	vld.idx.msk [tilespmem:v47+s31+$0x0], $0xffff  }
0x156: {  	v9 =	vadd.f32 v18, v9;
	v5 =	vadd.f32 v5, v10;
	v10 =	vld.idx.msk [tilespmem:v48+s31+$0x0], $0xffff;
	v18 =	vshll.u32 v49, $0x4  }
0x157: {  	v6 =	vadd.f32 v59, v6;
	v21 =	vadd.f32 v37, v21;
	v37 =	vld.idx.msk [tilespmem:v51+s31+$0x0], $0xffff;
	v55 =	vor.u32 $0x1, v18  }
0x158: {  	v59 =	vmul.f32 v34, v0;
	v8 =	vadd.f32 v22, v8;
	v22 =	vld.idx.msk [tilespmem:v23+s31+$0x0], $0xffff;
	v56 =	vor.u32 $0x2, v18  }
0x159: {  	v1 =	vadd.f32 v62, v1;
	v13 =	vadd.f32 v19, v13;
	v19 =	vld [tilespmem:s5+$0x5C10];
	v57 =	vor.u32 $0x3, v18  }
0x15a: {  	v3 =	vadd.f32 v63, v3;
	v4 =	vadd.f32 v36, v4;
	v49 =	vld [tilespmem:s5+$0x3130];
	v58 =	vor.u32 $0x4, v18  }
0x15b: {  	v11 =	vadd.f32 v52, v11;
	v60 =	vor.u32 $0x5, v18;
	v0 =	vmul.f32 v30, v0;
	v30 =	vld.idx.msk [tilespmem:v18+s31+$0x0], $0xffff  }
0x15c: {  	v12 =	vadd.f32 v53, v12;
	v15 =	vadd.f32 v24, v15;
	v61 =	vor.u32 $0x6, v18;
	v36 =	vld.idx.msk [tilespmem:v55+s31+$0x0], $0xffff  }
0x15d: {  	v16 =	vadd.f32 v59, v16;
	v42 =	vor.u32 $0x7, v18;
	v44 =	vor.u32 $0x8, v18;
	v63 =	vld.idx.msk [tilespmem:v56+s31+$0x0], $0xffff  }
0x15e: {  	v45 =	vor.u32 $0x9, v18;
	v47 =	vor.u32 $0xA, v18;
	v28 =	vmul.f32 v28, v26;
	v23 =	vld.idx.msk [tilespmem:v57+s31+$0x0], $0xffff  }
0x15f: {  	v48 =	vor.u32 $0xB, v18;
	v25 =	vmul.f32 v25, v26;
	v62 =	vmul.f32 v38, v26;
	v24 =	vld.idx.msk [tilespmem:v58+s31+$0x0], $0xffff  }
0x160: {  	v51 =	vor.u32 $0xC, v18;
	v43 =	vmul.f32 v31, v26;
	v14 =	vmul.f32 v14, v26;
	v31 =	vld.idx.msk [tilespmem:v60+s31+$0x0], $0xffff  }
0x161: {  	v52 =	vor.u32 $0xD, v18;
	v29 =	vmul.f32 v29, v26;
	v46 =	vmul.f32 v46, v26;
	v38 =	vld.idx.msk [tilespmem:v61+s31+$0x0], $0xffff  }
0x162: {  	v50 =	vmul.f32 v32, v26;
	v20 =	vmul.f32 v20, v26;
	v1 =	vadd.f32 v25, v1;
	v25 =	vld.idx.msk [tilespmem:v42+s31+$0x0], $0xffff  }
0x163: {  	v35 =	vmul.f32 v35, v26;
	v0 =	vadd.f32 v0, v2;
	v6 =	vadd.f32 v28, v6;
	v28 =	vld.idx.msk [tilespmem:v44+s31+$0x0], $0xffff  }
0x164: {  	v2 =	vadd.f32 v62, v3;
	v3 =	vadd.f32 v43, v4;
	v53 =	vmul.f32 v17, v26;
	v17 =	vld.idx.msk [tilespmem:v45+s31+$0x0], $0xffff  }
0x165: {  	v14 =	vadd.f32 v14, v21;
	v18 =	vor.u32 $0xE, v18;
	v5 =	vadd.f32 v20, v5;
	v20 =	vld.idx.msk [tilespmem:v47+s31+$0x0], $0xffff  }
0x166: {  	v54 =	vmul.f32 v54, v26;
	v7 =	vadd.f32 v29, v7;
	v4 =	vadd.f32 v46, v8;
	v32 =	vld.idx.msk [tilespmem:v51+s31+$0x0], $0xffff  }
0x167: {  	v8 =	vadd.f32 v50, v9;
	v21 =	vshll.u32 v49, $0x4;
	v57 =	vmul.f32 v22, v26;
	v22 =	vld.idx.msk [tilespmem:v52+s31+$0x0], $0xffff  }
0x168: {  	v11 =	vadd.f32 v35, v11;
	v56 =	vor.u32 $0x1, v21;
	v9 =	vadd.f32 v53, v12;
	v12 =	vld.idx.msk [tilespmem:v48+s31+$0x0], $0xffff  }
0x169: {  	v10 =	vmul.f32 v10, v26;
	v58 =	vor.u32 $0x2, v21;
	v0 =	vadd.f32 v57, v0;
	v57 =	vld [tilespmem:s5+$0x3750]  }
0x16a: {  	v15 =	vadd.f32 v54, v15;
	v55 =	vmul.f32 v37, v26;
	v59 =	vor.u32 $0x3, v21;
	v18 =	vld.idx.msk [tilespmem:v18+s31+$0x0], $0xffff  }
0x16b: {  	v61 =	vor.u32 $0x4, v21;
	v42 =	vor.u32 $0x6, v21;
	v60 =	vmul.f32 v30, v19;
	v30 =	vld [tilespmem:s5+$0x6230]  }
0x16c: {  	v45 =	vor.u32 $0x7, v21;
	v49 =	vor.u32 $0x8, v21;
	v62 =	vmul.f32 v36, v19;
	v36 =	vld.idx.msk [tilespmem:v21+s31+$0x0], $0xffff  }
0x16d: {  	v52 =	vor.u32 $0x9, v21;
	v54 =	vor.u32 $0xA, v21;
	v27 =	vmul.f32 v63, v19;
	v41 =	vld.idx.msk [tilespmem:v56+s31+$0x0], $0xffff  }
0x16e: {  	v10 =	vadd.f32 v10, v13;
	v40 =	vmul.f32 v23, v19;
	v26 =	vld.idx.msk [tilespmem:v58+s31+$0x0], $0xffff;
	v43 =	vmul.f32 v24, v19  }
0x16f: {  	v16 =	vadd.f32 v55, v16;
	v44 =	vld.idx.msk [tilespmem:v59+s31+$0x0], $0xffff;
	v46 =	vmul.f32 v31, v19;
	v47 =	vmul.f32 v38, v19  }
0x170: {  	v63 =	vor.u32 $0x5, v21;
	v48 =	vld.idx.msk [tilespmem:v61+s31+$0x0], $0xffff;
	v50 =	vmul.f32 v25, v19;
	v55 =	vmul.f32 v28, v19  }
0x171: {  	v53 =	vld.idx.msk [tilespmem:v42+s31+$0x0], $0xffff;
	v56 =	vor.u32 $0xB, v21;
	v17 =	vmul.f32 v17, v19;
	v20 =	vmul.f32 v20, v19  }
0x172: {  	v24 =	vld.idx.msk [tilespmem:v45+s31+$0x0], $0xffff;
	v58 =	vor.u32 $0xC, v21;
	v6 =	vadd.f32 v60, v6;
	v35 =	vadd.f32 v62, v1  }
0x173: {  	v61 =	vor.u32 $0xD, v21;
	v29 =	vld.idx.msk [tilespmem:v54+s31+$0x0], $0xffff;
	v2 =	vadd.f32 v27, v2;
	v3 =	vadd.f32 v40, v3  }
0x174: {  	v32 =	vmul.f32 v32, v19;
	v60 =	vld.idx.msk [tilespmem:v49+s31+$0x0], $0xffff;
	v14 =	vadd.f32 v43, v14;
	v7 =	vadd.f32 v46, v7  }
0x175: {  	v22 =	vmul.f32 v22, v19;
	v4 =	vadd.f32 v47, v4;
	v8 =	vadd.f32 v50, v8;
	v62 =	vld.idx.msk [tilespmem:v52+s31+$0x0], $0xffff  }
0x176: {  	v59 =	vmul.f32 v12, v19;
	v5 =	vadd.f32 v55, v5;
	v11 =	vadd.f32 v17, v11;
	v51 =	vld.idx.msk [tilespmem:v63+s31+$0x0], $0xffff  }
0x177: {  	v9 =	vadd.f32 v20, v9;
	v1 =	vshll.u32 v57, $0x4;
	v15 =	vadd.f32 v32, v15;
	v28 =	vld.idx.msk [tilespmem:v56+s31+$0x0], $0xffff  }
0x178: {  	v16 =	vadd.f32 v22, v16;
	v10 =	vadd.f32 v59, v10;
	v38 =	vor.u32 $0x1, v1;
	v37 =	vld.idx.msk [tilespmem:v58+s31+$0x0], $0xffff  }
0x179: {  	v40 =	vor.u32 $0x2, v1;
	v34 =	vor.u32 $0x4, v1;
	v18 =	vmul.f32 v18, v19;
	v39 =	vld.idx.msk [tilespmem:v61+s31+$0x0], $0xffff  }
0x17a: {  	v47 =	vor.u32 $0x6, v1;
	v49 =	vor.u32 $0x7, v1;
	v45 =	vmul.f32 v53, v30;
	v53 =	vld [tilespmem:s5+$0x3D70]  }
0x17b: {  	v52 =	vor.u32 $0x9, v1;
	v55 =	vor.u32 $0xA, v1;
	v18 =	vadd.f32 v18, v0;
	v0 =	vld [tilespmem:s5+$0x6850]  }
0x17c: {  	v63 =	vor.u32 $0xE, v21;
	v36 =	vmul.f32 v36, v30;
	v23 =	vmul.f32 v41, v30;
	v42 =	vld.idx.msk [tilespmem:v1+s31+$0x0], $0xffff  }
0x17d: {  	v26 =	vmul.f32 v26, v30;
	v41 =	vor.u32 $0x3, v1;
	v13 =	vmul.f32 v44, v30;
	v43 =	vld.idx.msk [tilespmem:v38+s31+$0x0], $0xffff  }
0x17e: {  	v31 =	vmul.f32 v48, v30;
	v44 =	vor.u32 $0x5, v1;
	v24 =	vmul.f32 v24, v30;
	v46 =	vld.idx.msk [tilespmem:v40+s31+$0x0], $0xffff  }
0x17f: {  	v54 =	vmul.f32 v29, v30;
	v6 =	vadd.f32 v36, v6;
	v23 =	vadd.f32 v23, v35;
	v50 =	vld.idx.msk [tilespmem:v34+s31+$0x0], $0xffff  }
0x180: {  	v12 =	vmul.f32 v60, v30;
	v3 =	vadd.f32 v13, v3;
	v13 =	vadd.f32 v31, v14;
	v31 =	vld.idx.msk [tilespmem:v47+s31+$0x0], $0xffff  }
0x181: {  	v2 =	vadd.f32 v26, v2;
	v4 =	vadd.f32 v45, v4;
	v17 =	vmul.f32 v62, v30;
	v58 =	vld.idx.msk [tilespmem:v49+s31+$0x0], $0xffff  }
0x182: {  	v56 =	vor.u32 $0xB, v1;
	v8 =	vadd.f32 v24, v8;
	v5 =	vadd.f32 v12, v5;
	v12 =	vld.idx.msk [tilespmem:v52+s31+$0x0], $0xffff  }
0x183: {  	v59 =	vor.u32 $0xC, v1;
	v9 =	vadd.f32 v54, v9;
	v62 =	vld.idx.msk [tilespmem:v55+s31+$0x0], $0xffff;
	v11 =	vadd.f32 v17, v11  }
0x184: {  	v20 =	vld.idx.msk [tilespmem:v63+s31+$0x0], $0xffff;
	v25 =	vmul.f32 v51, v30;
	v51 =	vor.u32 $0x8, v1;
	v28 =	vmul.f32 v28, v30  }
0x185: {  	v48 =	vld.idx.msk [tilespmem:v41+s31+$0x0], $0xffff;
	v21 =	vmul.f32 v37, v30;
	v57 =	vmul.f32 v39, v30;
	v24 =	vshll.u32 v53, $0x4  }
0x186: {  	v22 =	vld.idx.msk [tilespmem:v44+s31+$0x0], $0xffff;
	v63 =	vor.u32 $0x1, v24;
	v37 =	vor.u32 $0x2, v24;
	v40 =	vor.u32 $0x3, v24  }
0x187: {  	v36 =	vld.idx.msk [tilespmem:v56+s31+$0x0], $0xffff;
	v44 =	vor.u32 $0x5, v24;
	v53 =	vor.u32 $0x9, v24;
	v7 =	vadd.f32 v25, v7  }
0x188: {  	v39 =	vld.idx.msk [tilespmem:v59+s31+$0x0], $0xffff;
	v56 =	vor.u32 $0xA, v24;
	v10 =	vadd.f32 v28, v10;
	v15 =	vadd.f32 v21, v15  }
0x189: {  	v16 =	vadd.f32 v57, v16;
	v61 =	vmul.f32 v42, v0;
	v25 =	vld [tilespmem:s5+$0x6E70];
	v14 =	vmul.f32 v43, v0  }
0x18a: {  	v42 =	vor.u32 $0x4, v24;
	v34 =	vmul.f32 v46, v0;
	v41 =	vmul.f32 v50, v0;
	v60 =	vld.idx.msk [tilespmem:v51+s31+$0x0], $0xffff  }
0x18b: {  	v45 =	vmul.f32 v31, v0;
	v46 =	vor.u32 $0x6, v24;
	v19 =	vmul.f32 v58, v0;
	v43 =	vld.idx.msk [tilespmem:v24+s31+$0x0], $0xffff  }
0x18c: {  	v12 =	vmul.f32 v12, v0;
	v54 =	vmul.f32 v62, v0;
	v6 =	vadd.f32 v61, v6;
	v26 =	vld.idx.msk [tilespmem:v63+s31+$0x0], $0xffff  }
0x18d: {  	v20 =	vmul.f32 v20, v30;
	v14 =	vadd.f32 v14, v23;
	v38 =	vmul.f32 v48, v0;
	v47 =	vld.idx.msk [tilespmem:v37+s31+$0x0], $0xffff  }
0x18e: {  	v2 =	vadd.f32 v34, v2;
	v22 =	vmul.f32 v22, v0;
	v13 =	vadd.f32 v41, v13;
	v50 =	vld.idx.msk [tilespmem:v40+s31+$0x0], $0xffff  }
0x18f: {  	v48 =	vor.u32 $0x7, v24;
	v4 =	vadd.f32 v45, v4;
	v51 =	vor.u32 $0x8, v24;
	v55 =	vld.idx.msk [tilespmem:v44+s31+$0x0], $0xffff  }
0x190: {  	v8 =	vadd.f32 v19, v8;
	v11 =	vadd.f32 v12, v11;
	v57 =	vmul.f32 v36, v0;
	v36 =	vld.idx.msk [tilespmem:v53+s31+$0x0], $0xffff  }
0x191: {  	v58 =	vmul.f32 v39, v0;
	v9 =	vadd.f32 v54, v9;
	v39 =	vor.u32 $0xB, v24;
	v52 =	vld.idx.msk [tilespmem:v42+s31+$0x0], $0xffff  }
0x192: {  	v40 =	vor.u32 $0xD, v1;
	v1 =	vor.u32 $0xE, v1;
	v3 =	vadd.f32 v38, v3;
	v38 =	vld.idx.msk [tilespmem:v56+s31+$0x0], $0xffff  }
0x193: {  	v18 =	vadd.f32 v20, v18;
	v7 =	vadd.f32 v22, v7;
	v42 =	vld [tilespmem:s5+$0x10];
	v49 =	vmul.f32 v60, v0  }
0x194: {  	v10 =	vadd.f32 v57, v10;
	v59 =	vld.idx.msk [tilespmem:v46+s31+$0x0], $0xffff;
	v60 =	vmul.f32 v43, v25;
	v61 =	vmul.f32 v26, v25  }
0x195: {  	v63 =	vadd.f32 v58, v15;
	v62 =	vld.idx.msk [tilespmem:v48+s31+$0x0], $0xffff;
	v31 =	vmul.f32 v47, v25;
	v35 =	vmul.f32 v50, v25  }
0x196: {  	v46 =	vor.u32 $0xC, v24;
	v34 =	vld.idx.msk [tilespmem:v51+s31+$0x0], $0xffff;
	v41 =	vmul.f32 v55, v25;
	v48 =	vmul.f32 v36, v25  }
0x197: {  	v44 =	vld [tilespmem:s5+$0x630];
	v50 =	vor.u32 $0xD, v24;
	v24 =	vor.u32 $0xE, v24;
	v5 =	vadd.f32 v49, v5  }
0x198: {  	v47 =	vld [tilespmem:s5+$0xC50];
	v6 =	vadd.f32 v60, v6;
	v37 =	vmul.f32 v52, v25;
	v14 =	vadd.f32 v61, v14  }
0x199: {  	v51 =	vld.idx.msk [tilespmem:v40+s31+$0x0], $0xffff;
	v19 =	vmul.f32 v38, v25;
	v2 =	vadd.f32 v31, v2;
	v3 =	vadd.f32 v35, v3  }
0x19a: {  	v1 =	vld.idx.msk [tilespmem:v1+s31+$0x0], $0xffff;
	v43 =	vmul.f32 v59, v25;
	v7 =	vadd.f32 v41, v7;
	v6 =	vmul.f32 v42, v6  }
0x19b: {  	v49 =	vld.idx.msk [tilespmem:v39+s31+$0x0], $0xffff;
	v13 =	vadd.f32 v37, v13;
	v26 =	vmul.f32 v62, v25;
	v45 =	vmul.f32 v34, v25  }
0x19c: {  	v11 =	vadd.f32 v48, v11;
	v52 =	vld.idx.msk [tilespmem:v46+s31+$0x0], $0xffff;
	v14 =	vmul.f32 v44, v14;
	v3 =	vmul.f32 v42, v3  }
0x19d: {  	v9 =	vadd.f32 v19, v9;
	v13 =	vmul.f32 v44, v13;
	v2 =	vmul.f32 v47, v2  }
0x19e: {  	v4 =	vadd.f32 v43, v4;
	v7 =	vmul.f32 v47, v7;
	v57 =	vmul.f32 v51, v0  }
0x19f: {  	v54 =	vld.idx.msk [tilespmem:v50+s31+$0x0], $0xffff;
	v0 =	vmul.f32 v1, v0;
	v8 =	vadd.f32 v26, v8;
	v5 =	vadd.f32 v45, v5  }
0x1a0: {  	v55 =	vld.idx.msk [tilespmem:v24+s31+$0x0], $0xffff;
	v4 =	vmul.f32 v42, v4;
	v6 =	vadd.f32 v14, v6;
	v53 =	vmul.f32 v49, v25  }
0x1a1: {  	v3 =	vadd.f32 v13, v3;
	v58 =	vmul.f32 v52, v25;
	v59 =	vadd.f32 v57, v16  }
0x1a2: {  	v0 =	vadd.f32 v0, v18;
	v8 =	vmul.f32 v44, v8;
	v2 =	vadd.f32 v2, v6  }
0x1a3: {  	v5 =	vmul.f32 v47, v5;
	v3 =	vadd.f32 v7, v3;
	v1 =	vadd.f32 v58, v63  }
0x1a4: {  	v4 =	vadd.f32 v8, v4;
	v2 =	vadd.f32 v2, v11;
	v60 =	vmul.f32 v54, v25  }
0x1a5: {  	p0 =	sne.s32 s4, $0x1800;
	v56 =	vadd.f32 v53, v10;
	v62 =	vmul.f32 v55, v25;
	v3 =	vadd.f32 v3, v9;
	[tilespmem:s5+$0xC710] =	vst v1  }
.Ltmp0:
0x1a6: {  	v4 =	vadd.f32 v5, v4;
	[tilespmem:s5+$0xB490] =	vst v2;
	v63 =	vadd.f32 v60, v59;
	(pc) =	sbr.rel @p0 .LBB2_2-.Ltmp0, $4  }
0x1a7: {  	v0 =	vadd.f32 v62, v0;
	[tilespmem:s5+$0xBAB0] =	vst v3  }
0x1a8: {  	v61 =	vadd.f32 v4, v56;
	[tilespmem:s5+$0xCD30] =	vst v63  }
0x1a9: {  	[tilespmem:s5+$0xD350] =	vst v0  }
0x1aa: {  	s3 =	sadd.s32 $0x20, s3;
	s4 =	sadd.s32 $0x80, s4;
	[tilespmem:s5+$0xC0D0] =	vst v61  }
0x1ab: {  	s3 =	simm.s32 $0xB480  }
0x1ac: {  	[hbm4b:s22+s1] =	stream.linear.scatter [tilespmem:s3], [sflag:$0x2], $0x620, $0x38;
	[tilespmem:$0xD980] =	vst v63  }
0x1ad: {  	_ =	swait.ge [sflag:s0], $0x620  }
0x1ae: {  	[sflag:s0] =	ssyncset.done $0x0  }
0x1af: {  	s5 =	simm.s32 $0xC700;
	[sflag:s0] =	ssyncadd.s32 $0xFFFFF9E0  }
0x1b0: {  	[hbm4b:s23+s1] =	stream.linear.scatter [tilespmem:s5], [sflag:$0x2], $0x620, $0x38;
	[tilespmem:$0xD980] =	vst v63  }
0x1b1: {  	_ =	swait.ge [sflag:s0], $0x620  }
0x1b2: {  	[sflag:s0] =	ssyncset.done $0x0  }
0x1b3: {  	s6 =	simm.s32 $0xBAA0;
	[sflag:s0] =	ssyncadd.s32 $0xFFFFF9E0  }
0x1b4: {  	[hbm4b:s24+s1] =	stream.linear.scatter [tilespmem:s6], [sflag:$0x2], $0x620, $0x38;
	[tilespmem:$0xD980] =	vst v63  }
0x1b5: {  	_ =	swait.ge [sflag:s0], $0x620  }
0x1b6: {  	[sflag:s0] =	ssyncset.done $0x0  }
0x1b7: {  	s4 =	simm.s32 $0xCD20;
	[sflag:s0] =	ssyncadd.s32 $0xFFFFF9E0  }
0x1b8: {  	[hbm4b:s25+s1] =	stream.linear.scatter [tilespmem:s4], [sflag:$0x2], $0x620, $0x38;
	[tilespmem:$0xD980] =	vst v63  }
0x1b9: {  	_ =	swait.ge [sflag:s0], $0x620  }
0x1ba: {  	[sflag:s0] =	ssyncset.done $0x0  }
0x1bb: {  	s5 =	simm.s32 $0xC0C0;
	[sflag:s0] =	ssyncadd.s32 $0xFFFFF9E0  }
0x1bc: {  	[hbm4b:s26+s1] =	stream.linear.scatter [tilespmem:s5], [sflag:$0x2], $0x620, $0x38;
	[tilespmem:$0xD980] =	vst v63  }
0x1bd: {  	s2 =	sadd.s32 $0x1, s2;
	_ =	swait.ge [sflag:s0], $0x620  }
0x1be: {  	p0 =	sne.s32 s2, s30;
	[sflag:s0] =	ssyncset.done $0x0  }
.Ltmp1:
0x1bf: {  	s6 =	simm.s32 $0xD340;
	[sflag:s0] =	ssyncadd.s32 $0xFFFFF9E0;
	(pc) =	sbr.rel @p0 .LBB2_1-.Ltmp1, $4  }
0x1c0: {  	[hbm4b:s28+s1] =	stream.linear.scatter [tilespmem:s6], [sflag:$0x2], $0x620, $0x38;
	[tilespmem:$0xD980] =	vst v63  }
0x1c1: {  	_ =	swait.ge [sflag:s0], $0x620  }
0x1c2: {  	[sflag:s0] =	ssyncset.done $0x0  }
0x1c3: {  	[sflag:s0] =	ssyncadd.s32 $0xFFFFF9E0  }
0x1c4: {  	_ =	sfence.sel $0x180000  }
0x1c5: {  	[bflag:$0x0] =	sbarrier.arrive $0xFFFF  }
0x1c6: {  	_ =	strace $0x90000047  }
0x1c7: {  	s0 =	stileid.u32;
	[bflag:$0x2] =	sbarrier.arrive $0xFFFF  }
0x1c8: {  	p0 =	sne.s32 s0, $0x0;
	s0 =	rddreg [dreg:$0x3]  }
0x1c9: {  	s0 =	sadd.s32 @!p0 $0x100000, s0  }
0x1ca: {  	[sflag:s0] =	ssyncadd.tile.s32 @!p0 $0x1;
	_ =	shalt  }
.Lfunc_end2:
_tile_overlayer_lowered:
.L_overlay_start_2:
0x1cb: {  	(tag) =	ssettag $0x2  }
0x1cc: {  	s0 =	rddreg [dreg:$0x0];
	s2 =	stileid.u32  }
0x1cd: {  	s1 =	rddreg [dreg:$0x1];
	p0 =	sne.s32 s2, $0x0  }
0x1ce: {  	s3 =	rddreg [dreg:$0x2];
	[bflag:$0x3] =	sbarrier.arrive $0xFFFF;
	s2 =	simm.s32 @!p0 $0x1C02  }
0x1cf: {  	[timem:s3], [sflag:s2] =	dma.local @!p0 [hbm:s0], s1  }
0x1d0: {  	s0 =	simm.s32 @!p0 $0x2  }
0x1d1: {  	_ =	swait.ge @!p0 [sflag:s0], s1  }
0x1d2: {  	s1 =	ssub.s32 @!p0 $0x0, s1;
	[sflag:s0] =	ssyncset.done @!p0 $0x0  }
0x1d3: {  	[sflag:s0] =	ssyncadd.s32 @!p0 s1  }
0x1d4: {  	[bflag:$0x3] =	sbarrier.arrive $0xFFFF  }
0x1d5: {  	_ =	shalt  }

</sc_bundles>
